<compile_context>
chip_gen: v7x
topology: tpu7x:2x2x1
jax: 0.10.2.dev20260603
libtpu: 0.0.44.dev20260713+nightly
codegen_flags: <defaults>
</compile_context>

<pallas_src>
import functools

import jax
import jax.numpy as jnp
from jax import lax
from jax.experimental import pallas as pl
from jax.experimental.pallas import tpu as pltpu
from jax.experimental.pallas import tpu_sc as plsc

NC, NS, L = 2, 16, 16
NW = NC * NS
B, C, NBOX = 128, 4, 32768
RPW = B // NW
NEG_INF = -3.0e38

_MESH = plsc.VectorSubcoreMesh(
    core_axis_name="c", subcore_axis_name="s", num_cores=NC, num_subcores=NS)


def _insert3(m1, m2, m3, v):
  hi1 = jnp.maximum(m1, v)
  lo1 = jnp.minimum(m1, v)
  hi2 = jnp.maximum(m2, lo1)
  lo2 = jnp.minimum(m2, lo1)
  hi3 = jnp.maximum(m3, lo2)
  return hi1, hi2, hi3


def _sc_stage(class_preds, box_idxs, reg_preds, targ_flat):
  @functools.partial(
      pl.kernel,
      out_type=[
          jax.ShapeDtypeStruct((B * 4,), jnp.float32),
          jax.ShapeDtypeStruct((B * C,), jnp.float32),
      ],
      mesh=_MESH,
      compiler_params=pltpu.CompilerParams(needs_layout_passes=False),
      scratch_types=[
          pltpu.VMEM((NBOX,), jnp.float32),
          pltpu.VMEM((NBOX,), jnp.float32),
          pltpu.VMEM((NBOX,), jnp.float32),
          pltpu.VMEM((B,), jnp.int32),
          pltpu.VMEM((L,), jnp.float32),
          pltpu.VMEM((RPW, C, 128), jnp.float32),
          pltpu.VMEM((L,), jnp.float32),
          pltpu.SemaphoreType.DMA,
          pltpu.SemaphoreType.DMA,
      ],
  )
  def body(class_hbm, box_hbm, reg_hbm, targ_hbm, cand_out, sl1_out,
           row0_v, row1_v, row2_v, box_v, rot_v, regbuf_v, targ_v, sem, sem2):
    wid = lax.axis_index("s") * NC + lax.axis_index("c")
    lane = lax.iota(jnp.int32, L)
    bufs = (row0_v, row1_v, row2_v)
    row0 = wid * RPW

    copies = [None] * RPW
    for rl in range(3):
      copies[rl] = pltpu.async_copy(class_hbm.at[row0 + rl], bufs[rl], sem)
    targ_cp = pltpu.async_copy(targ_hbm.at[pl.ds(wid * L, L)], targ_v, sem2)
    pltpu.sync_copy(box_hbm, box_v)
    row_of_lane = row0 + (lane >> 2)
    boxes = plsc.load_gather(box_v, [row_of_lane])

    reg_copies = []
    for rl in range(RPW):
      posr = boxes[4 * rl]
      baser = pl.multiple_of((posr >> 7) << 7, 128)
      reg_copies.append(pltpu.async_copy(
          reg_hbm.at[row0 + rl, :, pl.ds(baser, 128)], regbuf_v.at[rl], sem2))

    def rotate(x, s):
      rot_v[...] = x
      return plsc.load_gather(rot_v, [(lane + s) & (L - 1)])

    UN = 16
    NACC = 4
    stage = jnp.zeros((L,), jnp.float32)
    for rl in range(RPW):
      if rl == 1:
        copies[3] = pltpu.async_copy(class_hbm.at[row0 + 3], bufs[0], sem)
      row_v = bufs[rl % 3]
      copies[rl].wait()
      pos = boxes[4 * rl]
      base = (pos >> 4) << 4
      off = pos & (L - 1)
      vec = row_v[pl.ds(base, L)]
      is_pos = lane == off
      xpos = jnp.max(jnp.where(is_pos, vec, NEG_INF))
      row_v[pl.ds(base, L)] = jnp.where(is_pos, NEG_INF, vec)

      def scan_body(jj, carry):
        accs = [carry[3 * a:3 * a + 3] for a in range(NACC)]
        base_j = jj * (UN * L)
        for u in range(UN):
          v = row_v[pl.ds(base_j + u * L, L)]
          a = u % NACC
          accs[a] = _insert3(*accs[a], v)
        return tuple(x for acc in accs for x in acc)

      init = (jnp.full((L,), NEG_INF, jnp.float32),) * (3 * NACC)
      fin = lax.fori_loop(0, NBOX // (UN * L), scan_body, init)
      m1, m2, m3 = fin[0], fin[1], fin[2]
      for a in range(1, NACC):
        m1, m2, m3 = _insert3(m1, m2, m3, fin[3 * a])
        m1, m2, m3 = _insert3(m1, m2, m3, fin[3 * a + 1])
        m1, m2, m3 = _insert3(m1, m2, m3, fin[3 * a + 2])

      for s in (8, 4, 2, 1):
        n1 = rotate(m1, s)
        n2 = rotate(m2, s)
        n3 = rotate(m3, s)
        m1, m2, m3 = _insert3(m1, m2, m3, n1)
        m1, m2, m3 = _insert3(m1, m2, m3, n2)
        m1, m2, m3 = _insert3(m1, m2, m3, n3)
      t1, t2, t3 = m1[0], m2[0], m3[0]

      stage = jnp.where(lane == 4 * rl, xpos, stage)
      stage = jnp.where(lane == 4 * rl + 1, t1, stage)
      stage = jnp.where(lane == 4 * rl + 2, t2, stage)
      stage = jnp.where(lane == 4 * rl + 3, t3, stage)

    rot_v[...] = stage
    pltpu.sync_copy(rot_v, cand_out.at[pl.ds(wid * L, L)])

    targ_cp.wait()
    for cp in reg_copies:
      cp.wait()
    val = plsc.load_gather(regbuf_v, [lane >> 2, lane & 3, boxes & 127])
    d = val - targ_v[...]
    ad = jnp.abs(d)
    targ_v[...] = jnp.where(ad < 1.0, 0.5 * d * d, ad - 0.5)
    pltpu.sync_copy(targ_v, sl1_out.at[pl.ds(wid * L, L)])

  return body(class_preds, box_idxs, reg_preds, targ_flat)


def _tc_finish(cand, sl1):
  def body(cand_ref, sl1_ref, out_ref):
    x = cand_ref[...]
    col = lax.broadcasted_iota(jnp.int32, x.shape, 1)
    t = jnp.where(col % 4 == 0, 1.0, 0.0)
    bce = jnp.maximum(x, 0.0) - x * t + jnp.log1p(jnp.exp(-jnp.abs(x)))
    total = jnp.sum(bce) + jnp.sum(sl1_ref[...])
    out_ref[...] = (total / jnp.float32(B * 4)).reshape(1, 1)

  out = pl.pallas_call(
      body,
      out_shape=jax.ShapeDtypeStruct((1, 1), jnp.float32),
  )(cand.reshape(4, B), sl1.reshape(4, B))
  return out


def kernel(class_preds, reg_preds, box_idxs, reg_targs):
  cand, sl1 = _sc_stage(
      class_preds,
      box_idxs,
      reg_preds,
      reg_targs.reshape(-1),
  )
  return _tc_finish(cand, sl1).reshape(())

# --- scband reference (transcript-rebuilt; emitter-appended) ---
"""Pipeline reference for scband-ssdloss-20504173871767 (READ-ONLY COPY).

The authoritative reference and input builder live on the scoring server;
editing this copy changes nothing except your own understanding.
"""

import jax, jax.numpy as jnp
import numpy as np


def setup_inputs(seed: int = 0) -> dict:
    key = jax.random.key(seed)
    k1, k2, k3, k4 = jax.random.split(key, 4)
    b, c, nbox = 128, 4, 32768
    class_preds = jax.random.normal(k1, (b, nbox), dtype=jnp.float32)
    reg_preds = jax.random.normal(k2, (b, c, nbox), dtype=jnp.float32)
    box_idxs = jax.random.randint(k3, (b,), 0, nbox, dtype=jnp.int32)
    reg_targs = jax.random.normal(k4, (b, c), dtype=jnp.float32)
    return {"class_preds": class_preds, "reg_preds": reg_preds, "box_idxs": box_idxs, "reg_targs": reg_targs}


def reference(class_preds, reg_preds, box_idxs, reg_targs):
    b = reg_targs.shape[0]
    c = reg_targs.shape[1]
    class_preds = class_preds.reshape(b, -1)
    reg_preds = reg_preds.reshape(b, c, -1)
    nbox = reg_preds.shape[2]
    rows = jnp.arange(b)
    # one-hot positive targets via scatter-overwrite
    class_targs = jnp.zeros((b, nbox), dtype=jnp.float32).at[rows, box_idxs].set(1.0)
    keep = class_targs > 0
    # hard negative mining: zero out positives, take top-3 confident negatives
    conf_preds = jax.nn.sigmoid(class_preds)
    conf_preds = jnp.where(keep, 0.0, conf_preds)
    _, topthree = jax.lax.top_k(conf_preds, 3)
    keep = keep.at[rows[:, None], topthree].set(True)
    # class loss: BCEWithLogitsLoss (mean) over kept elements
    x = class_preds
    t = class_targs
    bce = jnp.maximum(x, 0.0) - x * t + jnp.log1p(jnp.exp(-jnp.abs(x)))
    keep_f = keep.astype(jnp.float32)
    class_loss = jnp.sum(bce * keep_f) / jnp.sum(keep_f)
    # reg loss: SmoothL1Loss (mean, beta=1) on gathered positive boxes
    reg_sel = reg_preds[rows, :, box_idxs]
    d = reg_sel - reg_targs
    ad = jnp.abs(d)
    sl1 = jnp.where(ad < 1.0, 0.5 * d * d, ad - 0.5)
    reg_loss = jnp.mean(sl1)
    return class_loss + reg_loss

if __name__ == "__main__":
    import jax
    _d = setup_inputs()
    print(jax.jit(kernel)(*tuple(_d.values())))

</pallas_src>

<mosaic_0001>
#map = affine_map<(d0, d1) -> (0, 0)>
#map1 = affine_map<(d0, d1) -> (0)>
#map2 = affine_map<(d0, d1) -> (0, 0, 0)>
module attributes {stable_mosaic.version = 14 : i64} {
  func.func @body(%arg0: i32, %arg1: i32, %arg2: memref<128x32768xf32, #tpu.memory_space<hbm>>, %arg3: memref<128xi32, #tpu.memory_space<hbm>>, %arg4: memref<128x4x32768xf32, #tpu.memory_space<hbm>>, %arg5: memref<512xf32, #tpu.memory_space<hbm>>, %arg6: memref<512xf32, #tpu.memory_space<hbm>>, %arg7: memref<512xf32, #tpu.memory_space<hbm>>, %arg8: memref<32768xf32, #tpu.memory_space<vmem>>, %arg9: memref<32768xf32, #tpu.memory_space<vmem>>, %arg10: memref<32768xf32, #tpu.memory_space<vmem>>, %arg11: memref<128xi32, #tpu.memory_space<vmem>>, %arg12: memref<16xf32, #tpu.memory_space<vmem>>, %arg13: memref<4x4x128xf32, #tpu.memory_space<vmem>>, %arg14: memref<16xf32, #tpu.memory_space<vmem>>, %arg15: memref<!tpu.dma_semaphore, #tpu.memory_space<semaphore_mem>>, %arg16: memref<!tpu.dma_semaphore, #tpu.memory_space<semaphore_mem>>) attributes {dimension_semantics = [#tpu.dimension_semantics<core_parallel>, #tpu.dimension_semantics<subcore_parallel>], iteration_bounds = array<i64: 2, 16>, scalar_prefetch = 0 : i64, scratch_operands = 9 : i64, tpu.core_type = #tpu.core_type<sc_vector_subcore>, window_params = [{transform_indices = #map}, {transform_indices = #map1}, {transform_indices = #map2}, {transform_indices = #map1}, {transform_indices = #map1}, {transform_indices = #map1}]} {
    %mul3A = arith.constant 2 : i32
    %mul3A_0 = arith.muli %arg1, %mul3A : i32
    %add3A = arith.addi %mul3A_0, %arg0 : i32
    %iota3A = tpu.iota {dimensions = array<i32: 0>} : vector<16xi32>
    %mul3A_1 = arith.constant 4 : i32
    %mul3A_2 = arith.muli %add3A, %mul3A_1 : i32
    %add3A_3 = arith.constant 0 : i32
    %add3A_4 = arith.addi %mul3A_2, %add3A_3 : i32
    %dma_start3A = arith.constant 0 : i32
    %dma_start3A_5 = tpu.memref_slice %arg2[%add3A_4, %dma_start3A] : memref<128x32768xf32, #tpu.memory_space<hbm>> -> memref<1x32768xf32, #tpu.memory_space<hbm>>
    %dma_start3A_6 = tpu.memref_squeeze %dma_start3A_5 : memref<1x32768xf32, #tpu.memory_space<hbm>> -> memref<32768xf32, #tpu.memory_space<hbm>>
    %dma_start3A_7 = arith.constant 0 : i32
    %dma_start3A_8 = tpu.memref_slice %arg2[%add3A_4, %dma_start3A_7] : memref<128x32768xf32, #tpu.memory_space<hbm>> -> memref<1x32768xf32, #tpu.memory_space<hbm>>
    %dma_start3A_9 = tpu.memref_squeeze %dma_start3A_8 : memref<1x32768xf32, #tpu.memory_space<hbm>> -> memref<32768xf32, #tpu.memory_space<hbm>>
    tpu.enqueue_dma source(%dma_start3A_9 : memref<32768xf32, #tpu.memory_space<hbm>>) target(%arg8 : memref<32768xf32, #tpu.memory_space<vmem>>) target_semaphore(%arg15 : memref<!tpu.dma_semaphore, #tpu.memory_space<semaphore_mem>>)
    %add3A_10 = arith.constant 1 : i32
    %add3A_11 = arith.addi %mul3A_2, %add3A_10 : i32
    %dma_start3A_12 = arith.constant 0 : i32
    %dma_start3A_13 = tpu.memref_slice %arg2[%add3A_11, %dma_start3A_12] : memref<128x32768xf32, #tpu.memory_space<hbm>> -> memref<1x32768xf32, #tpu.memory_space<hbm>>
    %dma_start3A_14 = tpu.memref_squeeze %dma_start3A_13 : memref<1x32768xf32, #tpu.memory_space<hbm>> -> memref<32768xf32, #tpu.memory_space<hbm>>
    %dma_start3A_15 = arith.constant 0 : i32
    %dma_start3A_16 = tpu.memref_slice %arg2[%add3A_11, %dma_start3A_15] : memref<128x32768xf32, #tpu.memory_space<hbm>> -> memref<1x32768xf32, #tpu.memory_space<hbm>>
    %dma_start3A_17 = tpu.memref_squeeze %dma_start3A_16 : memref<1x32768xf32, #tpu.memory_space<hbm>> -> memref<32768xf32, #tpu.memory_space<hbm>>
    tpu.enqueue_dma source(%dma_start3A_17 : memref<32768xf32, #tpu.memory_space<hbm>>) target(%arg9 : memref<32768xf32, #tpu.memory_space<vmem>>) target_semaphore(%arg15 : memref<!tpu.dma_semaphore, #tpu.memory_space<semaphore_mem>>)
    %add3A_18 = arith.constant 2 : i32
    %add3A_19 = arith.addi %mul3A_2, %add3A_18 : i32
    %dma_start3A_20 = arith.constant 0 : i32
    %dma_start3A_21 = tpu.memref_slice %arg2[%add3A_19, %dma_start3A_20] : memref<128x32768xf32, #tpu.memory_space<hbm>> -> memref<1x32768xf32, #tpu.memory_space<hbm>>
    %dma_start3A_22 = tpu.memref_squeeze %dma_start3A_21 : memref<1x32768xf32, #tpu.memory_space<hbm>> -> memref<32768xf32, #tpu.memory_space<hbm>>
    %dma_start3A_23 = arith.constant 0 : i32
    %dma_start3A_24 = tpu.memref_slice %arg2[%add3A_19, %dma_start3A_23] : memref<128x32768xf32, #tpu.memory_space<hbm>> -> memref<1x32768xf32, #tpu.memory_space<hbm>>
    %dma_start3A_25 = tpu.memref_squeeze %dma_start3A_24 : memref<1x32768xf32, #tpu.memory_space<hbm>> -> memref<32768xf32, #tpu.memory_space<hbm>>
    tpu.enqueue_dma source(%dma_start3A_25 : memref<32768xf32, #tpu.memory_space<hbm>>) target(%arg10 : memref<32768xf32, #tpu.memory_space<vmem>>) target_semaphore(%arg15 : memref<!tpu.dma_semaphore, #tpu.memory_space<semaphore_mem>>)
    %mul3A_26 = arith.constant 16 : i32
    %mul3A_27 = arith.muli %add3A, %mul3A_26 : i32
    %dma_start3A_28 = tpu.memref_slice %arg5[%mul3A_27] : memref<512xf32, #tpu.memory_space<hbm>> -> memref<16xf32, #tpu.memory_space<hbm>>
    %dma_start3A_29 = tpu.memref_slice %arg5[%mul3A_27] : memref<512xf32, #tpu.memory_space<hbm>> -> memref<16xf32, #tpu.memory_space<hbm>>
    tpu.enqueue_dma source(%dma_start3A_29 : memref<16xf32, #tpu.memory_space<hbm>>) target(%arg14 : memref<16xf32, #tpu.memory_space<vmem>>) target_semaphore(%arg16 : memref<!tpu.dma_semaphore, #tpu.memory_space<semaphore_mem>>)
    "tpu.region"() ({
      %run_scoped3A = tpu.sem_alloc : memref<!tpu.dma_semaphore, #tpu.memory_space<semaphore_mem>>
      tpu.enqueue_dma source(%arg3 : memref<128xi32, #tpu.memory_space<hbm>>) target(%arg11 : memref<128xi32, #tpu.memory_space<vmem>>) target_semaphore(%run_scoped3A : memref<!tpu.dma_semaphore, #tpu.memory_space<semaphore_mem>>)
      tpu.wait_dma2 semaphore(%run_scoped3A : memref<!tpu.dma_semaphore, #tpu.memory_space<semaphore_mem>>) src(%arg3 : memref<128xi32, #tpu.memory_space<hbm>>) dst(%arg11 : memref<128xi32, #tpu.memory_space<vmem>>)
      tpu.yield
    }) : () -> ()
    %shift_right_arithmetic3A = arith.constant 2 : i32
    %shift_right_arithmetic3A_30 = vector.broadcast %shift_right_arithmetic3A : i32 to vector<16xi32>
    %shift_right_arithmetic3A_31 = arith.shrsi %iota3A, %shift_right_arithmetic3A_30 : vector<16xi32>
    %add3A_32 = vector.broadcast %mul3A_2 : i32 to vector<16xi32>
    %add3A_33 = arith.addi %add3A_32, %shift_right_arithmetic3A_31 : vector<16xi32>
    %gather3A = tpu.vector_load_idx %arg11[%add3A_33] : memref<128xi32, #tpu.memory_space<vmem>>[vector<16xi32>], vector<16xi32>,
    %slice3A = vector.extract_strided_slice %gather3A {offsets = [0], sizes = [1], strides = [1]} : vector<16xi32> to vector<1xi32>
    %squeeze3A = vector.extract %slice3A[0] : i32 from vector<1xi32>
    %shift_right_arithmetic3A_34 = arith.constant 7 : i32
    %shift_right_arithmetic3A_35 = arith.shrsi %squeeze3A, %shift_right_arithmetic3A_34 : i32
    %shift_left3A = arith.constant 7 : i32
    %shift_left3A_36 = arith.shli %shift_right_arithmetic3A_35, %shift_left3A : i32
    %multiple_of3A = tpu.assume_multiple %shift_left3A_36, 128 : i32
    %add3A_37 = arith.constant 0 : i32
    %add3A_38 = arith.addi %mul3A_2, %add3A_37 : i32
    %dma_start3A_39 = arith.constant 0 : i32
    %dma_start3A_40 = arith.constant 0 : i32
    %dma_start3A_41 = arith.constant 0 : i32
    %dma_start3A_42 = tpu.memref_slice %arg13[%dma_start3A_39, %dma_start3A_40, %dma_start3A_41] : memref<4x4x128xf32, #tpu.memory_space<vmem>> -> memref<1x4x128xf32, #tpu.memory_space<vmem>>
    %dma_start3A_43 = tpu.memref_squeeze %dma_start3A_42 : memref<1x4x128xf32, #tpu.memory_space<vmem>> -> memref<4x128xf32, #tpu.memory_space<vmem>>
    %dma_start3A_44 = arith.constant 0 : i32
    %dma_start3A_45 = tpu.memref_slice %arg4[%add3A_38, %dma_start3A_44, %multiple_of3A] : memref<128x4x32768xf32, #tpu.memory_space<hbm>> -> memref<1x4x128xf32, #tpu.memory_space<hbm>>
    %dma_start3A_46 = tpu.memref_squeeze %dma_start3A_45 : memref<1x4x128xf32, #tpu.memory_space<hbm>> -> memref<4x128xf32, #tpu.memory_space<hbm>>
    %dma_start3A_47 = arith.constant 0 : i32
    %dma_start3A_48 = arith.constant 0 : i32
    %dma_start3A_49 = tpu.memref_slice %arg13[%dma_start3A_39, %dma_start3A_47, %dma_start3A_48] : memref<4x4x128xf32, #tpu.memory_space<vmem>> -> memref<1x4x128xf32, #tpu.memory_space<vmem>>
    %dma_start3A_50 = tpu.memref_squeeze %dma_start3A_49 : memref<1x4x128xf32, #tpu.memory_space<vmem>> -> memref<4x128xf32, #tpu.memory_space<vmem>>
    %dma_start3A_51 = arith.constant 0 : i32
    %dma_start3A_52 = tpu.memref_slice %arg4[%add3A_38, %dma_start3A_51, %multiple_of3A] : memref<128x4x32768xf32, #tpu.memory_space<hbm>> -> memref<1x4x128xf32, #tpu.memory_space<hbm>>
    %dma_start3A_53 = tpu.memref_squeeze %dma_start3A_52 : memref<1x4x128xf32, #tpu.memory_space<hbm>> -> memref<4x128xf32, #tpu.memory_space<hbm>>
    tpu.enqueue_dma source(%dma_start3A_53 : memref<4x128xf32, #tpu.memory_space<hbm>>) target(%dma_start3A_50 : memref<4x128xf32, #tpu.memory_space<vmem>>) target_semaphore(%arg16 : memref<!tpu.dma_semaphore, #tpu.memory_space<semaphore_mem>>)
    %slice3A_54 = vector.extract_strided_slice %gather3A {offsets = [4], sizes = [1], strides = [1]} : vector<16xi32> to vector<1xi32>
    %squeeze3A_55 = vector.extract %slice3A_54[0] : i32 from vector<1xi32>
    %shift_right_arithmetic3A_56 = arith.constant 7 : i32
    %shift_right_arithmetic3A_57 = arith.shrsi %squeeze3A_55, %shift_right_arithmetic3A_56 : i32
    %shift_left3A_58 = arith.constant 7 : i32
    %shift_left3A_59 = arith.shli %shift_right_arithmetic3A_57, %shift_left3A_58 : i32
    %multiple_of3A_60 = tpu.assume_multiple %shift_left3A_59, 128 : i32
    %add3A_61 = arith.constant 1 : i32
    %add3A_62 = arith.addi %mul3A_2, %add3A_61 : i32
    %dma_start3A_63 = arith.constant 1 : i32
    %dma_start3A_64 = arith.constant 0 : i32
    %dma_start3A_65 = arith.constant 0 : i32
    %dma_start3A_66 = tpu.memref_slice %arg13[%dma_start3A_63, %dma_start3A_64, %dma_start3A_65] : memref<4x4x128xf32, #tpu.memory_space<vmem>> -> memref<1x4x128xf32, #tpu.memory_space<vmem>>
    %dma_start3A_67 = tpu.memref_squeeze %dma_start3A_66 : memref<1x4x128xf32, #tpu.memory_space<vmem>> -> memref<4x128xf32, #tpu.memory_space<vmem>>
    %dma_start3A_68 = arith.constant 0 : i32
    %dma_start3A_69 = tpu.memref_slice %arg4[%add3A_62, %dma_start3A_68, %multiple_of3A_60] : memref<128x4x32768xf32, #tpu.memory_space<hbm>> -> memref<1x4x128xf32, #tpu.memory_space<hbm>>
    %dma_start3A_70 = tpu.memref_squeeze %dma_start3A_69 : memref<1x4x128xf32, #tpu.memory_space<hbm>> -> memref<4x128xf32, #tpu.memory_space<hbm>>
    %dma_start3A_71 = arith.constant 0 : i32
    %dma_start3A_72 = arith.constant 0 : i32
    %dma_start3A_73 = tpu.memref_slice %arg13[%dma_start3A_63, %dma_start3A_71, %dma_start3A_72] : memref<4x4x128xf32, #tpu.memory_space<vmem>> -> memref<1x4x128xf32, #tpu.memory_space<vmem>>
    %dma_start3A_74 = tpu.memref_squeeze %dma_start3A_73 : memref<1x4x128xf32, #tpu.memory_space<vmem>> -> memref<4x128xf32, #tpu.memory_space<vmem>>
    %dma_start3A_75 = arith.constant 0 : i32
    %dma_start3A_76 = tpu.memref_slice %arg4[%add3A_62, %dma_start3A_75, %multiple_of3A_60] : memref<128x4x32768xf32, #tpu.memory_space<hbm>> -> memref<1x4x128xf32, #tpu.memory_space<hbm>>
    %dma_start3A_77 = tpu.memref_squeeze %dma_start3A_76 : memref<1x4x128xf32, #tpu.memory_space<hbm>> -> memref<4x128xf32, #tpu.memory_space<hbm>>
    tpu.enqueue_dma source(%dma_start3A_77 : memref<4x128xf32, #tpu.memory_space<hbm>>) target(%dma_start3A_74 : memref<4x128xf32, #tpu.memory_space<vmem>>) target_semaphore(%arg16 : memref<!tpu.dma_semaphore, #tpu.memory_space<semaphore_mem>>)
    %slice3A_78 = vector.extract_strided_slice %gather3A {offsets = [8], sizes = [1], strides = [1]} : vector<16xi32> to vector<1xi32>
    %squeeze3A_79 = vector.extract %slice3A_78[0] : i32 from vector<1xi32>
    %shift_right_arithmetic3A_80 = arith.constant 7 : i32
    %shift_right_arithmetic3A_81 = arith.shrsi %squeeze3A_79, %shift_right_arithmetic3A_80 : i32
    %shift_left3A_82 = arith.constant 7 : i32
    %shift_left3A_83 = arith.shli %shift_right_arithmetic3A_81, %shift_left3A_82 : i32
    %multiple_of3A_84 = tpu.assume_multiple %shift_left3A_83, 128 : i32
    %add3A_85 = arith.constant 2 : i32
    %add3A_86 = arith.addi %mul3A_2, %add3A_85 : i32
    %dma_start3A_87 = arith.constant 2 : i32
    %dma_start3A_88 = arith.constant 0 : i32
    %dma_start3A_89 = arith.constant 0 : i32
    %dma_start3A_90 = tpu.memref_slice %arg13[%dma_start3A_87, %dma_start3A_88, %dma_start3A_89] : memref<4x4x128xf32, #tpu.memory_space<vmem>> -> memref<1x4x128xf32, #tpu.memory_space<vmem>>
    %dma_start3A_91 = tpu.memref_squeeze %dma_start3A_90 : memref<1x4x128xf32, #tpu.memory_space<vmem>> -> memref<4x128xf32, #tpu.memory_space<vmem>>
    %dma_start3A_92 = arith.constant 0 : i32
    %dma_start3A_93 = tpu.memref_slice %arg4[%add3A_86, %dma_start3A_92, %multiple_of3A_84] : memref<128x4x32768xf32, #tpu.memory_space<hbm>> -> memref<1x4x128xf32, #tpu.memory_space<hbm>>
    %dma_start3A_94 = tpu.memref_squeeze %dma_start3A_93 : memref<1x4x128xf32, #tpu.memory_space<hbm>> -> memref<4x128xf32, #tpu.memory_space<hbm>>
    %dma_start3A_95 = arith.constant 0 : i32
    %dma_start3A_96 = arith.constant 0 : i32
    %dma_start3A_97 = tpu.memref_slice %arg13[%dma_start3A_87, %dma_start3A_95, %dma_start3A_96] : memref<4x4x128xf32, #tpu.memory_space<vmem>> -> memref<1x4x128xf32, #tpu.memory_space<vmem>>
    %dma_start3A_98 = tpu.memref_squeeze %dma_start3A_97 : memref<1x4x128xf32, #tpu.memory_space<vmem>> -> memref<4x128xf32, #tpu.memory_space<vmem>>
    %dma_start3A_99 = arith.constant 0 : i32
    %dma_start3A_100 = tpu.memref_slice %arg4[%add3A_86, %dma_start3A_99, %multiple_of3A_84] : memref<128x4x32768xf32, #tpu.memory_space<hbm>> -> memref<1x4x128xf32, #tpu.memory_space<hbm>>
    %dma_start3A_101 = tpu.memref_squeeze %dma_start3A_100 : memref<1x4x128xf32, #tpu.memory_space<hbm>> -> memref<4x128xf32, #tpu.memory_space<hbm>>
    tpu.enqueue_dma source(%dma_start3A_101 : memref<4x128xf32, #tpu.memory_space<hbm>>) target(%dma_start3A_98 : memref<4x128xf32, #tpu.memory_space<vmem>>) target_semaphore(%arg16 : memref<!tpu.dma_semaphore, #tpu.memory_space<semaphore_mem>>)
    %slice3A_102 = vector.extract_strided_slice %gather3A {offsets = [12], sizes = [1], strides = [1]} : vector<16xi32> to vector<1xi32>
    %squeeze3A_103 = vector.extract %slice3A_102[0] : i32 from vector<1xi32>
    %shift_right_arithmetic3A_104 = arith.constant 7 : i32
    %shift_right_arithmetic3A_105 = arith.shrsi %squeeze3A_103, %shift_right_arithmetic3A_104 : i32
    %shift_left3A_106 = arith.constant 7 : i32
    %shift_left3A_107 = arith.shli %shift_right_arithmetic3A_105, %shift_left3A_106 : i32
    %multiple_of3A_108 = tpu.assume_multiple %shift_left3A_107, 128 : i32
    %add3A_109 = arith.constant 3 : i32
    %add3A_110 = arith.addi %mul3A_2, %add3A_109 : i32
    %dma_start3A_111 = arith.constant 3 : i32
    %dma_start3A_112 = arith.constant 0 : i32
    %dma_start3A_113 = arith.constant 0 : i32
    %dma_start3A_114 = tpu.memref_slice %arg13[%dma_start3A_111, %dma_start3A_112, %dma_start3A_113] : memref<4x4x128xf32, #tpu.memory_space<vmem>> -> memref<1x4x128xf32, #tpu.memory_space<vmem>>
    %dma_start3A_115 = tpu.memref_squeeze %dma_start3A_114 : memref<1x4x128xf32, #tpu.memory_space<vmem>> -> memref<4x128xf32, #tpu.memory_space<vmem>>
    %dma_start3A_116 = arith.constant 0 : i32
    %dma_start3A_117 = tpu.memref_slice %arg4[%add3A_110, %dma_start3A_116, %multiple_of3A_108] : memref<128x4x32768xf32, #tpu.memory_space<hbm>> -> memref<1x4x128xf32, #tpu.memory_space<hbm>>
    %dma_start3A_118 = tpu.memref_squeeze %dma_start3A_117 : memref<1x4x128xf32, #tpu.memory_space<hbm>> -> memref<4x128xf32, #tpu.memory_space<hbm>>
    %dma_start3A_119 = arith.constant 0 : i32
    %dma_start3A_120 = arith.constant 0 : i32
    %dma_start3A_121 = tpu.memref_slice %arg13[%dma_start3A_111, %dma_start3A_119, %dma_start3A_120] : memref<4x4x128xf32, #tpu.memory_space<vmem>> -> memref<1x4x128xf32, #tpu.memory_space<vmem>>
    %dma_start3A_122 = tpu.memref_squeeze %dma_start3A_121 : memref<1x4x128xf32, #tpu.memory_space<vmem>> -> memref<4x128xf32, #tpu.memory_space<vmem>>
    %dma_start3A_123 = arith.constant 0 : i32
    %dma_start3A_124 = tpu.memref_slice %arg4[%add3A_110, %dma_start3A_123, %multiple_of3A_108] : memref<128x4x32768xf32, #tpu.memory_space<hbm>> -> memref<1x4x128xf32, #tpu.memory_space<hbm>>
    %dma_start3A_125 = tpu.memref_squeeze %dma_start3A_124 : memref<1x4x128xf32, #tpu.memory_space<hbm>> -> memref<4x128xf32, #tpu.memory_space<hbm>>
    tpu.enqueue_dma source(%dma_start3A_125 : memref<4x128xf32, #tpu.memory_space<hbm>>) target(%dma_start3A_122 : memref<4x128xf32, #tpu.memory_space<vmem>>) target_semaphore(%arg16 : memref<!tpu.dma_semaphore, #tpu.memory_space<semaphore_mem>>)
    %broadcast_in_dim3A = arith.constant 0.000000e+00 : f32
    %broadcast_in_dim3A_126 = vector.broadcast %broadcast_in_dim3A : f32 to vector<16xf32>
    %dma_wait3A = arith.constant 0 : i32
    %dma_wait3A_127 = tpu.memref_slice %arg2[%add3A_4, %dma_wait3A] : memref<128x32768xf32, #tpu.memory_space<hbm>> -> memref<1x32768xf32, #tpu.memory_space<hbm>>
    %dma_wait3A_128 = tpu.memref_squeeze %dma_wait3A_127 : memref<1x32768xf32, #tpu.memory_space<hbm>> -> memref<32768xf32, #tpu.memory_space<hbm>>
    %dma_wait3A_129 = arith.constant 0 : i32
    %dma_wait3A_130 = tpu.memref_slice %arg2[%add3A_4, %dma_wait3A_129] : memref<128x32768xf32, #tpu.memory_space<hbm>> -> memref<1x32768xf32, #tpu.memory_space<hbm>>
    %dma_wait3A_131 = tpu.memref_squeeze %dma_wait3A_130 : memref<1x32768xf32, #tpu.memory_space<hbm>> -> memref<32768xf32, #tpu.memory_space<hbm>>
    tpu.wait_dma2 semaphore(%arg15 : memref<!tpu.dma_semaphore, #tpu.memory_space<semaphore_mem>>) src(%dma_wait3A_131 : memref<32768xf32, #tpu.memory_space<hbm>>) dst(%arg8 : memref<32768xf32, #tpu.memory_space<vmem>>)
    %slice3A_132 = vector.extract_strided_slice %gather3A {offsets = [0], sizes = [1], strides = [1]} : vector<16xi32> to vector<1xi32>
    %squeeze3A_133 = vector.extract %slice3A_132[0] : i32 from vector<1xi32>
    %shift_right_arithmetic3A_134 = arith.constant 4 : i32
    %shift_right_arithmetic3A_135 = arith.shrsi %squeeze3A_133, %shift_right_arithmetic3A_134 : i32
    %shift_left3A_136 = arith.constant 4 : i32
    %shift_left3A_137 = arith.shli %shift_right_arithmetic3A_135, %shift_left3A_136 : i32
    %and3A = arith.constant 15 : i32
    %and3A_138 = arith.andi %squeeze3A_133, %and3A : i32
    %get3A = arith.index_cast %shift_left3A_137 : i32 to index
    %get3A_139 = tpu.vector_load %arg8[%get3A] {strides = array<i32>} : memref<32768xf32, #tpu.memory_space<vmem>>, vector<16xf32>,
    %eq3A = vector.broadcast %and3A_138 : i32 to vector<16xi32>
    %eq3A_140 = arith.cmpi eq, %iota3A, %eq3A : vector<16xi32>
    %jit3A = arith.constant -3.000000e+38 : f32
    %broadcast_in_dim3A_141 = vector.broadcast %jit3A : f32 to vector<16xf32>
    %select_n3A = arith.select %eq3A_140, %get3A_139, %broadcast_in_dim3A_141 : vector<16xi1>, vector<16xf32>
    %reduce_max3A = arith.constant true
    %reduce_max3A_142 = vector.broadcast %reduce_max3A : i1 to vector<16xi1>
    %reduce_max3A_143 = tpu.scan <max>, %select_n3A masked %reduce_max3A_142 : vector<16xf32>, vector<16xi1> -> vector<16xf32>
    %reduce_max3A_144 = vector.extract %reduce_max3A_143[15] : f32 from vector<16xf32>
    %jit3A_145 = arith.constant -3.000000e+38 : f32
    %broadcast_in_dim3A_146 = vector.broadcast %jit3A_145 : f32 to vector<16xf32>
    %select_n3A_147 = arith.select %eq3A_140, %broadcast_in_dim3A_146, %get3A_139 : vector<16xi1>, vector<16xf32>
    %swap3A = arith.index_cast %shift_left3A_137 : i32 to index
    %swap3A_148 = tpu.vector_load %arg8[%swap3A] {strides = array<i32>} : memref<32768xf32, #tpu.memory_space<vmem>>, vector<16xf32>,
    tpu.vector_store %arg8[%swap3A], %select_n3A_147 {strides = array<i32>} : memref<32768xf32, #tpu.memory_space<vmem>>, vector<16xf32>,
    %broadcast_in_dim3A_149 = arith.constant -3.000000e+38 : f32
    %broadcast_in_dim3A_150 = vector.broadcast %broadcast_in_dim3A_149 : f32 to vector<16xf32>
    %scan3A = arith.constant 0 : i32
    %scan3A_151 = arith.constant 128 : i32
    %scan3A_152 = arith.addi %scan3A, %scan3A_151 : i32
    %scan3A_153 = arith.constant 1 : i32
    %scan3A_154:12 = scf.for %scan3A_1324 = %scan3A to %scan3A_152 step %scan3A_153 iter_args(%scan3A_1325 = %broadcast_in_dim3A_150, %scan3A_1326 = %broadcast_in_dim3A_150, %scan3A_1327 = %broadcast_in_dim3A_150, %scan3A_1328 = %broadcast_in_dim3A_150, %scan3A_1329 = %broadcast_in_dim3A_150, %scan3A_1330 = %broadcast_in_dim3A_150, %scan3A_1331 = %broadcast_in_dim3A_150, %scan3A_1332 = %broadcast_in_dim3A_150, %scan3A_1333 = %broadcast_in_dim3A_150, %scan3A_1334 = %broadcast_in_dim3A_150, %scan3A_1335 = %broadcast_in_dim3A_150, %scan3A_1336 = %broadcast_in_dim3A_150) -> (vector<16xf32>, vector<16xf32>, vector<16xf32>, vector<16xf32>, vector<16xf32>, vector<16xf32>, vector<16xf32>, vector<16xf32>, vector<16xf32>, vector<16xf32>, vector<16xf32>, vector<16xf32>)  : i32 {
      %mul3A_1337 = arith.constant 256 : i32
      %mul3A_1338 = arith.muli %scan3A_1324, %mul3A_1337 : i32
      %add3A_1339 = arith.constant 0 : i32
      %add3A_1340 = arith.addi %mul3A_1338, %add3A_1339 : i32
      %get3A_1341 = arith.index_cast %add3A_1340 : i32 to index
      %get3A_1342 = tpu.vector_load %arg8[%get3A_1341] {strides = array<i32>} : memref<32768xf32, #tpu.memory_space<vmem>>, vector<16xf32>,
      %max3A_1343 = arith.maximumf %scan3A_1325, %get3A_1342 : vector<16xf32>
      %min3A_1344 = arith.minimumf %scan3A_1325, %get3A_1342 : vector<16xf32>
      %max3A_1345 = arith.maximumf %scan3A_1326, %min3A_1344 : vector<16xf32>
      %min3A_1346 = arith.minimumf %scan3A_1326, %min3A_1344 : vector<16xf32>
      %max3A_1347 = arith.maximumf %scan3A_1327, %min3A_1346 : vector<16xf32>
      %add3A_1348 = arith.constant 16 : i32
      %add3A_1349 = arith.addi %mul3A_1338, %add3A_1348 : i32
      %get3A_1350 = arith.index_cast %add3A_1349 : i32 to index
      %get3A_1351 = tpu.vector_load %arg8[%get3A_1350] {strides = array<i32>} : memref<32768xf32, #tpu.memory_space<vmem>>, vector<16xf32>,
      %max3A_1352 = arith.maximumf %scan3A_1328, %get3A_1351 : vector<16xf32>
      %min3A_1353 = arith.minimumf %scan3A_1328, %get3A_1351 : vector<16xf32>
      %max3A_1354 = arith.maximumf %scan3A_1329, %min3A_1353 : vector<16xf32>
      %min3A_1355 = arith.minimumf %scan3A_1329, %min3A_1353 : vector<16xf32>
      %max3A_1356 = arith.maximumf %scan3A_1330, %min3A_1355 : vector<16xf32>
      %add3A_1357 = arith.constant 32 : i32
      %add3A_1358 = arith.addi %mul3A_1338, %add3A_1357 : i32
      %get3A_1359 = arith.index_cast %add3A_1358 : i32 to index
      %get3A_1360 = tpu.vector_load %arg8[%get3A_1359] {strides = array<i32>} : memref<32768xf32, #tpu.memory_space<vmem>>, vector<16xf32>,
      %max3A_1361 = arith.maximumf %scan3A_1331, %get3A_1360 : vector<16xf32>
      %min3A_1362 = arith.minimumf %scan3A_1331, %get3A_1360 : vector<16xf32>
      %max3A_1363 = arith.maximumf %scan3A_1332, %min3A_1362 : vector<16xf32>
      %min3A_1364 = arith.minimumf %scan3A_1332, %min3A_1362 : vector<16xf32>
      %max3A_1365 = arith.maximumf %scan3A_1333, %min3A_1364 : vector<16xf32>
      %add3A_1366 = arith.constant 48 : i32
      %add3A_1367 = arith.addi %mul3A_1338, %add3A_1366 : i32
      %get3A_1368 = arith.index_cast %add3A_1367 : i32 to index
      %get3A_1369 = tpu.vector_load %arg8[%get3A_1368] {strides = array<i32>} : memref<32768xf32, #tpu.memory_space<vmem>>, vector<16xf32>,
      %max3A_1370 = arith.maximumf %scan3A_1334, %get3A_1369 : vector<16xf32>
      %min3A_1371 = arith.minimumf %scan3A_1334, %get3A_1369 : vector<16xf32>
      %max3A_1372 = arith.maximumf %scan3A_1335, %min3A_1371 : vector<16xf32>
      %min3A_1373 = arith.minimumf %scan3A_1335, %min3A_1371 : vector<16xf32>
      %max3A_1374 = arith.maximumf %scan3A_1336, %min3A_1373 : vector<16xf32>
      %add3A_1375 = arith.constant 64 : i32
      %add3A_1376 = arith.addi %mul3A_1338, %add3A_1375 : i32
      %get3A_1377 = arith.index_cast %add3A_1376 : i32 to index
      %get3A_1378 = tpu.vector_load %arg8[%get3A_1377] {strides = array<i32>} : memref<32768xf32, #tpu.memory_space<vmem>>, vector<16xf32>,
      %max3A_1379 = arith.maximumf %max3A_1343, %get3A_1378 : vector<16xf32>
      %min3A_1380 = arith.minimumf %max3A_1343, %get3A_1378 : vector<16xf32>
      %max3A_1381 = arith.maximumf %max3A_1345, %min3A_1380 : vector<16xf32>
      %min3A_1382 = arith.minimumf %max3A_1345, %min3A_1380 : vector<16xf32>
      %max3A_1383 = arith.maximumf %max3A_1347, %min3A_1382 : vector<16xf32>
      %add3A_1384 = arith.constant 80 : i32
      %add3A_1385 = arith.addi %mul3A_1338, %add3A_1384 : i32
      %get3A_1386 = arith.index_cast %add3A_1385 : i32 to index
      %get3A_1387 = tpu.vector_load %arg8[%get3A_1386] {strides = array<i32>} : memref<32768xf32, #tpu.memory_space<vmem>>, vector<16xf32>,
      %max3A_1388 = arith.maximumf %max3A_1352, %get3A_1387 : vector<16xf32>
      %min3A_1389 = arith.minimumf %max3A_1352, %get3A_1387 : vector<16xf32>
      %max3A_1390 = arith.maximumf %max3A_1354, %min3A_1389 : vector<16xf32>
      %min3A_1391 = arith.minimumf %max3A_1354, %min3A_1389 : vector<16xf32>
      %max3A_1392 = arith.maximumf %max3A_1356, %min3A_1391 : vector<16xf32>
      %add3A_1393 = arith.constant 96 : i32
      %add3A_1394 = arith.addi %mul3A_1338, %add3A_1393 : i32
      %get3A_1395 = arith.index_cast %add3A_1394 : i32 to index
      %get3A_1396 = tpu.vector_load %arg8[%get3A_1395] {strides = array<i32>} : memref<32768xf32, #tpu.memory_space<vmem>>, vector<16xf32>,
      %max3A_1397 = arith.maximumf %max3A_1361, %get3A_1396 : vector<16xf32>
      %min3A_1398 = arith.minimumf %max3A_1361, %get3A_1396 : vector<16xf32>
      %max3A_1399 = arith.maximumf %max3A_1363, %min3A_1398 : vector<16xf32>
      %min3A_1400 = arith.minimumf %max3A_1363, %min3A_1398 : vector<16xf32>
      %max3A_1401 = arith.maximumf %max3A_1365, %min3A_1400 : vector<16xf32>
      %add3A_1402 = arith.constant 112 : i32
      %add3A_1403 = arith.addi %mul3A_1338, %add3A_1402 : i32
      %get3A_1404 = arith.index_cast %add3A_1403 : i32 to index
      %get3A_1405 = tpu.vector_load %arg8[%get3A_1404] {strides = array<i32>} : memref<32768xf32, #tpu.memory_space<vmem>>, vector<16xf32>,
      %max3A_1406 = arith.maximumf %max3A_1370, %get3A_1405 : vector<16xf32>
      %min3A_1407 = arith.minimumf %max3A_1370, %get3A_1405 : vector<16xf32>
      %max3A_1408 = arith.maximumf %max3A_1372, %min3A_1407 : vector<16xf32>
      %min3A_1409 = arith.minimumf %max3A_1372, %min3A_1407 : vector<16xf32>
      %max3A_1410 = arith.maximumf %max3A_1374, %min3A_1409 : vector<16xf32>
      %add3A_1411 = arith.constant 128 : i32
      %add3A_1412 = arith.addi %mul3A_1338, %add3A_1411 : i32
      %get3A_1413 = arith.index_cast %add3A_1412 : i32 to index
      %get3A_1414 = tpu.vector_load %arg8[%get3A_1413] {strides = array<i32>} : memref<32768xf32, #tpu.memory_space<vmem>>, vector<16xf32>,
      %max3A_1415 = arith.maximumf %max3A_1379, %get3A_1414 : vector<16xf32>
      %min3A_1416 = arith.minimumf %max3A_1379, %get3A_1414 : vector<16xf32>
      %max3A_1417 = arith.maximumf %max3A_1381, %min3A_1416 : vector<16xf32>
      %min3A_1418 = arith.minimumf %max3A_1381, %min3A_1416 : vector<16xf32>
      %max3A_1419 = arith.maximumf %max3A_1383, %min3A_1418 : vector<16xf32>
      %add3A_1420 = arith.constant 144 : i32
      %add3A_1421 = arith.addi %mul3A_1338, %add3A_1420 : i32
      %get3A_1422 = arith.index_cast %add3A_1421 : i32 to index
      %get3A_1423 = tpu.vector_load %arg8[%get3A_1422] {strides = array<i32>} : memref<32768xf32, #tpu.memory_space<vmem>>, vector<16xf32>,
      %max3A_1424 = arith.maximumf %max3A_1388, %get3A_1423 : vector<16xf32>
      %min3A_1425 = arith.minimumf %max3A_1388, %get3A_1423 : vector<16xf32>
      %max3A_1426 = arith.maximumf %max3A_1390, %min3A_1425 : vector<16xf32>
      %min3A_1427 = arith.minimumf %max3A_1390, %min3A_1425 : vector<16xf32>
      %max3A_1428 = arith.maximumf %max3A_1392, %min3A_1427 : vector<16xf32>
      %add3A_1429 = arith.constant 160 : i32
      %add3A_1430 = arith.addi %mul3A_1338, %add3A_1429 : i32
      %get3A_1431 = arith.index_cast %add3A_1430 : i32 to index
      %get3A_1432 = tpu.vector_load %arg8[%get3A_1431] {strides = array<i32>} : memref<32768xf32, #tpu.memory_space<vmem>>, vector<16xf32>,
      %max3A_1433 = arith.maximumf %max3A_1397, %get3A_1432 : vector<16xf32>
      %min3A_1434 = arith.minimumf %max3A_1397, %get3A_1432 : vector<16xf32>
      %max3A_1435 = arith.maximumf %max3A_1399, %min3A_1434 : vector<16xf32>
      %min3A_1436 = arith.minimumf %max3A_1399, %min3A_1434 : vector<16xf32>
      %max3A_1437 = arith.maximumf %max3A_1401, %min3A_1436 : vector<16xf32>
      %add3A_1438 = arith.constant 176 : i32
      %add3A_1439 = arith.addi %mul3A_1338, %add3A_1438 : i32
      %get3A_1440 = arith.index_cast %add3A_1439 : i32 to index
      %get3A_1441 = tpu.vector_load %arg8[%get3A_1440] {strides = array<i32>} : memref<32768xf32, #tpu.memory_space<vmem>>, vector<16xf32>,
      %max3A_1442 = arith.maximumf %max3A_1406, %get3A_1441 : vector<16xf32>
      %min3A_1443 = arith.minimumf %max3A_1406, %get3A_1441 : vector<16xf32>
      %max3A_1444 = arith.maximumf %max3A_1408, %min3A_1443 : vector<16xf32>
      %min3A_1445 = arith.minimumf %max3A_1408, %min3A_1443 : vector<16xf32>
      %max3A_1446 = arith.maximumf %max3A_1410, %min3A_1445 : vector<16xf32>
      %add3A_1447 = arith.constant 192 : i32
      %add3A_1448 = arith.addi %mul3A_1338, %add3A_1447 : i32
      %get3A_1449 = arith.index_cast %add3A_1448 : i32 to index
      %get3A_1450 = tpu.vector_load %arg8[%get3A_1449] {strides = array<i32>} : memref<32768xf32, #tpu.memory_space<vmem>>, vector<16xf32>,
      %max3A_1451 = arith.maximumf %max3A_1415, %get3A_1450 : vector<16xf32>
      %min3A_1452 = arith.minimumf %max3A_1415, %get3A_1450 : vector<16xf32>
      %max3A_1453 = arith.maximumf %max3A_1417, %min3A_1452 : vector<16xf32>
      %min3A_1454 = arith.minimumf %max3A_1417, %min3A_1452 : vector<16xf32>
      %max3A_1455 = arith.maximumf %max3A_1419, %min3A_1454 : vector<16xf32>
      %add3A_1456 = arith.constant 208 : i32
      %add3A_1457 = arith.addi %mul3A_1338, %add3A_1456 : i32
      %get3A_1458 = arith.index_cast %add3A_1457 : i32 to index
      %get3A_1459 = tpu.vector_load %arg8[%get3A_1458] {strides = array<i32>} : memref<32768xf32, #tpu.memory_space<vmem>>, vector<16xf32>,
      %max3A_1460 = arith.maximumf %max3A_1424, %get3A_1459 : vector<16xf32>
      %min3A_1461 = arith.minimumf %max3A_1424, %get3A_1459 : vector<16xf32>
      %max3A_1462 = arith.maximumf %max3A_1426, %min3A_1461 : vector<16xf32>
      %min3A_1463 = arith.minimumf %max3A_1426, %min3A_1461 : vector<16xf32>
      %max3A_1464 = arith.maximumf %max3A_1428, %min3A_1463 : vector<16xf32>
      %add3A_1465 = arith.constant 224 : i32
      %add3A_1466 = arith.addi %mul3A_1338, %add3A_1465 : i32
      %get3A_1467 = arith.index_cast %add3A_1466 : i32 to index
      %get3A_1468 = tpu.vector_load %arg8[%get3A_1467] {strides = array<i32>} : memref<32768xf32, #tpu.memory_space<vmem>>, vector<16xf32>,
      %max3A_1469 = arith.maximumf %max3A_1433, %get3A_1468 : vector<16xf32>
      %min3A_1470 = arith.minimumf %max3A_1433, %get3A_1468 : vector<16xf32>
      %max3A_1471 = arith.maximumf %max3A_1435, %min3A_1470 : vector<16xf32>
      %min3A_1472 = arith.minimumf %max3A_1435, %min3A_1470 : vector<16xf32>
      %max3A_1473 = arith.maximumf %max3A_1437, %min3A_1472 : vector<16xf32>
      %add3A_1474 = arith.constant 240 : i32
      %add3A_1475 = arith.addi %mul3A_1338, %add3A_1474 : i32
      %get3A_1476 = arith.index_cast %add3A_1475 : i32 to index
      %get3A_1477 = tpu.vector_load %arg8[%get3A_1476] {strides = array<i32>} : memref<32768xf32, #tpu.memory_space<vmem>>, vector<16xf32>,
      %max3A_1478 = arith.maximumf %max3A_1442, %get3A_1477 : vector<16xf32>
      %min3A_1479 = arith.minimumf %max3A_1442, %get3A_1477 : vector<16xf32>
      %max3A_1480 = arith.maximumf %max3A_1444, %min3A_1479 : vector<16xf32>
      %min3A_1481 = arith.minimumf %max3A_1444, %min3A_1479 : vector<16xf32>
      %max3A_1482 = arith.maximumf %max3A_1446, %min3A_1481 : vector<16xf32>
      scf.yield %max3A_1451, %max3A_1453, %max3A_1455, %max3A_1460, %max3A_1462, %max3A_1464, %max3A_1469, %max3A_1471, %max3A_1473, %max3A_1478, %max3A_1480, %max3A_1482 : vector<16xf32>, vector<16xf32>, vector<16xf32>, vector<16xf32>, vector<16xf32>, vector<16xf32>, vector<16xf32>, vector<16xf32>, vector<16xf32>, vector<16xf32>, vector<16xf32>, vector<16xf32>
    }
    %scan3A_155 = arith.constant 128 : i32
    %max3A = arith.maximumf %scan3A_154#0, %scan3A_154#3 : vector<16xf32>
    %min3A = arith.minimumf %scan3A_154#0, %scan3A_154#3 : vector<16xf32>
    %max3A_156 = arith.maximumf %scan3A_154#1, %min3A : vector<16xf32>
    %min3A_157 = arith.minimumf %scan3A_154#1, %min3A : vector<16xf32>
    %max3A_158 = arith.maximumf %scan3A_154#2, %min3A_157 : vector<16xf32>
    %max3A_159 = arith.maximumf %max3A, %scan3A_154#4 : vector<16xf32>
    %min3A_160 = arith.minimumf %max3A, %scan3A_154#4 : vector<16xf32>
    %max3A_161 = arith.maximumf %max3A_156, %min3A_160 : vector<16xf32>
    %min3A_162 = arith.minimumf %max3A_156, %min3A_160 : vector<16xf32>
    %max3A_163 = arith.maximumf %max3A_158, %min3A_162 : vector<16xf32>
    %max3A_164 = arith.maximumf %max3A_159, %scan3A_154#5 : vector<16xf32>
    %min3A_165 = arith.minimumf %max3A_159, %scan3A_154#5 : vector<16xf32>
    %max3A_166 = arith.maximumf %max3A_161, %min3A_165 : vector<16xf32>
    %min3A_167 = arith.minimumf %max3A_161, %min3A_165 : vector<16xf32>
    %max3A_168 = arith.maximumf %max3A_163, %min3A_167 : vector<16xf32>
    %max3A_169 = arith.maximumf %max3A_164, %scan3A_154#6 : vector<16xf32>
    %min3A_170 = arith.minimumf %max3A_164, %scan3A_154#6 : vector<16xf32>
    %max3A_171 = arith.maximumf %max3A_166, %min3A_170 : vector<16xf32>
    %min3A_172 = arith.minimumf %max3A_166, %min3A_170 : vector<16xf32>
    %max3A_173 = arith.maximumf %max3A_168, %min3A_172 : vector<16xf32>
    %max3A_174 = arith.maximumf %max3A_169, %scan3A_154#7 : vector<16xf32>
    %min3A_175 = arith.minimumf %max3A_169, %scan3A_154#7 : vector<16xf32>
    %max3A_176 = arith.maximumf %max3A_171, %min3A_175 : vector<16xf32>
    %min3A_177 = arith.minimumf %max3A_171, %min3A_175 : vector<16xf32>
    %max3A_178 = arith.maximumf %max3A_173, %min3A_177 : vector<16xf32>
    %max3A_179 = arith.maximumf %max3A_174, %scan3A_154#8 : vector<16xf32>
    %min3A_180 = arith.minimumf %max3A_174, %scan3A_154#8 : vector<16xf32>
    %max3A_181 = arith.maximumf %max3A_176, %min3A_180 : vector<16xf32>
    %min3A_182 = arith.minimumf %max3A_176, %min3A_180 : vector<16xf32>
    %max3A_183 = arith.maximumf %max3A_178, %min3A_182 : vector<16xf32>
    %max3A_184 = arith.maximumf %max3A_179, %scan3A_154#9 : vector<16xf32>
    %min3A_185 = arith.minimumf %max3A_179, %scan3A_154#9 : vector<16xf32>
    %max3A_186 = arith.maximumf %max3A_181, %min3A_185 : vector<16xf32>
    %min3A_187 = arith.minimumf %max3A_181, %min3A_185 : vector<16xf32>
    %max3A_188 = arith.maximumf %max3A_183, %min3A_187 : vector<16xf32>
    %max3A_189 = arith.maximumf %max3A_184, %scan3A_154#10 : vector<16xf32>
    %min3A_190 = arith.minimumf %max3A_184, %scan3A_154#10 : vector<16xf32>
    %max3A_191 = arith.maximumf %max3A_186, %min3A_190 : vector<16xf32>
    %min3A_192 = arith.minimumf %max3A_186, %min3A_190 : vector<16xf32>
    %max3A_193 = arith.maximumf %max3A_188, %min3A_192 : vector<16xf32>
    %max3A_194 = arith.maximumf %max3A_189, %scan3A_154#11 : vector<16xf32>
    %min3A_195 = arith.minimumf %max3A_189, %scan3A_154#11 : vector<16xf32>
    %max3A_196 = arith.maximumf %max3A_191, %min3A_195 : vector<16xf32>
    %min3A_197 = arith.minimumf %max3A_191, %min3A_195 : vector<16xf32>
    %max3A_198 = arith.maximumf %max3A_193, %min3A_197 : vector<16xf32>
    %swap3A_199 = arith.constant 0 : index
    %swap3A_200 = tpu.vector_load %arg12[%swap3A_199] {strides = array<i32>} : memref<16xf32, #tpu.memory_space<vmem>>, vector<16xf32>,
    tpu.vector_store %arg12[%swap3A_199], %max3A_194 {strides = array<i32>} : memref<16xf32, #tpu.memory_space<vmem>>, vector<16xf32>,
    %add3A_201 = arith.constant 8 : i32
    %add3A_202 = vector.broadcast %add3A_201 : i32 to vector<16xi32>
    %add3A_203 = arith.addi %iota3A, %add3A_202 : vector<16xi32>
    %and3A_204 = arith.constant 15 : i32
    %and3A_205 = vector.broadcast %and3A_204 : i32 to vector<16xi32>
    %and3A_206 = arith.andi %add3A_203, %and3A_205 : vector<16xi32>
    %gather3A_207 = tpu.vector_load_idx %arg12[%and3A_206] : memref<16xf32, #tpu.memory_space<vmem>>[vector<16xi32>], vector<16xf32>,
    %swap3A_208 = arith.constant 0 : index
    %swap3A_209 = tpu.vector_load %arg12[%swap3A_208] {strides = array<i32>} : memref<16xf32, #tpu.memory_space<vmem>>, vector<16xf32>,
    tpu.vector_store %arg12[%swap3A_208], %max3A_196 {strides = array<i32>} : memref<16xf32, #tpu.memory_space<vmem>>, vector<16xf32>,
    %add3A_210 = arith.constant 8 : i32
    %add3A_211 = vector.broadcast %add3A_210 : i32 to vector<16xi32>
    %add3A_212 = arith.addi %iota3A, %add3A_211 : vector<16xi32>
    %and3A_213 = arith.constant 15 : i32
    %and3A_214 = vector.broadcast %and3A_213 : i32 to vector<16xi32>
    %and3A_215 = arith.andi %add3A_212, %and3A_214 : vector<16xi32>
    %gather3A_216 = tpu.vector_load_idx %arg12[%and3A_215] : memref<16xf32, #tpu.memory_space<vmem>>[vector<16xi32>], vector<16xf32>,
    %swap3A_217 = arith.constant 0 : index
    %swap3A_218 = tpu.vector_load %arg12[%swap3A_217] {strides = array<i32>} : memref<16xf32, #tpu.memory_space<vmem>>, vector<16xf32>,
    tpu.vector_store %arg12[%swap3A_217], %max3A_198 {strides = array<i32>} : memref<16xf32, #tpu.memory_space<vmem>>, vector<16xf32>,
    %add3A_219 = arith.constant 8 : i32
    %add3A_220 = vector.broadcast %add3A_219 : i32 to vector<16xi32>
    %add3A_221 = arith.addi %iota3A, %add3A_220 : vector<16xi32>
    %and3A_222 = arith.constant 15 : i32
    %and3A_223 = vector.broadcast %and3A_222 : i32 to vector<16xi32>
    %and3A_224 = arith.andi %add3A_221, %and3A_223 : vector<16xi32>
    %gather3A_225 = tpu.vector_load_idx %arg12[%and3A_224] : memref<16xf32, #tpu.memory_space<vmem>>[vector<16xi32>], vector<16xf32>,
    %max3A_226 = arith.maximumf %max3A_194, %gather3A_207 : vector<16xf32>
    %min3A_227 = arith.minimumf %max3A_194, %gather3A_207 : vector<16xf32>
    %max3A_228 = arith.maximumf %max3A_196, %min3A_227 : vector<16xf32>
    %min3A_229 = arith.minimumf %max3A_196, %min3A_227 : vector<16xf32>
    %max3A_230 = arith.maximumf %max3A_198, %min3A_229 : vector<16xf32>
    %max3A_231 = arith.maximumf %max3A_226, %gather3A_216 : vector<16xf32>
    %min3A_232 = arith.minimumf %max3A_226, %gather3A_216 : vector<16xf32>
    %max3A_233 = arith.maximumf %max3A_228, %min3A_232 : vector<16xf32>
    %min3A_234 = arith.minimumf %max3A_228, %min3A_232 : vector<16xf32>
    %max3A_235 = arith.maximumf %max3A_230, %min3A_234 : vector<16xf32>
    %max3A_236 = arith.maximumf %max3A_231, %gather3A_225 : vector<16xf32>
    %min3A_237 = arith.minimumf %max3A_231, %gather3A_225 : vector<16xf32>
    %max3A_238 = arith.maximumf %max3A_233, %min3A_237 : vector<16xf32>
    %min3A_239 = arith.minimumf %max3A_233, %min3A_237 : vector<16xf32>
    %max3A_240 = arith.maximumf %max3A_235, %min3A_239 : vector<16xf32>
    %swap3A_241 = arith.constant 0 : index
    %swap3A_242 = tpu.vector_load %arg12[%swap3A_241] {strides = array<i32>} : memref<16xf32, #tpu.memory_space<vmem>>, vector<16xf32>,
    tpu.vector_store %arg12[%swap3A_241], %max3A_236 {strides = array<i32>} : memref<16xf32, #tpu.memory_space<vmem>>, vector<16xf32>,
    %add3A_243 = arith.constant 4 : i32
    %add3A_244 = vector.broadcast %add3A_243 : i32 to vector<16xi32>
    %add3A_245 = arith.addi %iota3A, %add3A_244 : vector<16xi32>
    %and3A_246 = arith.constant 15 : i32
    %and3A_247 = vector.broadcast %and3A_246 : i32 to vector<16xi32>
    %and3A_248 = arith.andi %add3A_245, %and3A_247 : vector<16xi32>
    %gather3A_249 = tpu.vector_load_idx %arg12[%and3A_248] : memref<16xf32, #tpu.memory_space<vmem>>[vector<16xi32>], vector<16xf32>,
    %swap3A_250 = arith.constant 0 : index
    %swap3A_251 = tpu.vector_load %arg12[%swap3A_250] {strides = array<i32>} : memref<16xf32, #tpu.memory_space<vmem>>, vector<16xf32>,
    tpu.vector_store %arg12[%swap3A_250], %max3A_238 {strides = array<i32>} : memref<16xf32, #tpu.memory_space<vmem>>, vector<16xf32>,
    %add3A_252 = arith.constant 4 : i32
    %add3A_253 = vector.broadcast %add3A_252 : i32 to vector<16xi32>
    %add3A_254 = arith.addi %iota3A, %add3A_253 : vector<16xi32>
    %and3A_255 = arith.constant 15 : i32
    %and3A_256 = vector.broadcast %and3A_255 : i32 to vector<16xi32>
    %and3A_257 = arith.andi %add3A_254, %and3A_256 : vector<16xi32>
    %gather3A_258 = tpu.vector_load_idx %arg12[%and3A_257] : memref<16xf32, #tpu.memory_space<vmem>>[vector<16xi32>], vector<16xf32>,
    %swap3A_259 = arith.constant 0 : index
    %swap3A_260 = tpu.vector_load %arg12[%swap3A_259] {strides = array<i32>} : memref<16xf32, #tpu.memory_space<vmem>>, vector<16xf32>,
    tpu.vector_store %arg12[%swap3A_259], %max3A_240 {strides = array<i32>} : memref<16xf32, #tpu.memory_space<vmem>>, vector<16xf32>,
    %add3A_261 = arith.constant 4 : i32
    %add3A_262 = vector.broadcast %add3A_261 : i32 to vector<16xi32>
    %add3A_263 = arith.addi %iota3A, %add3A_262 : vector<16xi32>
    %and3A_264 = arith.constant 15 : i32
    %and3A_265 = vector.broadcast %and3A_264 : i32 to vector<16xi32>
    %and3A_266 = arith.andi %add3A_263, %and3A_265 : vector<16xi32>
    %gather3A_267 = tpu.vector_load_idx %arg12[%and3A_266] : memref<16xf32, #tpu.memory_space<vmem>>[vector<16xi32>], vector<16xf32>,
    %max3A_268 = arith.maximumf %max3A_236, %gather3A_249 : vector<16xf32>
    %min3A_269 = arith.minimumf %max3A_236, %gather3A_249 : vector<16xf32>
    %max3A_270 = arith.maximumf %max3A_238, %min3A_269 : vector<16xf32>
    %min3A_271 = arith.minimumf %max3A_238, %min3A_269 : vector<16xf32>
    %max3A_272 = arith.maximumf %max3A_240, %min3A_271 : vector<16xf32>
    %max3A_273 = arith.maximumf %max3A_268, %gather3A_258 : vector<16xf32>
    %min3A_274 = arith.minimumf %max3A_268, %gather3A_258 : vector<16xf32>
    %max3A_275 = arith.maximumf %max3A_270, %min3A_274 : vector<16xf32>
    %min3A_276 = arith.minimumf %max3A_270, %min3A_274 : vector<16xf32>
    %max3A_277 = arith.maximumf %max3A_272, %min3A_276 : vector<16xf32>
    %max3A_278 = arith.maximumf %max3A_273, %gather3A_267 : vector<16xf32>
    %min3A_279 = arith.minimumf %max3A_273, %gather3A_267 : vector<16xf32>
    %max3A_280 = arith.maximumf %max3A_275, %min3A_279 : vector<16xf32>
    %min3A_281 = arith.minimumf %max3A_275, %min3A_279 : vector<16xf32>
    %max3A_282 = arith.maximumf %max3A_277, %min3A_281 : vector<16xf32>
    %swap3A_283 = arith.constant 0 : index
    %swap3A_284 = tpu.vector_load %arg12[%swap3A_283] {strides = array<i32>} : memref<16xf32, #tpu.memory_space<vmem>>, vector<16xf32>,
    tpu.vector_store %arg12[%swap3A_283], %max3A_278 {strides = array<i32>} : memref<16xf32, #tpu.memory_space<vmem>>, vector<16xf32>,
    %add3A_285 = arith.constant 2 : i32
    %add3A_286 = vector.broadcast %add3A_285 : i32 to vector<16xi32>
    %add3A_287 = arith.addi %iota3A, %add3A_286 : vector<16xi32>
    %and3A_288 = arith.constant 15 : i32
    %and3A_289 = vector.broadcast %and3A_288 : i32 to vector<16xi32>
    %and3A_290 = arith.andi %add3A_287, %and3A_289 : vector<16xi32>
    %gather3A_291 = tpu.vector_load_idx %arg12[%and3A_290] : memref<16xf32, #tpu.memory_space<vmem>>[vector<16xi32>], vector<16xf32>,
    %swap3A_292 = arith.constant 0 : index
    %swap3A_293 = tpu.vector_load %arg12[%swap3A_292] {strides = array<i32>} : memref<16xf32, #tpu.memory_space<vmem>>, vector<16xf32>,
    tpu.vector_store %arg12[%swap3A_292], %max3A_280 {strides = array<i32>} : memref<16xf32, #tpu.memory_space<vmem>>, vector<16xf32>,
    %add3A_294 = arith.constant 2 : i32
    %add3A_295 = vector.broadcast %add3A_294 : i32 to vector<16xi32>
    %add3A_296 = arith.addi %iota3A, %add3A_295 : vector<16xi32>
    %and3A_297 = arith.constant 15 : i32
    %and3A_298 = vector.broadcast %and3A_297 : i32 to vector<16xi32>
    %and3A_299 = arith.andi %add3A_296, %and3A_298 : vector<16xi32>
    %gather3A_300 = tpu.vector_load_idx %arg12[%and3A_299] : memref<16xf32, #tpu.memory_space<vmem>>[vector<16xi32>], vector<16xf32>,
    %swap3A_301 = arith.constant 0 : index
    %swap3A_302 = tpu.vector_load %arg12[%swap3A_301] {strides = array<i32>} : memref<16xf32, #tpu.memory_space<vmem>>, vector<16xf32>,
    tpu.vector_store %arg12[%swap3A_301], %max3A_282 {strides = array<i32>} : memref<16xf32, #tpu.memory_space<vmem>>, vector<16xf32>,
    %add3A_303 = arith.constant 2 : i32
    %add3A_304 = vector.broadcast %add3A_303 : i32 to vector<16xi32>
    %add3A_305 = arith.addi %iota3A, %add3A_304 : vector<16xi32>
    %and3A_306 = arith.constant 15 : i32
    %and3A_307 = vector.broadcast %and3A_306 : i32 to vector<16xi32>
    %and3A_308 = arith.andi %add3A_305, %and3A_307 : vector<16xi32>
    %gather3A_309 = tpu.vector_load_idx %arg12[%and3A_308] : memref<16xf32, #tpu.memory_space<vmem>>[vector<16xi32>], vector<16xf32>,
    %max3A_310 = arith.maximumf %max3A_278, %gather3A_291 : vector<16xf32>
    %min3A_311 = arith.minimumf %max3A_278, %gather3A_291 : vector<16xf32>
    %max3A_312 = arith.maximumf %max3A_280, %min3A_311 : vector<16xf32>
    %min3A_313 = arith.minimumf %max3A_280, %min3A_311 : vector<16xf32>
    %max3A_314 = arith.maximumf %max3A_282, %min3A_313 : vector<16xf32>
    %max3A_315 = arith.maximumf %max3A_310, %gather3A_300 : vector<16xf32>
    %min3A_316 = arith.minimumf %max3A_310, %gather3A_300 : vector<16xf32>
    %max3A_317 = arith.maximumf %max3A_312, %min3A_316 : vector<16xf32>
    %min3A_318 = arith.minimumf %max3A_312, %min3A_316 : vector<16xf32>
    %max3A_319 = arith.maximumf %max3A_314, %min3A_318 : vector<16xf32>
    %max3A_320 = arith.maximumf %max3A_315, %gather3A_309 : vector<16xf32>
    %min3A_321 = arith.minimumf %max3A_315, %gather3A_309 : vector<16xf32>
    %max3A_322 = arith.maximumf %max3A_317, %min3A_321 : vector<16xf32>
    %min3A_323 = arith.minimumf %max3A_317, %min3A_321 : vector<16xf32>
    %max3A_324 = arith.maximumf %max3A_319, %min3A_323 : vector<16xf32>
    %swap3A_325 = arith.constant 0 : index
    %swap3A_326 = tpu.vector_load %arg12[%swap3A_325] {strides = array<i32>} : memref<16xf32, #tpu.memory_space<vmem>>, vector<16xf32>,
    tpu.vector_store %arg12[%swap3A_325], %max3A_320 {strides = array<i32>} : memref<16xf32, #tpu.memory_space<vmem>>, vector<16xf32>,
    %add3A_327 = arith.constant 1 : i32
    %add3A_328 = vector.broadcast %add3A_327 : i32 to vector<16xi32>
    %add3A_329 = arith.addi %iota3A, %add3A_328 : vector<16xi32>
    %and3A_330 = arith.constant 15 : i32
    %and3A_331 = vector.broadcast %and3A_330 : i32 to vector<16xi32>
    %and3A_332 = arith.andi %add3A_329, %and3A_331 : vector<16xi32>
    %gather3A_333 = tpu.vector_load_idx %arg12[%and3A_332] : memref<16xf32, #tpu.memory_space<vmem>>[vector<16xi32>], vector<16xf32>,
    %swap3A_334 = arith.constant 0 : index
    %swap3A_335 = tpu.vector_load %arg12[%swap3A_334] {strides = array<i32>} : memref<16xf32, #tpu.memory_space<vmem>>, vector<16xf32>,
    tpu.vector_store %arg12[%swap3A_334], %max3A_322 {strides = array<i32>} : memref<16xf32, #tpu.memory_space<vmem>>, vector<16xf32>,
    %add3A_336 = arith.constant 1 : i32
    %add3A_337 = vector.broadcast %add3A_336 : i32 to vector<16xi32>
    %add3A_338 = arith.addi %iota3A, %add3A_337 : vector<16xi32>
    %and3A_339 = arith.constant 15 : i32
    %and3A_340 = vector.broadcast %and3A_339 : i32 to vector<16xi32>
    %and3A_341 = arith.andi %add3A_338, %and3A_340 : vector<16xi32>
    %gather3A_342 = tpu.vector_load_idx %arg12[%and3A_341] : memref<16xf32, #tpu.memory_space<vmem>>[vector<16xi32>], vector<16xf32>,
    %swap3A_343 = arith.constant 0 : index
    %swap3A_344 = tpu.vector_load %arg12[%swap3A_343] {strides = array<i32>} : memref<16xf32, #tpu.memory_space<vmem>>, vector<16xf32>,
    tpu.vector_store %arg12[%swap3A_343], %max3A_324 {strides = array<i32>} : memref<16xf32, #tpu.memory_space<vmem>>, vector<16xf32>,
    %add3A_345 = arith.constant 1 : i32
    %add3A_346 = vector.broadcast %add3A_345 : i32 to vector<16xi32>
    %add3A_347 = arith.addi %iota3A, %add3A_346 : vector<16xi32>
    %and3A_348 = arith.constant 15 : i32
    %and3A_349 = vector.broadcast %and3A_348 : i32 to vector<16xi32>
    %and3A_350 = arith.andi %add3A_347, %and3A_349 : vector<16xi32>
    %gather3A_351 = tpu.vector_load_idx %arg12[%and3A_350] : memref<16xf32, #tpu.memory_space<vmem>>[vector<16xi32>], vector<16xf32>,
    %max3A_352 = arith.maximumf %max3A_320, %gather3A_333 : vector<16xf32>
    %min3A_353 = arith.minimumf %max3A_320, %gather3A_333 : vector<16xf32>
    %max3A_354 = arith.maximumf %max3A_322, %min3A_353 : vector<16xf32>
    %min3A_355 = arith.minimumf %max3A_322, %min3A_353 : vector<16xf32>
    %max3A_356 = arith.maximumf %max3A_324, %min3A_355 : vector<16xf32>
    %max3A_357 = arith.maximumf %max3A_352, %gather3A_342 : vector<16xf32>
    %min3A_358 = arith.minimumf %max3A_352, %gather3A_342 : vector<16xf32>
    %max3A_359 = arith.maximumf %max3A_354, %min3A_358 : vector<16xf32>
    %min3A_360 = arith.minimumf %max3A_354, %min3A_358 : vector<16xf32>
    %max3A_361 = arith.maximumf %max3A_356, %min3A_360 : vector<16xf32>
    %max3A_362 = arith.maximumf %max3A_357, %gather3A_351 : vector<16xf32>
    %min3A_363 = arith.minimumf %max3A_357, %gather3A_351 : vector<16xf32>
    %max3A_364 = arith.maximumf %max3A_359, %min3A_363 : vector<16xf32>
    %min3A_365 = arith.minimumf %max3A_359, %min3A_363 : vector<16xf32>
    %max3A_366 = arith.maximumf %max3A_361, %min3A_365 : vector<16xf32>
    %slice3A_367 = vector.extract_strided_slice %max3A_362 {offsets = [0], sizes = [1], strides = [1]} : vector<16xf32> to vector<1xf32>
    %squeeze3A_368 = vector.extract %slice3A_367[0] : f32 from vector<1xf32>
    %slice3A_369 = vector.extract_strided_slice %max3A_364 {offsets = [0], sizes = [1], strides = [1]} : vector<16xf32> to vector<1xf32>
    %squeeze3A_370 = vector.extract %slice3A_369[0] : f32 from vector<1xf32>
    %slice3A_371 = vector.extract_strided_slice %max3A_366 {offsets = [0], sizes = [1], strides = [1]} : vector<16xf32> to vector<1xf32>
    %squeeze3A_372 = vector.extract %slice3A_371[0] : f32 from vector<1xf32>
    %eq3A_373 = arith.constant 0 : i32
    %eq3A_374 = vector.broadcast %eq3A_373 : i32 to vector<16xi32>
    %eq3A_375 = arith.cmpi eq, %iota3A, %eq3A_374 : vector<16xi32>
    %broadcast_in_dim3A_376 = vector.broadcast %reduce_max3A_144 : f32 to vector<16xf32>
    %select_n3A_377 = arith.select %eq3A_375, %broadcast_in_dim3A_376, %broadcast_in_dim3A_126 : vector<16xi1>, vector<16xf32>
    %eq3A_378 = arith.constant 1 : i32
    %eq3A_379 = vector.broadcast %eq3A_378 : i32 to vector<16xi32>
    %eq3A_380 = arith.cmpi eq, %iota3A, %eq3A_379 : vector<16xi32>
    %broadcast_in_dim3A_381 = vector.broadcast %squeeze3A_368 : f32 to vector<16xf32>
    %select_n3A_382 = arith.select %eq3A_380, %broadcast_in_dim3A_381, %select_n3A_377 : vector<16xi1>, vector<16xf32>
    %eq3A_383 = arith.constant 2 : i32
    %eq3A_384 = vector.broadcast %eq3A_383 : i32 to vector<16xi32>
    %eq3A_385 = arith.cmpi eq, %iota3A, %eq3A_384 : vector<16xi32>
    %broadcast_in_dim3A_386 = vector.broadcast %squeeze3A_370 : f32 to vector<16xf32>
    %select_n3A_387 = arith.select %eq3A_385, %broadcast_in_dim3A_386, %select_n3A_382 : vector<16xi1>, vector<16xf32>
    %eq3A_388 = arith.constant 3 : i32
    %eq3A_389 = vector.broadcast %eq3A_388 : i32 to vector<16xi32>
    %eq3A_390 = arith.cmpi eq, %iota3A, %eq3A_389 : vector<16xi32>
    %broadcast_in_dim3A_391 = vector.broadcast %squeeze3A_372 : f32 to vector<16xf32>
    %select_n3A_392 = arith.select %eq3A_390, %broadcast_in_dim3A_391, %select_n3A_387 : vector<16xi1>, vector<16xf32>
    %add3A_393 = arith.constant 3 : i32
    %add3A_394 = arith.addi %mul3A_2, %add3A_393 : i32
    %dma_start3A_395 = arith.constant 0 : i32
    %dma_start3A_396 = tpu.memref_slice %arg2[%add3A_394, %dma_start3A_395] : memref<128x32768xf32, #tpu.memory_space<hbm>> -> memref<1x32768xf32, #tpu.memory_space<hbm>>
    %dma_start3A_397 = tpu.memref_squeeze %dma_start3A_396 : memref<1x32768xf32, #tpu.memory_space<hbm>> -> memref<32768xf32, #tpu.memory_space<hbm>>
    %dma_start3A_398 = arith.constant 0 : i32
    %dma_start3A_399 = tpu.memref_slice %arg2[%add3A_394, %dma_start3A_398] : memref<128x32768xf32, #tpu.memory_space<hbm>> -> memref<1x32768xf32, #tpu.memory_space<hbm>>
    %dma_start3A_400 = tpu.memref_squeeze %dma_start3A_399 : memref<1x32768xf32, #tpu.memory_space<hbm>> -> memref<32768xf32, #tpu.memory_space<hbm>>
    tpu.enqueue_dma source(%dma_start3A_400 : memref<32768xf32, #tpu.memory_space<hbm>>) target(%arg8 : memref<32768xf32, #tpu.memory_space<vmem>>) target_semaphore(%arg15 : memref<!tpu.dma_semaphore, #tpu.memory_space<semaphore_mem>>)
    %dma_wait3A_401 = arith.constant 0 : i32
    %dma_wait3A_402 = tpu.memref_slice %arg2[%add3A_11, %dma_wait3A_401] : memref<128x32768xf32, #tpu.memory_space<hbm>> -> memref<1x32768xf32, #tpu.memory_space<hbm>>
    %dma_wait3A_403 = tpu.memref_squeeze %dma_wait3A_402 : memref<1x32768xf32, #tpu.memory_space<hbm>> -> memref<32768xf32, #tpu.memory_space<hbm>>
    %dma_wait3A_404 = arith.constant 0 : i32
    %dma_wait3A_405 = tpu.memref_slice %arg2[%add3A_11, %dma_wait3A_404] : memref<128x32768xf32, #tpu.memory_space<hbm>> -> memref<1x32768xf32, #tpu.memory_space<hbm>>
    %dma_wait3A_406 = tpu.memref_squeeze %dma_wait3A_405 : memref<1x32768xf32, #tpu.memory_space<hbm>> -> memref<32768xf32, #tpu.memory_space<hbm>>
    tpu.wait_dma2 semaphore(%arg15 : memref<!tpu.dma_semaphore, #tpu.memory_space<semaphore_mem>>) src(%dma_wait3A_406 : memref<32768xf32, #tpu.memory_space<hbm>>) dst(%arg9 : memref<32768xf32, #tpu.memory_space<vmem>>)
    %slice3A_407 = vector.extract_strided_slice %gather3A {offsets = [4], sizes = [1], strides = [1]} : vector<16xi32> to vector<1xi32>
    %squeeze3A_408 = vector.extract %slice3A_407[0] : i32 from vector<1xi32>
    %shift_right_arithmetic3A_409 = arith.constant 4 : i32
    %shift_right_arithmetic3A_410 = arith.shrsi %squeeze3A_408, %shift_right_arithmetic3A_409 : i32
    %shift_left3A_411 = arith.constant 4 : i32
    %shift_left3A_412 = arith.shli %shift_right_arithmetic3A_410, %shift_left3A_411 : i32
    %and3A_413 = arith.constant 15 : i32
    %and3A_414 = arith.andi %squeeze3A_408, %and3A_413 : i32
    %get3A_415 = arith.index_cast %shift_left3A_412 : i32 to index
    %get3A_416 = tpu.vector_load %arg9[%get3A_415] {strides = array<i32>} : memref<32768xf32, #tpu.memory_space<vmem>>, vector<16xf32>,
    %eq3A_417 = vector.broadcast %and3A_414 : i32 to vector<16xi32>
    %eq3A_418 = arith.cmpi eq, %iota3A, %eq3A_417 : vector<16xi32>
    %jit3A_419 = arith.constant -3.000000e+38 : f32
    %broadcast_in_dim3A_420 = vector.broadcast %jit3A_419 : f32 to vector<16xf32>
    %select_n3A_421 = arith.select %eq3A_418, %get3A_416, %broadcast_in_dim3A_420 : vector<16xi1>, vector<16xf32>
    %reduce_max3A_422 = arith.constant true
    %reduce_max3A_423 = vector.broadcast %reduce_max3A_422 : i1 to vector<16xi1>
    %reduce_max3A_424 = tpu.scan <max>, %select_n3A_421 masked %reduce_max3A_423 : vector<16xf32>, vector<16xi1> -> vector<16xf32>
    %reduce_max3A_425 = vector.extract %reduce_max3A_424[15] : f32 from vector<16xf32>
    %jit3A_426 = arith.constant -3.000000e+38 : f32
    %broadcast_in_dim3A_427 = vector.broadcast %jit3A_426 : f32 to vector<16xf32>
    %select_n3A_428 = arith.select %eq3A_418, %broadcast_in_dim3A_427, %get3A_416 : vector<16xi1>, vector<16xf32>
    %swap3A_429 = arith.index_cast %shift_left3A_412 : i32 to index
    %swap3A_430 = tpu.vector_load %arg9[%swap3A_429] {strides = array<i32>} : memref<32768xf32, #tpu.memory_space<vmem>>, vector<16xf32>,
    tpu.vector_store %arg9[%swap3A_429], %select_n3A_428 {strides = array<i32>} : memref<32768xf32, #tpu.memory_space<vmem>>, vector<16xf32>,
    %broadcast_in_dim3A_431 = arith.constant -3.000000e+38 : f32
    %broadcast_in_dim3A_432 = vector.broadcast %broadcast_in_dim3A_431 : f32 to vector<16xf32>
    %scan3A_433 = arith.constant 0 : i32
    %scan3A_434 = arith.constant 128 : i32
    %scan3A_435 = arith.addi %scan3A_433, %scan3A_434 : i32
    %scan3A_436 = arith.constant 1 : i32
    %scan3A_437:12 = scf.for %scan3A_1324 = %scan3A_433 to %scan3A_435 step %scan3A_436 iter_args(%scan3A_1325 = %broadcast_in_dim3A_432, %scan3A_1326 = %broadcast_in_dim3A_432, %scan3A_1327 = %broadcast_in_dim3A_432, %scan3A_1328 = %broadcast_in_dim3A_432, %scan3A_1329 = %broadcast_in_dim3A_432, %scan3A_1330 = %broadcast_in_dim3A_432, %scan3A_1331 = %broadcast_in_dim3A_432, %scan3A_1332 = %broadcast_in_dim3A_432, %scan3A_1333 = %broadcast_in_dim3A_432, %scan3A_1334 = %broadcast_in_dim3A_432, %scan3A_1335 = %broadcast_in_dim3A_432, %scan3A_1336 = %broadcast_in_dim3A_432) -> (vector<16xf32>, vector<16xf32>, vector<16xf32>, vector<16xf32>, vector<16xf32>, vector<16xf32>, vector<16xf32>, vector<16xf32>, vector<16xf32>, vector<16xf32>, vector<16xf32>, vector<16xf32>)  : i32 {
      %mul3A_1337 = arith.constant 256 : i32
      %mul3A_1338 = arith.muli %scan3A_1324, %mul3A_1337 : i32
      %add3A_1339 = arith.constant 0 : i32
      %add3A_1340 = arith.addi %mul3A_1338, %add3A_1339 : i32
      %get3A_1341 = arith.index_cast %add3A_1340 : i32 to index
      %get3A_1342 = tpu.vector_load %arg9[%get3A_1341] {strides = array<i32>} : memref<32768xf32, #tpu.memory_space<vmem>>, vector<16xf32>,
      %max3A_1343 = arith.maximumf %scan3A_1325, %get3A_1342 : vector<16xf32>
      %min3A_1344 = arith.minimumf %scan3A_1325, %get3A_1342 : vector<16xf32>
      %max3A_1345 = arith.maximumf %scan3A_1326, %min3A_1344 : vector<16xf32>
      %min3A_1346 = arith.minimumf %scan3A_1326, %min3A_1344 : vector<16xf32>
      %max3A_1347 = arith.maximumf %scan3A_1327, %min3A_1346 : vector<16xf32>
      %add3A_1348 = arith.constant 16 : i32
      %add3A_1349 = arith.addi %mul3A_1338, %add3A_1348 : i32
      %get3A_1350 = arith.index_cast %add3A_1349 : i32 to index
      %get3A_1351 = tpu.vector_load %arg9[%get3A_1350] {strides = array<i32>} : memref<32768xf32, #tpu.memory_space<vmem>>, vector<16xf32>,
      %max3A_1352 = arith.maximumf %scan3A_1328, %get3A_1351 : vector<16xf32>
      %min3A_1353 = arith.minimumf %scan3A_1328, %get3A_1351 : vector<16xf32>
      %max3A_1354 = arith.maximumf %scan3A_1329, %min3A_1353 : vector<16xf32>
      %min3A_1355 = arith.minimumf %scan3A_1329, %min3A_1353 : vector<16xf32>
      %max3A_1356 = arith.maximumf %scan3A_1330, %min3A_1355 : vector<16xf32>
      %add3A_1357 = arith.constant 32 : i32
      %add3A_1358 = arith.addi %mul3A_1338, %add3A_1357 : i32
      %get3A_1359 = arith.index_cast %add3A_1358 : i32 to index
      %get3A_1360 = tpu.vector_load %arg9[%get3A_1359] {strides = array<i32>} : memref<32768xf32, #tpu.memory_space<vmem>>, vector<16xf32>,
      %max3A_1361 = arith.maximumf %scan3A_1331, %get3A_1360 : vector<16xf32>
      %min3A_1362 = arith.minimumf %scan3A_1331, %get3A_1360 : vector<16xf32>
      %max3A_1363 = arith.maximumf %scan3A_1332, %min3A_1362 : vector<16xf32>
      %min3A_1364 = arith.minimumf %scan3A_1332, %min3A_1362 : vector<16xf32>
      %max3A_1365 = arith.maximumf %scan3A_1333, %min3A_1364 : vector<16xf32>
      %add3A_1366 = arith.constant 48 : i32
      %add3A_1367 = arith.addi %mul3A_1338, %add3A_1366 : i32
      %get3A_1368 = arith.index_cast %add3A_1367 : i32 to index
      %get3A_1369 = tpu.vector_load %arg9[%get3A_1368] {strides = array<i32>} : memref<32768xf32, #tpu.memory_space<vmem>>, vector<16xf32>,
      %max3A_1370 = arith.maximumf %scan3A_1334, %get3A_1369 : vector<16xf32>
      %min3A_1371 = arith.minimumf %scan3A_1334, %get3A_1369 : vector<16xf32>
      %max3A_1372 = arith.maximumf %scan3A_1335, %min3A_1371 : vector<16xf32>
      %min3A_1373 = arith.minimumf %scan3A_1335, %min3A_1371 : vector<16xf32>
      %max3A_1374 = arith.maximumf %scan3A_1336, %min3A_1373 : vector<16xf32>
      %add3A_1375 = arith.constant 64 : i32
      %add3A_1376 = arith.addi %mul3A_1338, %add3A_1375 : i32
      %get3A_1377 = arith.index_cast %add3A_1376 : i32 to index
      %get3A_1378 = tpu.vector_load %arg9[%get3A_1377] {strides = array<i32>} : memref<32768xf32, #tpu.memory_space<vmem>>, vector<16xf32>,
      %max3A_1379 = arith.maximumf %max3A_1343, %get3A_1378 : vector<16xf32>
      %min3A_1380 = arith.minimumf %max3A_1343, %get3A_1378 : vector<16xf32>
      %max3A_1381 = arith.maximumf %max3A_1345, %min3A_1380 : vector<16xf32>
      %min3A_1382 = arith.minimumf %max3A_1345, %min3A_1380 : vector<16xf32>
      %max3A_1383 = arith.maximumf %max3A_1347, %min3A_1382 : vector<16xf32>
      %add3A_1384 = arith.constant 80 : i32
      %add3A_1385 = arith.addi %mul3A_1338, %add3A_1384 : i32
      %get3A_1386 = arith.index_cast %add3A_1385 : i32 to index
      %get3A_1387 = tpu.vector_load %arg9[%get3A_1386] {strides = array<i32>} : memref<32768xf32, #tpu.memory_space<vmem>>, vector<16xf32>,
      %max3A_1388 = arith.maximumf %max3A_1352, %get3A_1387 : vector<16xf32>
      %min3A_1389 = arith.minimumf %max3A_1352, %get3A_1387 : vector<16xf32>
      %max3A_1390 = arith.maximumf %max3A_1354, %min3A_1389 : vector<16xf32>
      %min3A_1391 = arith.minimumf %max3A_1354, %min3A_1389 : vector<16xf32>
      %max3A_1392 = arith.maximumf %max3A_1356, %min3A_1391 : vector<16xf32>
      %add3A_1393 = arith.constant 96 : i32
      %add3A_1394 = arith.addi %mul3A_1338, %add3A_1393 : i32
      %get3A_1395 = arith.index_cast %add3A_1394 : i32 to index
      %get3A_1396 = tpu.vector_load %arg9[%get3A_1395] {strides = array<i32>} : memref<32768xf32, #tpu.memory_space<vmem>>, vector<16xf32>,
      %max3A_1397 = arith.maximumf %max3A_1361, %get3A_1396 : vector<16xf32>
      %min3A_1398 = arith.minimumf %max3A_1361, %get3A_1396 : vector<16xf32>
      %max3A_1399 = arith.maximumf %max3A_1363, %min3A_1398 : vector<16xf32>
      %min3A_1400 = arith.minimumf %max3A_1363, %min3A_1398 : vector<16xf32>
      %max3A_1401 = arith.maximumf %max3A_1365, %min3A_1400 : vector<16xf32>
      %add3A_1402 = arith.constant 112 : i32
      %add3A_1403 = arith.addi %mul3A_1338, %add3A_1402 : i32
      %get3A_1404 = arith.index_cast %add3A_1403 : i32 to index
      %get3A_1405 = tpu.vector_load %arg9[%get3A_1404] {strides = array<i32>} : memref<32768xf32, #tpu.memory_space<vmem>>, vector<16xf32>,
      %max3A_1406 = arith.maximumf %max3A_1370, %get3A_1405 : vector<16xf32>
      %min3A_1407 = arith.minimumf %max3A_1370, %get3A_1405 : vector<16xf32>
      %max3A_1408 = arith.maximumf %max3A_1372, %min3A_1407 : vector<16xf32>
      %min3A_1409 = arith.minimumf %max3A_1372, %min3A_1407 : vector<16xf32>
      %max3A_1410 = arith.maximumf %max3A_1374, %min3A_1409 : vector<16xf32>
      %add3A_1411 = arith.constant 128 : i32
      %add3A_1412 = arith.addi %mul3A_1338, %add3A_1411 : i32
      %get3A_1413 = arith.index_cast %add3A_1412 : i32 to index
      %get3A_1414 = tpu.vector_load %arg9[%get3A_1413] {strides = array<i32>} : memref<32768xf32, #tpu.memory_space<vmem>>, vector<16xf32>,
      %max3A_1415 = arith.maximumf %max3A_1379, %get3A_1414 : vector<16xf32>
      %min3A_1416 = arith.minimumf %max3A_1379, %get3A_1414 : vector<16xf32>
      %max3A_1417 = arith.maximumf %max3A_1381, %min3A_1416 : vector<16xf32>
      %min3A_1418 = arith.minimumf %max3A_1381, %min3A_1416 : vector<16xf32>
      %max3A_1419 = arith.maximumf %max3A_1383, %min3A_1418 : vector<16xf32>
      %add3A_1420 = arith.constant 144 : i32
      %add3A_1421 = arith.addi %mul3A_1338, %add3A_1420 : i32
      %get3A_1422 = arith.index_cast %add3A_1421 : i32 to index
      %get3A_1423 = tpu.vector_load %arg9[%get3A_1422] {strides = array<i32>} : memref<32768xf32, #tpu.memory_space<vmem>>, vector<16xf32>,
      %max3A_1424 = arith.maximumf %max3A_1388, %get3A_1423 : vector<16xf32>
      %min3A_1425 = arith.minimumf %max3A_1388, %get3A_1423 : vector<16xf32>
      %max3A_1426 = arith.maximumf %max3A_1390, %min3A_1425 : vector<16xf32>
      %min3A_1427 = arith.minimumf %max3A_1390, %min3A_1425 : vector<16xf32>
      %max3A_1428 = arith.maximumf %max3A_1392, %min3A_1427 : vector<16xf32>
      %add3A_1429 = arith.constant 160 : i32
      %add3A_1430 = arith.addi %mul3A_1338, %add3A_1429 : i32
      %get3A_1431 = arith.index_cast %add3A_1430 : i32 to index
      %get3A_1432 = tpu.vector_load %arg9[%get3A_1431] {strides = array<i32>} : memref<32768xf32, #tpu.memory_space<vmem>>, vector<16xf32>,
      %max3A_1433 = arith.maximumf %max3A_1397, %get3A_1432 : vector<16xf32>
      %min3A_1434 = arith.minimumf %max3A_1397, %get3A_1432 : vector<16xf32>
      %max3A_1435 = arith.maximumf %max3A_1399, %min3A_1434 : vector<16xf32>
      %min3A_1436 = arith.minimumf %max3A_1399, %min3A_1434 : vector<16xf32>
      %max3A_1437 = arith.maximumf %max3A_1401, %min3A_1436 : vector<16xf32>
      %add3A_1438 = arith.constant 176 : i32
      %add3A_1439 = arith.addi %mul3A_1338, %add3A_1438 : i32
      %get3A_1440 = arith.index_cast %add3A_1439 : i32 to index
      %get3A_1441 = tpu.vector_load %arg9[%get3A_1440] {strides = array<i32>} : memref<32768xf32, #tpu.memory_space<vmem>>, vector<16xf32>,
      %max3A_1442 = arith.maximumf %max3A_1406, %get3A_1441 : vector<16xf32>
      %min3A_1443 = arith.minimumf %max3A_1406, %get3A_1441 : vector<16xf32>
      %max3A_1444 = arith.maximumf %max3A_1408, %min3A_1443 : vector<16xf32>
      %min3A_1445 = arith.minimumf %max3A_1408, %min3A_1443 : vector<16xf32>
      %max3A_1446 = arith.maximumf %max3A_1410, %min3A_1445 : vector<16xf32>
      %add3A_1447 = arith.constant 192 : i32
      %add3A_1448 = arith.addi %mul3A_1338, %add3A_1447 : i32
      %get3A_1449 = arith.index_cast %add3A_1448 : i32 to index
      %get3A_1450 = tpu.vector_load %arg9[%get3A_1449] {strides = array<i32>} : memref<32768xf32, #tpu.memory_space<vmem>>, vector<16xf32>,
      %max3A_1451 = arith.maximumf %max3A_1415, %get3A_1450 : vector<16xf32>
      %min3A_1452 = arith.minimumf %max3A_1415, %get3A_1450 : vector<16xf32>
      %max3A_1453 = arith.maximumf %max3A_1417, %min3A_1452 : vector<16xf32>
      %min3A_1454 = arith.minimumf %max3A_1417, %min3A_1452 : vector<16xf32>
      %max3A_1455 = arith.maximumf %max3A_1419, %min3A_1454 : vector<16xf32>
      %add3A_1456 = arith.constant 208 : i32
      %add3A_1457 = arith.addi %mul3A_1338, %add3A_1456 : i32
      %get3A_1458 = arith.index_cast %add3A_1457 : i32 to index
      %get3A_1459 = tpu.vector_load %arg9[%get3A_1458] {strides = array<i32>} : memref<32768xf32, #tpu.memory_space<vmem>>, vector<16xf32>,
      %max3A_1460 = arith.maximumf %max3A_1424, %get3A_1459 : vector<16xf32>
      %min3A_1461 = arith.minimumf %max3A_1424, %get3A_1459 : vector<16xf32>
      %max3A_1462 = arith.maximumf %max3A_1426, %min3A_1461 : vector<16xf32>
      %min3A_1463 = arith.minimumf %max3A_1426, %min3A_1461 : vector<16xf32>
      %max3A_1464 = arith.maximumf %max3A_1428, %min3A_1463 : vector<16xf32>
      %add3A_1465 = arith.constant 224 : i32
      %add3A_1466 = arith.addi %mul3A_1338, %add3A_1465 : i32
      %get3A_1467 = arith.index_cast %add3A_1466 : i32 to index
      %get3A_1468 = tpu.vector_load %arg9[%get3A_1467] {strides = array<i32>} : memref<32768xf32, #tpu.memory_space<vmem>>, vector<16xf32>,
      %max3A_1469 = arith.maximumf %max3A_1433, %get3A_1468 : vector<16xf32>
      %min3A_1470 = arith.minimumf %max3A_1433, %get3A_1468 : vector<16xf32>
      %max3A_1471 = arith.maximumf %max3A_1435, %min3A_1470 : vector<16xf32>
      %min3A_1472 = arith.minimumf %max3A_1435, %min3A_1470 : vector<16xf32>
      %max3A_1473 = arith.maximumf %max3A_1437, %min3A_1472 : vector<16xf32>
      %add3A_1474 = arith.constant 240 : i32
      %add3A_1475 = arith.addi %mul3A_1338, %add3A_1474 : i32
      %get3A_1476 = arith.index_cast %add3A_1475 : i32 to index
      %get3A_1477 = tpu.vector_load %arg9[%get3A_1476] {strides = array<i32>} : memref<32768xf32, #tpu.memory_space<vmem>>, vector<16xf32>,
      %max3A_1478 = arith.maximumf %max3A_1442, %get3A_1477 : vector<16xf32>
      %min3A_1479 = arith.minimumf %max3A_1442, %get3A_1477 : vector<16xf32>
      %max3A_1480 = arith.maximumf %max3A_1444, %min3A_1479 : vector<16xf32>
      %min3A_1481 = arith.minimumf %max3A_1444, %min3A_1479 : vector<16xf32>
      %max3A_1482 = arith.maximumf %max3A_1446, %min3A_1481 : vector<16xf32>
      scf.yield %max3A_1451, %max3A_1453, %max3A_1455, %max3A_1460, %max3A_1462, %max3A_1464, %max3A_1469, %max3A_1471, %max3A_1473, %max3A_1478, %max3A_1480, %max3A_1482 : vector<16xf32>, vector<16xf32>, vector<16xf32>, vector<16xf32>, vector<16xf32>, vector<16xf32>, vector<16xf32>, vector<16xf32>, vector<16xf32>, vector<16xf32>, vector<16xf32>, vector<16xf32>
    }
    %scan3A_438 = arith.constant 128 : i32
    %max3A_439 = arith.maximumf %scan3A_437#0, %scan3A_437#3 : vector<16xf32>
    %min3A_440 = arith.minimumf %scan3A_437#0, %scan3A_437#3 : vector<16xf32>
    %max3A_441 = arith.maximumf %scan3A_437#1, %min3A_440 : vector<16xf32>
    %min3A_442 = arith.minimumf %scan3A_437#1, %min3A_440 : vector<16xf32>
    %max3A_443 = arith.maximumf %scan3A_437#2, %min3A_442 : vector<16xf32>
    %max3A_444 = arith.maximumf %max3A_439, %scan3A_437#4 : vector<16xf32>
    %min3A_445 = arith.minimumf %max3A_439, %scan3A_437#4 : vector<16xf32>
    %max3A_446 = arith.maximumf %max3A_441, %min3A_445 : vector<16xf32>
    %min3A_447 = arith.minimumf %max3A_441, %min3A_445 : vector<16xf32>
    %max3A_448 = arith.maximumf %max3A_443, %min3A_447 : vector<16xf32>
    %max3A_449 = arith.maximumf %max3A_444, %scan3A_437#5 : vector<16xf32>
    %min3A_450 = arith.minimumf %max3A_444, %scan3A_437#5 : vector<16xf32>
    %max3A_451 = arith.maximumf %max3A_446, %min3A_450 : vector<16xf32>
    %min3A_452 = arith.minimumf %max3A_446, %min3A_450 : vector<16xf32>
    %max3A_453 = arith.maximumf %max3A_448, %min3A_452 : vector<16xf32>
    %max3A_454 = arith.maximumf %max3A_449, %scan3A_437#6 : vector<16xf32>
    %min3A_455 = arith.minimumf %max3A_449, %scan3A_437#6 : vector<16xf32>
    %max3A_456 = arith.maximumf %max3A_451, %min3A_455 : vector<16xf32>
    %min3A_457 = arith.minimumf %max3A_451, %min3A_455 : vector<16xf32>
    %max3A_458 = arith.maximumf %max3A_453, %min3A_457 : vector<16xf32>
    %max3A_459 = arith.maximumf %max3A_454, %scan3A_437#7 : vector<16xf32>
    %min3A_460 = arith.minimumf %max3A_454, %scan3A_437#7 : vector<16xf32>
    %max3A_461 = arith.maximumf %max3A_456, %min3A_460 : vector<16xf32>
    %min3A_462 = arith.minimumf %max3A_456, %min3A_460 : vector<16xf32>
    %max3A_463 = arith.maximumf %max3A_458, %min3A_462 : vector<16xf32>
    %max3A_464 = arith.maximumf %max3A_459, %scan3A_437#8 : vector<16xf32>
    %min3A_465 = arith.minimumf %max3A_459, %scan3A_437#8 : vector<16xf32>
    %max3A_466 = arith.maximumf %max3A_461, %min3A_465 : vector<16xf32>
    %min3A_467 = arith.minimumf %max3A_461, %min3A_465 : vector<16xf32>
    %max3A_468 = arith.maximumf %max3A_463, %min3A_467 : vector<16xf32>
    %max3A_469 = arith.maximumf %max3A_464, %scan3A_437#9 : vector<16xf32>
    %min3A_470 = arith.minimumf %max3A_464, %scan3A_437#9 : vector<16xf32>
    %max3A_471 = arith.maximumf %max3A_466, %min3A_470 : vector<16xf32>
    %min3A_472 = arith.minimumf %max3A_466, %min3A_470 : vector<16xf32>
    %max3A_473 = arith.maximumf %max3A_468, %min3A_472 : vector<16xf32>
    %max3A_474 = arith.maximumf %max3A_469, %scan3A_437#10 : vector<16xf32>
    %min3A_475 = arith.minimumf %max3A_469, %scan3A_437#10 : vector<16xf32>
    %max3A_476 = arith.maximumf %max3A_471, %min3A_475 : vector<16xf32>
    %min3A_477 = arith.minimumf %max3A_471, %min3A_475 : vector<16xf32>
    %max3A_478 = arith.maximumf %max3A_473, %min3A_477 : vector<16xf32>
    %max3A_479 = arith.maximumf %max3A_474, %scan3A_437#11 : vector<16xf32>
    %min3A_480 = arith.minimumf %max3A_474, %scan3A_437#11 : vector<16xf32>
    %max3A_481 = arith.maximumf %max3A_476, %min3A_480 : vector<16xf32>
    %min3A_482 = arith.minimumf %max3A_476, %min3A_480 : vector<16xf32>
    %max3A_483 = arith.maximumf %max3A_478, %min3A_482 : vector<16xf32>
    %swap3A_484 = arith.constant 0 : index
    %swap3A_485 = tpu.vector_load %arg12[%swap3A_484] {strides = array<i32>} : memref<16xf32, #tpu.memory_space<vmem>>, vector<16xf32>,
    tpu.vector_store %arg12[%swap3A_484], %max3A_479 {strides = array<i32>} : memref<16xf32, #tpu.memory_space<vmem>>, vector<16xf32>,
    %add3A_486 = arith.constant 8 : i32
    %add3A_487 = vector.broadcast %add3A_486 : i32 to vector<16xi32>
    %add3A_488 = arith.addi %iota3A, %add3A_487 : vector<16xi32>
    %and3A_489 = arith.constant 15 : i32
    %and3A_490 = vector.broadcast %and3A_489 : i32 to vector<16xi32>
    %and3A_491 = arith.andi %add3A_488, %and3A_490 : vector<16xi32>
    %gather3A_492 = tpu.vector_load_idx %arg12[%and3A_491] : memref<16xf32, #tpu.memory_space<vmem>>[vector<16xi32>], vector<16xf32>,
    %swap3A_493 = arith.constant 0 : index
    %swap3A_494 = tpu.vector_load %arg12[%swap3A_493] {strides = array<i32>} : memref<16xf32, #tpu.memory_space<vmem>>, vector<16xf32>,
    tpu.vector_store %arg12[%swap3A_493], %max3A_481 {strides = array<i32>} : memref<16xf32, #tpu.memory_space<vmem>>, vector<16xf32>,
    %add3A_495 = arith.constant 8 : i32
    %add3A_496 = vector.broadcast %add3A_495 : i32 to vector<16xi32>
    %add3A_497 = arith.addi %iota3A, %add3A_496 : vector<16xi32>
    %and3A_498 = arith.constant 15 : i32
    %and3A_499 = vector.broadcast %and3A_498 : i32 to vector<16xi32>
    %and3A_500 = arith.andi %add3A_497, %and3A_499 : vector<16xi32>
    %gather3A_501 = tpu.vector_load_idx %arg12[%and3A_500] : memref<16xf32, #tpu.memory_space<vmem>>[vector<16xi32>], vector<16xf32>,
    %swap3A_502 = arith.constant 0 : index
    %swap3A_503 = tpu.vector_load %arg12[%swap3A_502] {strides = array<i32>} : memref<16xf32, #tpu.memory_space<vmem>>, vector<16xf32>,
    tpu.vector_store %arg12[%swap3A_502], %max3A_483 {strides = array<i32>} : memref<16xf32, #tpu.memory_space<vmem>>, vector<16xf32>,
    %add3A_504 = arith.constant 8 : i32
    %add3A_505 = vector.broadcast %add3A_504 : i32 to vector<16xi32>
    %add3A_506 = arith.addi %iota3A, %add3A_505 : vector<16xi32>
    %and3A_507 = arith.constant 15 : i32
    %and3A_508 = vector.broadcast %and3A_507 : i32 to vector<16xi32>
    %and3A_509 = arith.andi %add3A_506, %and3A_508 : vector<16xi32>
    %gather3A_510 = tpu.vector_load_idx %arg12[%and3A_509] : memref<16xf32, #tpu.memory_space<vmem>>[vector<16xi32>], vector<16xf32>,
    %max3A_511 = arith.maximumf %max3A_479, %gather3A_492 : vector<16xf32>
    %min3A_512 = arith.minimumf %max3A_479, %gather3A_492 : vector<16xf32>
    %max3A_513 = arith.maximumf %max3A_481, %min3A_512 : vector<16xf32>
    %min3A_514 = arith.minimumf %max3A_481, %min3A_512 : vector<16xf32>
    %max3A_515 = arith.maximumf %max3A_483, %min3A_514 : vector<16xf32>
    %max3A_516 = arith.maximumf %max3A_511, %gather3A_501 : vector<16xf32>
    %min3A_517 = arith.minimumf %max3A_511, %gather3A_501 : vector<16xf32>
    %max3A_518 = arith.maximumf %max3A_513, %min3A_517 : vector<16xf32>
    %min3A_519 = arith.minimumf %max3A_513, %min3A_517 : vector<16xf32>
    %max3A_520 = arith.maximumf %max3A_515, %min3A_519 : vector<16xf32>
    %max3A_521 = arith.maximumf %max3A_516, %gather3A_510 : vector<16xf32>
    %min3A_522 = arith.minimumf %max3A_516, %gather3A_510 : vector<16xf32>
    %max3A_523 = arith.maximumf %max3A_518, %min3A_522 : vector<16xf32>
    %min3A_524 = arith.minimumf %max3A_518, %min3A_522 : vector<16xf32>
    %max3A_525 = arith.maximumf %max3A_520, %min3A_524 : vector<16xf32>
    %swap3A_526 = arith.constant 0 : index
    %swap3A_527 = tpu.vector_load %arg12[%swap3A_526] {strides = array<i32>} : memref<16xf32, #tpu.memory_space<vmem>>, vector<16xf32>,
    tpu.vector_store %arg12[%swap3A_526], %max3A_521 {strides = array<i32>} : memref<16xf32, #tpu.memory_space<vmem>>, vector<16xf32>,
    %add3A_528 = arith.constant 4 : i32
    %add3A_529 = vector.broadcast %add3A_528 : i32 to vector<16xi32>
    %add3A_530 = arith.addi %iota3A, %add3A_529 : vector<16xi32>
    %and3A_531 = arith.constant 15 : i32
    %and3A_532 = vector.broadcast %and3A_531 : i32 to vector<16xi32>
    %and3A_533 = arith.andi %add3A_530, %and3A_532 : vector<16xi32>
    %gather3A_534 = tpu.vector_load_idx %arg12[%and3A_533] : memref<16xf32, #tpu.memory_space<vmem>>[vector<16xi32>], vector<16xf32>,
    %swap3A_535 = arith.constant 0 : index
    %swap3A_536 = tpu.vector_load %arg12[%swap3A_535] {strides = array<i32>} : memref<16xf32, #tpu.memory_space<vmem>>, vector<16xf32>,
    tpu.vector_store %arg12[%swap3A_535], %max3A_523 {strides = array<i32>} : memref<16xf32, #tpu.memory_space<vmem>>, vector<16xf32>,
    %add3A_537 = arith.constant 4 : i32
    %add3A_538 = vector.broadcast %add3A_537 : i32 to vector<16xi32>
    %add3A_539 = arith.addi %iota3A, %add3A_538 : vector<16xi32>
    %and3A_540 = arith.constant 15 : i32
    %and3A_541 = vector.broadcast %and3A_540 : i32 to vector<16xi32>
    %and3A_542 = arith.andi %add3A_539, %and3A_541 : vector<16xi32>
    %gather3A_543 = tpu.vector_load_idx %arg12[%and3A_542] : memref<16xf32, #tpu.memory_space<vmem>>[vector<16xi32>], vector<16xf32>,
    %swap3A_544 = arith.constant 0 : index
    %swap3A_545 = tpu.vector_load %arg12[%swap3A_544] {strides = array<i32>} : memref<16xf32, #tpu.memory_space<vmem>>, vector<16xf32>,
    tpu.vector_store %arg12[%swap3A_544], %max3A_525 {strides = array<i32>} : memref<16xf32, #tpu.memory_space<vmem>>, vector<16xf32>,
    %add3A_546 = arith.constant 4 : i32
    %add3A_547 = vector.broadcast %add3A_546 : i32 to vector<16xi32>
    %add3A_548 = arith.addi %iota3A, %add3A_547 : vector<16xi32>
    %and3A_549 = arith.constant 15 : i32
    %and3A_550 = vector.broadcast %and3A_549 : i32 to vector<16xi32>
    %and3A_551 = arith.andi %add3A_548, %and3A_550 : vector<16xi32>
    %gather3A_552 = tpu.vector_load_idx %arg12[%and3A_551] : memref<16xf32, #tpu.memory_space<vmem>>[vector<16xi32>], vector<16xf32>,
    %max3A_553 = arith.maximumf %max3A_521, %gather3A_534 : vector<16xf32>
    %min3A_554 = arith.minimumf %max3A_521, %gather3A_534 : vector<16xf32>
    %max3A_555 = arith.maximumf %max3A_523, %min3A_554 : vector<16xf32>
    %min3A_556 = arith.minimumf %max3A_523, %min3A_554 : vector<16xf32>
    %max3A_557 = arith.maximumf %max3A_525, %min3A_556 : vector<16xf32>
    %max3A_558 = arith.maximumf %max3A_553, %gather3A_543 : vector<16xf32>
    %min3A_559 = arith.minimumf %max3A_553, %gather3A_543 : vector<16xf32>
    %max3A_560 = arith.maximumf %max3A_555, %min3A_559 : vector<16xf32>
    %min3A_561 = arith.minimumf %max3A_555, %min3A_559 : vector<16xf32>
    %max3A_562 = arith.maximumf %max3A_557, %min3A_561 : vector<16xf32>
    %max3A_563 = arith.maximumf %max3A_558, %gather3A_552 : vector<16xf32>
    %min3A_564 = arith.minimumf %max3A_558, %gather3A_552 : vector<16xf32>
    %max3A_565 = arith.maximumf %max3A_560, %min3A_564 : vector<16xf32>
    %min3A_566 = arith.minimumf %max3A_560, %min3A_564 : vector<16xf32>
    %max3A_567 = arith.maximumf %max3A_562, %min3A_566 : vector<16xf32>
    %swap3A_568 = arith.constant 0 : index
    %swap3A_569 = tpu.vector_load %arg12[%swap3A_568] {strides = array<i32>} : memref<16xf32, #tpu.memory_space<vmem>>, vector<16xf32>,
    tpu.vector_store %arg12[%swap3A_568], %max3A_563 {strides = array<i32>} : memref<16xf32, #tpu.memory_space<vmem>>, vector<16xf32>,
    %add3A_570 = arith.constant 2 : i32
    %add3A_571 = vector.broadcast %add3A_570 : i32 to vector<16xi32>
    %add3A_572 = arith.addi %iota3A, %add3A_571 : vector<16xi32>
    %and3A_573 = arith.constant 15 : i32
    %and3A_574 = vector.broadcast %and3A_573 : i32 to vector<16xi32>
    %and3A_575 = arith.andi %add3A_572, %and3A_574 : vector<16xi32>
    %gather3A_576 = tpu.vector_load_idx %arg12[%and3A_575] : memref<16xf32, #tpu.memory_space<vmem>>[vector<16xi32>], vector<16xf32>,
    %swap3A_577 = arith.constant 0 : index
    %swap3A_578 = tpu.vector_load %arg12[%swap3A_577] {strides = array<i32>} : memref<16xf32, #tpu.memory_space<vmem>>, vector<16xf32>,
    tpu.vector_store %arg12[%swap3A_577], %max3A_565 {strides = array<i32>} : memref<16xf32, #tpu.memory_space<vmem>>, vector<16xf32>,
    %add3A_579 = arith.constant 2 : i32
    %add3A_580 = vector.broadcast %add3A_579 : i32 to vector<16xi32>
    %add3A_581 = arith.addi %iota3A, %add3A_580 : vector<16xi32>
    %and3A_582 = arith.constant 15 : i32
    %and3A_583 = vector.broadcast %and3A_582 : i32 to vector<16xi32>
    %and3A_584 = arith.andi %add3A_581, %and3A_583 : vector<16xi32>
    %gather3A_585 = tpu.vector_load_idx %arg12[%and3A_584] : memref<16xf32, #tpu.memory_space<vmem>>[vector<16xi32>], vector<16xf32>,
    %swap3A_586 = arith.constant 0 : index
    %swap3A_587 = tpu.vector_load %arg12[%swap3A_586] {strides = array<i32>} : memref<16xf32, #tpu.memory_space<vmem>>, vector<16xf32>,
    tpu.vector_store %arg12[%swap3A_586], %max3A_567 {strides = array<i32>} : memref<16xf32, #tpu.memory_space<vmem>>, vector<16xf32>,
    %add3A_588 = arith.constant 2 : i32
    %add3A_589 = vector.broadcast %add3A_588 : i32 to vector<16xi32>
    %add3A_590 = arith.addi %iota3A, %add3A_589 : vector<16xi32>
    %and3A_591 = arith.constant 15 : i32
    %and3A_592 = vector.broadcast %and3A_591 : i32 to vector<16xi32>
    %and3A_593 = arith.andi %add3A_590, %and3A_592 : vector<16xi32>
    %gather3A_594 = tpu.vector_load_idx %arg12[%and3A_593] : memref<16xf32, #tpu.memory_space<vmem>>[vector<16xi32>], vector<16xf32>,
    %max3A_595 = arith.maximumf %max3A_563, %gather3A_576 : vector<16xf32>
    %min3A_596 = arith.minimumf %max3A_563, %gather3A_576 : vector<16xf32>
    %max3A_597 = arith.maximumf %max3A_565, %min3A_596 : vector<16xf32>
    %min3A_598 = arith.minimumf %max3A_565, %min3A_596 : vector<16xf32>
    %max3A_599 = arith.maximumf %max3A_567, %min3A_598 : vector<16xf32>
    %max3A_600 = arith.maximumf %max3A_595, %gather3A_585 : vector<16xf32>
    %min3A_601 = arith.minimumf %max3A_595, %gather3A_585 : vector<16xf32>
    %max3A_602 = arith.maximumf %max3A_597, %min3A_601 : vector<16xf32>
    %min3A_603 = arith.minimumf %max3A_597, %min3A_601 : vector<16xf32>
    %max3A_604 = arith.maximumf %max3A_599, %min3A_603 : vector<16xf32>
    %max3A_605 = arith.maximumf %max3A_600, %gather3A_594 : vector<16xf32>
    %min3A_606 = arith.minimumf %max3A_600, %gather3A_594 : vector<16xf32>
    %max3A_607 = arith.maximumf %max3A_602, %min3A_606 : vector<16xf32>
    %min3A_608 = arith.minimumf %max3A_602, %min3A_606 : vector<16xf32>
    %max3A_609 = arith.maximumf %max3A_604, %min3A_608 : vector<16xf32>
    %swap3A_610 = arith.constant 0 : index
    %swap3A_611 = tpu.vector_load %arg12[%swap3A_610] {strides = array<i32>} : memref<16xf32, #tpu.memory_space<vmem>>, vector<16xf32>,
    tpu.vector_store %arg12[%swap3A_610], %max3A_605 {strides = array<i32>} : memref<16xf32, #tpu.memory_space<vmem>>, vector<16xf32>,
    %add3A_612 = arith.constant 1 : i32
    %add3A_613 = vector.broadcast %add3A_612 : i32 to vector<16xi32>
    %add3A_614 = arith.addi %iota3A, %add3A_613 : vector<16xi32>
    %and3A_615 = arith.constant 15 : i32
    %and3A_616 = vector.broadcast %and3A_615 : i32 to vector<16xi32>
    %and3A_617 = arith.andi %add3A_614, %and3A_616 : vector<16xi32>
    %gather3A_618 = tpu.vector_load_idx %arg12[%and3A_617] : memref<16xf32, #tpu.memory_space<vmem>>[vector<16xi32>], vector<16xf32>,
    %swap3A_619 = arith.constant 0 : index
    %swap3A_620 = tpu.vector_load %arg12[%swap3A_619] {strides = array<i32>} : memref<16xf32, #tpu.memory_space<vmem>>, vector<16xf32>,
    tpu.vector_store %arg12[%swap3A_619], %max3A_607 {strides = array<i32>} : memref<16xf32, #tpu.memory_space<vmem>>, vector<16xf32>,
    %add3A_621 = arith.constant 1 : i32
    %add3A_622 = vector.broadcast %add3A_621 : i32 to vector<16xi32>
    %add3A_623 = arith.addi %iota3A, %add3A_622 : vector<16xi32>
    %and3A_624 = arith.constant 15 : i32
    %and3A_625 = vector.broadcast %and3A_624 : i32 to vector<16xi32>
    %and3A_626 = arith.andi %add3A_623, %and3A_625 : vector<16xi32>
    %gather3A_627 = tpu.vector_load_idx %arg12[%and3A_626] : memref<16xf32, #tpu.memory_space<vmem>>[vector<16xi32>], vector<16xf32>,
    %swap3A_628 = arith.constant 0 : index
    %swap3A_629 = tpu.vector_load %arg12[%swap3A_628] {strides = array<i32>} : memref<16xf32, #tpu.memory_space<vmem>>, vector<16xf32>,
    tpu.vector_store %arg12[%swap3A_628], %max3A_609 {strides = array<i32>} : memref<16xf32, #tpu.memory_space<vmem>>, vector<16xf32>,
    %add3A_630 = arith.constant 1 : i32
    %add3A_631 = vector.broadcast %add3A_630 : i32 to vector<16xi32>
    %add3A_632 = arith.addi %iota3A, %add3A_631 : vector<16xi32>
    %and3A_633 = arith.constant 15 : i32
    %and3A_634 = vector.broadcast %and3A_633 : i32 to vector<16xi32>
    %and3A_635 = arith.andi %add3A_632, %and3A_634 : vector<16xi32>
    %gather3A_636 = tpu.vector_load_idx %arg12[%and3A_635] : memref<16xf32, #tpu.memory_space<vmem>>[vector<16xi32>], vector<16xf32>,
    %max3A_637 = arith.maximumf %max3A_605, %gather3A_618 : vector<16xf32>
    %min3A_638 = arith.minimumf %max3A_605, %gather3A_618 : vector<16xf32>
    %max3A_639 = arith.maximumf %max3A_607, %min3A_638 : vector<16xf32>
    %min3A_640 = arith.minimumf %max3A_607, %min3A_638 : vector<16xf32>
    %max3A_641 = arith.maximumf %max3A_609, %min3A_640 : vector<16xf32>
    %max3A_642 = arith.maximumf %max3A_637, %gather3A_627 : vector<16xf32>
    %min3A_643 = arith.minimumf %max3A_637, %gather3A_627 : vector<16xf32>
    %max3A_644 = arith.maximumf %max3A_639, %min3A_643 : vector<16xf32>
    %min3A_645 = arith.minimumf %max3A_639, %min3A_643 : vector<16xf32>
    %max3A_646 = arith.maximumf %max3A_641, %min3A_645 : vector<16xf32>
    %max3A_647 = arith.maximumf %max3A_642, %gather3A_636 : vector<16xf32>
    %min3A_648 = arith.minimumf %max3A_642, %gather3A_636 : vector<16xf32>
    %max3A_649 = arith.maximumf %max3A_644, %min3A_648 : vector<16xf32>
    %min3A_650 = arith.minimumf %max3A_644, %min3A_648 : vector<16xf32>
    %max3A_651 = arith.maximumf %max3A_646, %min3A_650 : vector<16xf32>
    %slice3A_652 = vector.extract_strided_slice %max3A_647 {offsets = [0], sizes = [1], strides = [1]} : vector<16xf32> to vector<1xf32>
    %squeeze3A_653 = vector.extract %slice3A_652[0] : f32 from vector<1xf32>
    %slice3A_654 = vector.extract_strided_slice %max3A_649 {offsets = [0], sizes = [1], strides = [1]} : vector<16xf32> to vector<1xf32>
    %squeeze3A_655 = vector.extract %slice3A_654[0] : f32 from vector<1xf32>
    %slice3A_656 = vector.extract_strided_slice %max3A_651 {offsets = [0], sizes = [1], strides = [1]} : vector<16xf32> to vector<1xf32>
    %squeeze3A_657 = vector.extract %slice3A_656[0] : f32 from vector<1xf32>
    %eq3A_658 = arith.constant 4 : i32
    %eq3A_659 = vector.broadcast %eq3A_658 : i32 to vector<16xi32>
    %eq3A_660 = arith.cmpi eq, %iota3A, %eq3A_659 : vector<16xi32>
    %broadcast_in_dim3A_661 = vector.broadcast %reduce_max3A_425 : f32 to vector<16xf32>
    %select_n3A_662 = arith.select %eq3A_660, %broadcast_in_dim3A_661, %select_n3A_392 : vector<16xi1>, vector<16xf32>
    %eq3A_663 = arith.constant 5 : i32
    %eq3A_664 = vector.broadcast %eq3A_663 : i32 to vector<16xi32>
    %eq3A_665 = arith.cmpi eq, %iota3A, %eq3A_664 : vector<16xi32>
    %broadcast_in_dim3A_666 = vector.broadcast %squeeze3A_653 : f32 to vector<16xf32>
    %select_n3A_667 = arith.select %eq3A_665, %broadcast_in_dim3A_666, %select_n3A_662 : vector<16xi1>, vector<16xf32>
    %eq3A_668 = arith.constant 6 : i32
    %eq3A_669 = vector.broadcast %eq3A_668 : i32 to vector<16xi32>
    %eq3A_670 = arith.cmpi eq, %iota3A, %eq3A_669 : vector<16xi32>
    %broadcast_in_dim3A_671 = vector.broadcast %squeeze3A_655 : f32 to vector<16xf32>
    %select_n3A_672 = arith.select %eq3A_670, %broadcast_in_dim3A_671, %select_n3A_667 : vector<16xi1>, vector<16xf32>
    %eq3A_673 = arith.constant 7 : i32
    %eq3A_674 = vector.broadcast %eq3A_673 : i32 to vector<16xi32>
    %eq3A_675 = arith.cmpi eq, %iota3A, %eq3A_674 : vector<16xi32>
    %broadcast_in_dim3A_676 = vector.broadcast %squeeze3A_657 : f32 to vector<16xf32>
    %select_n3A_677 = arith.select %eq3A_675, %broadcast_in_dim3A_676, %select_n3A_672 : vector<16xi1>, vector<16xf32>
    %dma_wait3A_678 = arith.constant 0 : i32
    %dma_wait3A_679 = tpu.memref_slice %arg2[%add3A_19, %dma_wait3A_678] : memref<128x32768xf32, #tpu.memory_space<hbm>> -> memref<1x32768xf32, #tpu.memory_space<hbm>>
    %dma_wait3A_680 = tpu.memref_squeeze %dma_wait3A_679 : memref<1x32768xf32, #tpu.memory_space<hbm>> -> memref<32768xf32, #tpu.memory_space<hbm>>
    %dma_wait3A_681 = arith.constant 0 : i32
    %dma_wait3A_682 = tpu.memref_slice %arg2[%add3A_19, %dma_wait3A_681] : memref<128x32768xf32, #tpu.memory_space<hbm>> -> memref<1x32768xf32, #tpu.memory_space<hbm>>
    %dma_wait3A_683 = tpu.memref_squeeze %dma_wait3A_682 : memref<1x32768xf32, #tpu.memory_space<hbm>> -> memref<32768xf32, #tpu.memory_space<hbm>>
    tpu.wait_dma2 semaphore(%arg15 : memref<!tpu.dma_semaphore, #tpu.memory_space<semaphore_mem>>) src(%dma_wait3A_683 : memref<32768xf32, #tpu.memory_space<hbm>>) dst(%arg10 : memref<32768xf32, #tpu.memory_space<vmem>>)
    %slice3A_684 = vector.extract_strided_slice %gather3A {offsets = [8], sizes = [1], strides = [1]} : vector<16xi32> to vector<1xi32>
    %squeeze3A_685 = vector.extract %slice3A_684[0] : i32 from vector<1xi32>
    %shift_right_arithmetic3A_686 = arith.constant 4 : i32
    %shift_right_arithmetic3A_687 = arith.shrsi %squeeze3A_685, %shift_right_arithmetic3A_686 : i32
    %shift_left3A_688 = arith.constant 4 : i32
    %shift_left3A_689 = arith.shli %shift_right_arithmetic3A_687, %shift_left3A_688 : i32
    %and3A_690 = arith.constant 15 : i32
    %and3A_691 = arith.andi %squeeze3A_685, %and3A_690 : i32
    %get3A_692 = arith.index_cast %shift_left3A_689 : i32 to index
    %get3A_693 = tpu.vector_load %arg10[%get3A_692] {strides = array<i32>} : memref<32768xf32, #tpu.memory_space<vmem>>, vector<16xf32>,
    %eq3A_694 = vector.broadcast %and3A_691 : i32 to vector<16xi32>
    %eq3A_695 = arith.cmpi eq, %iota3A, %eq3A_694 : vector<16xi32>
    %jit3A_696 = arith.constant -3.000000e+38 : f32
    %broadcast_in_dim3A_697 = vector.broadcast %jit3A_696 : f32 to vector<16xf32>
    %select_n3A_698 = arith.select %eq3A_695, %get3A_693, %broadcast_in_dim3A_697 : vector<16xi1>, vector<16xf32>
    %reduce_max3A_699 = arith.constant true
    %reduce_max3A_700 = vector.broadcast %reduce_max3A_699 : i1 to vector<16xi1>
    %reduce_max3A_701 = tpu.scan <max>, %select_n3A_698 masked %reduce_max3A_700 : vector<16xf32>, vector<16xi1> -> vector<16xf32>
    %reduce_max3A_702 = vector.extract %reduce_max3A_701[15] : f32 from vector<16xf32>
    %jit3A_703 = arith.constant -3.000000e+38 : f32
    %broadcast_in_dim3A_704 = vector.broadcast %jit3A_703 : f32 to vector<16xf32>
    %select_n3A_705 = arith.select %eq3A_695, %broadcast_in_dim3A_704, %get3A_693 : vector<16xi1>, vector<16xf32>
    %swap3A_706 = arith.index_cast %shift_left3A_689 : i32 to index
    %swap3A_707 = tpu.vector_load %arg10[%swap3A_706] {strides = array<i32>} : memref<32768xf32, #tpu.memory_space<vmem>>, vector<16xf32>,
    tpu.vector_store %arg10[%swap3A_706], %select_n3A_705 {strides = array<i32>} : memref<32768xf32, #tpu.memory_space<vmem>>, vector<16xf32>,
    %broadcast_in_dim3A_708 = arith.constant -3.000000e+38 : f32
    %broadcast_in_dim3A_709 = vector.broadcast %broadcast_in_dim3A_708 : f32 to vector<16xf32>
    %scan3A_710 = arith.constant 0 : i32
    %scan3A_711 = arith.constant 128 : i32
    %scan3A_712 = arith.addi %scan3A_710, %scan3A_711 : i32
    %scan3A_713 = arith.constant 1 : i32
    %scan3A_714:12 = scf.for %scan3A_1324 = %scan3A_710 to %scan3A_712 step %scan3A_713 iter_args(%scan3A_1325 = %broadcast_in_dim3A_709, %scan3A_1326 = %broadcast_in_dim3A_709, %scan3A_1327 = %broadcast_in_dim3A_709, %scan3A_1328 = %broadcast_in_dim3A_709, %scan3A_1329 = %broadcast_in_dim3A_709, %scan3A_1330 = %broadcast_in_dim3A_709, %scan3A_1331 = %broadcast_in_dim3A_709, %scan3A_1332 = %broadcast_in_dim3A_709, %scan3A_1333 = %broadcast_in_dim3A_709, %scan3A_1334 = %broadcast_in_dim3A_709, %scan3A_1335 = %broadcast_in_dim3A_709, %scan3A_1336 = %broadcast_in_dim3A_709) -> (vector<16xf32>, vector<16xf32>, vector<16xf32>, vector<16xf32>, vector<16xf32>, vector<16xf32>, vector<16xf32>, vector<16xf32>, vector<16xf32>, vector<16xf32>, vector<16xf32>, vector<16xf32>)  : i32 {
      %mul3A_1337 = arith.constant 256 : i32
      %mul3A_1338 = arith.muli %scan3A_1324, %mul3A_1337 : i32
      %add3A_1339 = arith.constant 0 : i32
      %add3A_1340 = arith.addi %mul3A_1338, %add3A_1339 : i32
      %get3A_1341 = arith.index_cast %add3A_1340 : i32 to index
      %get3A_1342 = tpu.vector_load %arg10[%get3A_1341] {strides = array<i32>} : memref<32768xf32, #tpu.memory_space<vmem>>, vector<16xf32>,
      %max3A_1343 = arith.maximumf %scan3A_1325, %get3A_1342 : vector<16xf32>
      %min3A_1344 = arith.minimumf %scan3A_1325, %get3A_1342 : vector<16xf32>
      %max3A_1345 = arith.maximumf %scan3A_1326, %min3A_1344 : vector<16xf32>
      %min3A_1346 = arith.minimumf %scan3A_1326, %min3A_1344 : vector<16xf32>
      %max3A_1347 = arith.maximumf %scan3A_1327, %min3A_1346 : vector<16xf32>
      %add3A_1348 = arith.constant 16 : i32
      %add3A_1349 = arith.addi %mul3A_1338, %add3A_1348 : i32
      %get3A_1350 = arith.index_cast %add3A_1349 : i32 to index
      %get3A_1351 = tpu.vector_load %arg10[%get3A_1350] {strides = array<i32>} : memref<32768xf32, #tpu.memory_space<vmem>>, vector<16xf32>,
      %max3A_1352 = arith.maximumf %scan3A_1328, %get3A_1351 : vector<16xf32>
      %min3A_1353 = arith.minimumf %scan3A_1328, %get3A_1351 : vector<16xf32>
      %max3A_1354 = arith.maximumf %scan3A_1329, %min3A_1353 : vector<16xf32>
      %min3A_1355 = arith.minimumf %scan3A_1329, %min3A_1353 : vector<16xf32>
      %max3A_1356 = arith.maximumf %scan3A_1330, %min3A_1355 : vector<16xf32>
      %add3A_1357 = arith.constant 32 : i32
      %add3A_1358 = arith.addi %mul3A_1338, %add3A_1357 : i32
      %get3A_1359 = arith.index_cast %add3A_1358 : i32 to index
      %get3A_1360 = tpu.vector_load %arg10[%get3A_1359] {strides = array<i32>} : memref<32768xf32, #tpu.memory_space<vmem>>, vector<16xf32>,
      %max3A_1361 = arith.maximumf %scan3A_1331, %get3A_1360 : vector<16xf32>
      %min3A_1362 = arith.minimumf %scan3A_1331, %get3A_1360 : vector<16xf32>
      %max3A_1363 = arith.maximumf %scan3A_1332, %min3A_1362 : vector<16xf32>
      %min3A_1364 = arith.minimumf %scan3A_1332, %min3A_1362 : vector<16xf32>
      %max3A_1365 = arith.maximumf %scan3A_1333, %min3A_1364 : vector<16xf32>
      %add3A_1366 = arith.constant 48 : i32
      %add3A_1367 = arith.addi %mul3A_1338, %add3A_1366 : i32
      %get3A_1368 = arith.index_cast %add3A_1367 : i32 to index
      %get3A_1369 = tpu.vector_load %arg10[%get3A_1368] {strides = array<i32>} : memref<32768xf32, #tpu.memory_space<vmem>>, vector<16xf32>,
      %max3A_1370 = arith.maximumf %scan3A_1334, %get3A_1369 : vector<16xf32>
      %min3A_1371 = arith.minimumf %scan3A_1334, %get3A_1369 : vector<16xf32>
      %max3A_1372 = arith.maximumf %scan3A_1335, %min3A_1371 : vector<16xf32>
      %min3A_1373 = arith.minimumf %scan3A_1335, %min3A_1371 : vector<16xf32>
      %max3A_1374 = arith.maximumf %scan3A_1336, %min3A_1373 : vector<16xf32>
      %add3A_1375 = arith.constant 64 : i32
      %add3A_1376 = arith.addi %mul3A_1338, %add3A_1375 : i32
      %get3A_1377 = arith.index_cast %add3A_1376 : i32 to index
      %get3A_1378 = tpu.vector_load %arg10[%get3A_1377] {strides = array<i32>} : memref<32768xf32, #tpu.memory_space<vmem>>, vector<16xf32>,
      %max3A_1379 = arith.maximumf %max3A_1343, %get3A_1378 : vector<16xf32>
      %min3A_1380 = arith.minimumf %max3A_1343, %get3A_1378 : vector<16xf32>
      %max3A_1381 = arith.maximumf %max3A_1345, %min3A_1380 : vector<16xf32>
      %min3A_1382 = arith.minimumf %max3A_1345, %min3A_1380 : vector<16xf32>
      %max3A_1383 = arith.maximumf %max3A_1347, %min3A_1382 : vector<16xf32>
      %add3A_1384 = arith.constant 80 : i32
      %add3A_1385 = arith.addi %mul3A_1338, %add3A_1384 : i32
      %get3A_1386 = arith.index_cast %add3A_1385 : i32 to index
      %get3A_1387 = tpu.vector_load %arg10[%get3A_1386] {strides = array<i32>} : memref<32768xf32, #tpu.memory_space<vmem>>, vector<16xf32>,
      %max3A_1388 = arith.maximumf %max3A_1352, %get3A_1387 : vector<16xf32>
      %min3A_1389 = arith.minimumf %max3A_1352, %get3A_1387 : vector<16xf32>
      %max3A_1390 = arith.maximumf %max3A_1354, %min3A_1389 : vector<16xf32>
      %min3A_1391 = arith.minimumf %max3A_1354, %min3A_1389 : vector<16xf32>
      %max3A_1392 = arith.maximumf %max3A_1356, %min3A_1391 : vector<16xf32>
      %add3A_1393 = arith.constant 96 : i32
      %add3A_1394 = arith.addi %mul3A_1338, %add3A_1393 : i32
      %get3A_1395 = arith.index_cast %add3A_1394 : i32 to index
      %get3A_1396 = tpu.vector_load %arg10[%get3A_1395] {strides = array<i32>} : memref<32768xf32, #tpu.memory_space<vmem>>, vector<16xf32>,
      %max3A_1397 = arith.maximumf %max3A_1361, %get3A_1396 : vector<16xf32>
      %min3A_1398 = arith.minimumf %max3A_1361, %get3A_1396 : vector<16xf32>
      %max3A_1399 = arith.maximumf %max3A_1363, %min3A_1398 : vector<16xf32>
      %min3A_1400 = arith.minimumf %max3A_1363, %min3A_1398 : vector<16xf32>
      %max3A_1401 = arith.maximumf %max3A_1365, %min3A_1400 : vector<16xf32>
      %add3A_1402 = arith.constant 112 : i32
      %add3A_1403 = arith.addi %mul3A_1338, %add3A_1402 : i32
      %get3A_1404 = arith.index_cast %add3A_1403 : i32 to index
      %get3A_1405 = tpu.vector_load %arg10[%get3A_1404] {strides = array<i32>} : memref<32768xf32, #tpu.memory_space<vmem>>, vector<16xf32>,
      %max3A_1406 = arith.maximumf %max3A_1370, %get3A_1405 : vector<16xf32>
      %min3A_1407 = arith.minimumf %max3A_1370, %get3A_1405 : vector<16xf32>
      %max3A_1408 = arith.maximumf %max3A_1372, %min3A_1407 : vector<16xf32>
      %min3A_1409 = arith.minimumf %max3A_1372, %min3A_1407 : vector<16xf32>
      %max3A_1410 = arith.maximumf %max3A_1374, %min3A_1409 : vector<16xf32>
      %add3A_1411 = arith.constant 128 : i32
      %add3A_1412 = arith.addi %mul3A_1338, %add3A_1411 : i32
      %get3A_1413 = arith.index_cast %add3A_1412 : i32 to index
      %get3A_1414 = tpu.vector_load %arg10[%get3A_1413] {strides = array<i32>} : memref<32768xf32, #tpu.memory_space<vmem>>, vector<16xf32>,
      %max3A_1415 = arith.maximumf %max3A_1379, %get3A_1414 : vector<16xf32>
      %min3A_1416 = arith.minimumf %max3A_1379, %get3A_1414 : vector<16xf32>
      %max3A_1417 = arith.maximumf %max3A_1381, %min3A_1416 : vector<16xf32>
      %min3A_1418 = arith.minimumf %max3A_1381, %min3A_1416 : vector<16xf32>
      %max3A_1419 = arith.maximumf %max3A_1383, %min3A_1418 : vector<16xf32>
      %add3A_1420 = arith.constant 144 : i32
      %add3A_1421 = arith.addi %mul3A_1338, %add3A_1420 : i32
      %get3A_1422 = arith.index_cast %add3A_1421 : i32 to index
      %get3A_1423 = tpu.vector_load %arg10[%get3A_1422] {strides = array<i32>} : memref<32768xf32, #tpu.memory_space<vmem>>, vector<16xf32>,
      %max3A_1424 = arith.maximumf %max3A_1388, %get3A_1423 : vector<16xf32>
      %min3A_1425 = arith.minimumf %max3A_1388, %get3A_1423 : vector<16xf32>
      %max3A_1426 = arith.maximumf %max3A_1390, %min3A_1425 : vector<16xf32>
      %min3A_1427 = arith.minimumf %max3A_1390, %min3A_1425 : vector<16xf32>
      %max3A_1428 = arith.maximumf %max3A_1392, %min3A_1427 : vector<16xf32>
      %add3A_1429 = arith.constant 160 : i32
      %add3A_1430 = arith.addi %mul3A_1338, %add3A_1429 : i32
      %get3A_1431 = arith.index_cast %add3A_1430 : i32 to index
      %get3A_1432 = tpu.vector_load %arg10[%get3A_1431] {strides = array<i32>} : memref<32768xf32, #tpu.memory_space<vmem>>, vector<16xf32>,
      %max3A_1433 = arith.maximumf %max3A_1397, %get3A_1432 : vector<16xf32>
      %min3A_1434 = arith.minimumf %max3A_1397, %get3A_1432 : vector<16xf32>
      %max3A_1435 = arith.maximumf %max3A_1399, %min3A_1434 : vector<16xf32>
      %min3A_1436 = arith.minimumf %max3A_1399, %min3A_1434 : vector<16xf32>
      %max3A_1437 = arith.maximumf %max3A_1401, %min3A_1436 : vector<16xf32>
      %add3A_1438 = arith.constant 176 : i32
      %add3A_1439 = arith.addi %mul3A_1338, %add3A_1438 : i32
      %get3A_1440 = arith.index_cast %add3A_1439 : i32 to index
      %get3A_1441 = tpu.vector_load %arg10[%get3A_1440] {strides = array<i32>} : memref<32768xf32, #tpu.memory_space<vmem>>, vector<16xf32>,
      %max3A_1442 = arith.maximumf %max3A_1406, %get3A_1441 : vector<16xf32>
      %min3A_1443 = arith.minimumf %max3A_1406, %get3A_1441 : vector<16xf32>
      %max3A_1444 = arith.maximumf %max3A_1408, %min3A_1443 : vector<16xf32>
      %min3A_1445 = arith.minimumf %max3A_1408, %min3A_1443 : vector<16xf32>
      %max3A_1446 = arith.maximumf %max3A_1410, %min3A_1445 : vector<16xf32>
      %add3A_1447 = arith.constant 192 : i32
      %add3A_1448 = arith.addi %mul3A_1338, %add3A_1447 : i32
      %get3A_1449 = arith.index_cast %add3A_1448 : i32 to index
      %get3A_1450 = tpu.vector_load %arg10[%get3A_1449] {strides = array<i32>} : memref<32768xf32, #tpu.memory_space<vmem>>, vector<16xf32>,
      %max3A_1451 = arith.maximumf %max3A_1415, %get3A_1450 : vector<16xf32>
      %min3A_1452 = arith.minimumf %max3A_1415, %get3A_1450 : vector<16xf32>
      %max3A_1453 = arith.maximumf %max3A_1417, %min3A_1452 : vector<16xf32>
      %min3A_1454 = arith.minimumf %max3A_1417, %min3A_1452 : vector<16xf32>
      %max3A_1455 = arith.maximumf %max3A_1419, %min3A_1454 : vector<16xf32>
      %add3A_1456 = arith.constant 208 : i32
      %add3A_1457 = arith.addi %mul3A_1338, %add3A_1456 : i32
      %get3A_1458 = arith.index_cast %add3A_1457 : i32 to index
      %get3A_1459 = tpu.vector_load %arg10[%get3A_1458] {strides = array<i32>} : memref<32768xf32, #tpu.memory_space<vmem>>, vector<16xf32>,
      %max3A_1460 = arith.maximumf %max3A_1424, %get3A_1459 : vector<16xf32>
      %min3A_1461 = arith.minimumf %max3A_1424, %get3A_1459 : vector<16xf32>
      %max3A_1462 = arith.maximumf %max3A_1426, %min3A_1461 : vector<16xf32>
      %min3A_1463 = arith.minimumf %max3A_1426, %min3A_1461 : vector<16xf32>
      %max3A_1464 = arith.maximumf %max3A_1428, %min3A_1463 : vector<16xf32>
      %add3A_1465 = arith.constant 224 : i32
      %add3A_1466 = arith.addi %mul3A_1338, %add3A_1465 : i32
      %get3A_1467 = arith.index_cast %add3A_1466 : i32 to index
      %get3A_1468 = tpu.vector_load %arg10[%get3A_1467] {strides = array<i32>} : memref<32768xf32, #tpu.memory_space<vmem>>, vector<16xf32>,
      %max3A_1469 = arith.maximumf %max3A_1433, %get3A_1468 : vector<16xf32>
      %min3A_1470 = arith.minimumf %max3A_1433, %get3A_1468 : vector<16xf32>
      %max3A_1471 = arith.maximumf %max3A_1435, %min3A_1470 : vector<16xf32>
      %min3A_1472 = arith.minimumf %max3A_1435, %min3A_1470 : vector<16xf32>
      %max3A_1473 = arith.maximumf %max3A_1437, %min3A_1472 : vector<16xf32>
      %add3A_1474 = arith.constant 240 : i32
      %add3A_1475 = arith.addi %mul3A_1338, %add3A_1474 : i32
      %get3A_1476 = arith.index_cast %add3A_1475 : i32 to index
      %get3A_1477 = tpu.vector_load %arg10[%get3A_1476] {strides = array<i32>} : memref<32768xf32, #tpu.memory_space<vmem>>, vector<16xf32>,
      %max3A_1478 = arith.maximumf %max3A_1442, %get3A_1477 : vector<16xf32>
      %min3A_1479 = arith.minimumf %max3A_1442, %get3A_1477 : vector<16xf32>
      %max3A_1480 = arith.maximumf %max3A_1444, %min3A_1479 : vector<16xf32>
      %min3A_1481 = arith.minimumf %max3A_1444, %min3A_1479 : vector<16xf32>
      %max3A_1482 = arith.maximumf %max3A_1446, %min3A_1481 : vector<16xf32>
      scf.yield %max3A_1451, %max3A_1453, %max3A_1455, %max3A_1460, %max3A_1462, %max3A_1464, %max3A_1469, %max3A_1471, %max3A_1473, %max3A_1478, %max3A_1480, %max3A_1482 : vector<16xf32>, vector<16xf32>, vector<16xf32>, vector<16xf32>, vector<16xf32>, vector<16xf32>, vector<16xf32>, vector<16xf32>, vector<16xf32>, vector<16xf32>, vector<16xf32>, vector<16xf32>
    }
    %scan3A_715 = arith.constant 128 : i32
    %max3A_716 = arith.maximumf %scan3A_714#0, %scan3A_714#3 : vector<16xf32>
    %min3A_717 = arith.minimumf %scan3A_714#0, %scan3A_714#3 : vector<16xf32>
    %max3A_718 = arith.maximumf %scan3A_714#1, %min3A_717 : vector<16xf32>
    %min3A_719 = arith.minimumf %scan3A_714#1, %min3A_717 : vector<16xf32>
    %max3A_720 = arith.maximumf %scan3A_714#2, %min3A_719 : vector<16xf32>
    %max3A_721 = arith.maximumf %max3A_716, %scan3A_714#4 : vector<16xf32>
    %min3A_722 = arith.minimumf %max3A_716, %scan3A_714#4 : vector<16xf32>
    %max3A_723 = arith.maximumf %max3A_718, %min3A_722 : vector<16xf32>
    %min3A_724 = arith.minimumf %max3A_718, %min3A_722 : vector<16xf32>
    %max3A_725 = arith.maximumf %max3A_720, %min3A_724 : vector<16xf32>
    %max3A_726 = arith.maximumf %max3A_721, %scan3A_714#5 : vector<16xf32>
    %min3A_727 = arith.minimumf %max3A_721, %scan3A_714#5 : vector<16xf32>
    %max3A_728 = arith.maximumf %max3A_723, %min3A_727 : vector<16xf32>
    %min3A_729 = arith.minimumf %max3A_723, %min3A_727 : vector<16xf32>
    %max3A_730 = arith.maximumf %max3A_725, %min3A_729 : vector<16xf32>
    %max3A_731 = arith.maximumf %max3A_726, %scan3A_714#6 : vector<16xf32>
    %min3A_732 = arith.minimumf %max3A_726, %scan3A_714#6 : vector<16xf32>
    %max3A_733 = arith.maximumf %max3A_728, %min3A_732 : vector<16xf32>
    %min3A_734 = arith.minimumf %max3A_728, %min3A_732 : vector<16xf32>
    %max3A_735 = arith.maximumf %max3A_730, %min3A_734 : vector<16xf32>
    %max3A_736 = arith.maximumf %max3A_731, %scan3A_714#7 : vector<16xf32>
    %min3A_737 = arith.minimumf %max3A_731, %scan3A_714#7 : vector<16xf32>
    %max3A_738 = arith.maximumf %max3A_733, %min3A_737 : vector<16xf32>
    %min3A_739 = arith.minimumf %max3A_733, %min3A_737 : vector<16xf32>
    %max3A_740 = arith.maximumf %max3A_735, %min3A_739 : vector<16xf32>
    %max3A_741 = arith.maximumf %max3A_736, %scan3A_714#8 : vector<16xf32>
    %min3A_742 = arith.minimumf %max3A_736, %scan3A_714#8 : vector<16xf32>
    %max3A_743 = arith.maximumf %max3A_738, %min3A_742 : vector<16xf32>
    %min3A_744 = arith.minimumf %max3A_738, %min3A_742 : vector<16xf32>
    %max3A_745 = arith.maximumf %max3A_740, %min3A_744 : vector<16xf32>
    %max3A_746 = arith.maximumf %max3A_741, %scan3A_714#9 : vector<16xf32>
    %min3A_747 = arith.minimumf %max3A_741, %scan3A_714#9 : vector<16xf32>
    %max3A_748 = arith.maximumf %max3A_743, %min3A_747 : vector<16xf32>
    %min3A_749 = arith.minimumf %max3A_743, %min3A_747 : vector<16xf32>
    %max3A_750 = arith.maximumf %max3A_745, %min3A_749 : vector<16xf32>
    %max3A_751 = arith.maximumf %max3A_746, %scan3A_714#10 : vector<16xf32>
    %min3A_752 = arith.minimumf %max3A_746, %scan3A_714#10 : vector<16xf32>
    %max3A_753 = arith.maximumf %max3A_748, %min3A_752 : vector<16xf32>
    %min3A_754 = arith.minimumf %max3A_748, %min3A_752 : vector<16xf32>
    %max3A_755 = arith.maximumf %max3A_750, %min3A_754 : vector<16xf32>
    %max3A_756 = arith.maximumf %max3A_751, %scan3A_714#11 : vector<16xf32>
    %min3A_757 = arith.minimumf %max3A_751, %scan3A_714#11 : vector<16xf32>
    %max3A_758 = arith.maximumf %max3A_753, %min3A_757 : vector<16xf32>
    %min3A_759 = arith.minimumf %max3A_753, %min3A_757 : vector<16xf32>
    %max3A_760 = arith.maximumf %max3A_755, %min3A_759 : vector<16xf32>
    %swap3A_761 = arith.constant 0 : index
    %swap3A_762 = tpu.vector_load %arg12[%swap3A_761] {strides = array<i32>} : memref<16xf32, #tpu.memory_space<vmem>>, vector<16xf32>,
    tpu.vector_store %arg12[%swap3A_761], %max3A_756 {strides = array<i32>} : memref<16xf32, #tpu.memory_space<vmem>>, vector<16xf32>,
    %add3A_763 = arith.constant 8 : i32
    %add3A_764 = vector.broadcast %add3A_763 : i32 to vector<16xi32>
    %add3A_765 = arith.addi %iota3A, %add3A_764 : vector<16xi32>
    %and3A_766 = arith.constant 15 : i32
    %and3A_767 = vector.broadcast %and3A_766 : i32 to vector<16xi32>
    %and3A_768 = arith.andi %add3A_765, %and3A_767 : vector<16xi32>
    %gather3A_769 = tpu.vector_load_idx %arg12[%and3A_768] : memref<16xf32, #tpu.memory_space<vmem>>[vector<16xi32>], vector<16xf32>,
    %swap3A_770 = arith.constant 0 : index
    %swap3A_771 = tpu.vector_load %arg12[%swap3A_770] {strides = array<i32>} : memref<16xf32, #tpu.memory_space<vmem>>, vector<16xf32>,
    tpu.vector_store %arg12[%swap3A_770], %max3A_758 {strides = array<i32>} : memref<16xf32, #tpu.memory_space<vmem>>, vector<16xf32>,
    %add3A_772 = arith.constant 8 : i32
    %add3A_773 = vector.broadcast %add3A_772 : i32 to vector<16xi32>
    %add3A_774 = arith.addi %iota3A, %add3A_773 : vector<16xi32>
    %and3A_775 = arith.constant 15 : i32
    %and3A_776 = vector.broadcast %and3A_775 : i32 to vector<16xi32>
    %and3A_777 = arith.andi %add3A_774, %and3A_776 : vector<16xi32>
    %gather3A_778 = tpu.vector_load_idx %arg12[%and3A_777] : memref<16xf32, #tpu.memory_space<vmem>>[vector<16xi32>], vector<16xf32>,
    %swap3A_779 = arith.constant 0 : index
    %swap3A_780 = tpu.vector_load %arg12[%swap3A_779] {strides = array<i32>} : memref<16xf32, #tpu.memory_space<vmem>>, vector<16xf32>,
    tpu.vector_store %arg12[%swap3A_779], %max3A_760 {strides = array<i32>} : memref<16xf32, #tpu.memory_space<vmem>>, vector<16xf32>,
    %add3A_781 = arith.constant 8 : i32
    %add3A_782 = vector.broadcast %add3A_781 : i32 to vector<16xi32>
    %add3A_783 = arith.addi %iota3A, %add3A_782 : vector<16xi32>
    %and3A_784 = arith.constant 15 : i32
    %and3A_785 = vector.broadcast %and3A_784 : i32 to vector<16xi32>
    %and3A_786 = arith.andi %add3A_783, %and3A_785 : vector<16xi32>
    %gather3A_787 = tpu.vector_load_idx %arg12[%and3A_786] : memref<16xf32, #tpu.memory_space<vmem>>[vector<16xi32>], vector<16xf32>,
    %max3A_788 = arith.maximumf %max3A_756, %gather3A_769 : vector<16xf32>
    %min3A_789 = arith.minimumf %max3A_756, %gather3A_769 : vector<16xf32>
    %max3A_790 = arith.maximumf %max3A_758, %min3A_789 : vector<16xf32>
    %min3A_791 = arith.minimumf %max3A_758, %min3A_789 : vector<16xf32>
    %max3A_792 = arith.maximumf %max3A_760, %min3A_791 : vector<16xf32>
    %max3A_793 = arith.maximumf %max3A_788, %gather3A_778 : vector<16xf32>
    %min3A_794 = arith.minimumf %max3A_788, %gather3A_778 : vector<16xf32>
    %max3A_795 = arith.maximumf %max3A_790, %min3A_794 : vector<16xf32>
    %min3A_796 = arith.minimumf %max3A_790, %min3A_794 : vector<16xf32>
    %max3A_797 = arith.maximumf %max3A_792, %min3A_796 : vector<16xf32>
    %max3A_798 = arith.maximumf %max3A_793, %gather3A_787 : vector<16xf32>
    %min3A_799 = arith.minimumf %max3A_793, %gather3A_787 : vector<16xf32>
    %max3A_800 = arith.maximumf %max3A_795, %min3A_799 : vector<16xf32>
    %min3A_801 = arith.minimumf %max3A_795, %min3A_799 : vector<16xf32>
    %max3A_802 = arith.maximumf %max3A_797, %min3A_801 : vector<16xf32>
    %swap3A_803 = arith.constant 0 : index
    %swap3A_804 = tpu.vector_load %arg12[%swap3A_803] {strides = array<i32>} : memref<16xf32, #tpu.memory_space<vmem>>, vector<16xf32>,
    tpu.vector_store %arg12[%swap3A_803], %max3A_798 {strides = array<i32>} : memref<16xf32, #tpu.memory_space<vmem>>, vector<16xf32>,
    %add3A_805 = arith.constant 4 : i32
    %add3A_806 = vector.broadcast %add3A_805 : i32 to vector<16xi32>
    %add3A_807 = arith.addi %iota3A, %add3A_806 : vector<16xi32>
    %and3A_808 = arith.constant 15 : i32
    %and3A_809 = vector.broadcast %and3A_808 : i32 to vector<16xi32>
    %and3A_810 = arith.andi %add3A_807, %and3A_809 : vector<16xi32>
    %gather3A_811 = tpu.vector_load_idx %arg12[%and3A_810] : memref<16xf32, #tpu.memory_space<vmem>>[vector<16xi32>], vector<16xf32>,
    %swap3A_812 = arith.constant 0 : index
    %swap3A_813 = tpu.vector_load %arg12[%swap3A_812] {strides = array<i32>} : memref<16xf32, #tpu.memory_space<vmem>>, vector<16xf32>,
    tpu.vector_store %arg12[%swap3A_812], %max3A_800 {strides = array<i32>} : memref<16xf32, #tpu.memory_space<vmem>>, vector<16xf32>,
    %add3A_814 = arith.constant 4 : i32
    %add3A_815 = vector.broadcast %add3A_814 : i32 to vector<16xi32>
    %add3A_816 = arith.addi %iota3A, %add3A_815 : vector<16xi32>
    %and3A_817 = arith.constant 15 : i32
    %and3A_818 = vector.broadcast %and3A_817 : i32 to vector<16xi32>
    %and3A_819 = arith.andi %add3A_816, %and3A_818 : vector<16xi32>
    %gather3A_820 = tpu.vector_load_idx %arg12[%and3A_819] : memref<16xf32, #tpu.memory_space<vmem>>[vector<16xi32>], vector<16xf32>,
    %swap3A_821 = arith.constant 0 : index
    %swap3A_822 = tpu.vector_load %arg12[%swap3A_821] {strides = array<i32>} : memref<16xf32, #tpu.memory_space<vmem>>, vector<16xf32>,
    tpu.vector_store %arg12[%swap3A_821], %max3A_802 {strides = array<i32>} : memref<16xf32, #tpu.memory_space<vmem>>, vector<16xf32>,
    %add3A_823 = arith.constant 4 : i32
    %add3A_824 = vector.broadcast %add3A_823 : i32 to vector<16xi32>
    %add3A_825 = arith.addi %iota3A, %add3A_824 : vector<16xi32>
    %and3A_826 = arith.constant 15 : i32
    %and3A_827 = vector.broadcast %and3A_826 : i32 to vector<16xi32>
    %and3A_828 = arith.andi %add3A_825, %and3A_827 : vector<16xi32>
    %gather3A_829 = tpu.vector_load_idx %arg12[%and3A_828] : memref<16xf32, #tpu.memory_space<vmem>>[vector<16xi32>], vector<16xf32>,
    %max3A_830 = arith.maximumf %max3A_798, %gather3A_811 : vector<16xf32>
    %min3A_831 = arith.minimumf %max3A_798, %gather3A_811 : vector<16xf32>
    %max3A_832 = arith.maximumf %max3A_800, %min3A_831 : vector<16xf32>
    %min3A_833 = arith.minimumf %max3A_800, %min3A_831 : vector<16xf32>
    %max3A_834 = arith.maximumf %max3A_802, %min3A_833 : vector<16xf32>
    %max3A_835 = arith.maximumf %max3A_830, %gather3A_820 : vector<16xf32>
    %min3A_836 = arith.minimumf %max3A_830, %gather3A_820 : vector<16xf32>
    %max3A_837 = arith.maximumf %max3A_832, %min3A_836 : vector<16xf32>
    %min3A_838 = arith.minimumf %max3A_832, %min3A_836 : vector<16xf32>
    %max3A_839 = arith.maximumf %max3A_834, %min3A_838 : vector<16xf32>
    %max3A_840 = arith.maximumf %max3A_835, %gather3A_829 : vector<16xf32>
    %min3A_841 = arith.minimumf %max3A_835, %gather3A_829 : vector<16xf32>
    %max3A_842 = arith.maximumf %max3A_837, %min3A_841 : vector<16xf32>
    %min3A_843 = arith.minimumf %max3A_837, %min3A_841 : vector<16xf32>
    %max3A_844 = arith.maximumf %max3A_839, %min3A_843 : vector<16xf32>
    %swap3A_845 = arith.constant 0 : index
    %swap3A_846 = tpu.vector_load %arg12[%swap3A_845] {strides = array<i32>} : memref<16xf32, #tpu.memory_space<vmem>>, vector<16xf32>,
    tpu.vector_store %arg12[%swap3A_845], %max3A_840 {strides = array<i32>} : memref<16xf32, #tpu.memory_space<vmem>>, vector<16xf32>,
    %add3A_847 = arith.constant 2 : i32
    %add3A_848 = vector.broadcast %add3A_847 : i32 to vector<16xi32>
    %add3A_849 = arith.addi %iota3A, %add3A_848 : vector<16xi32>
    %and3A_850 = arith.constant 15 : i32
    %and3A_851 = vector.broadcast %and3A_850 : i32 to vector<16xi32>
    %and3A_852 = arith.andi %add3A_849, %and3A_851 : vector<16xi32>
    %gather3A_853 = tpu.vector_load_idx %arg12[%and3A_852] : memref<16xf32, #tpu.memory_space<vmem>>[vector<16xi32>], vector<16xf32>,
    %swap3A_854 = arith.constant 0 : index
    %swap3A_855 = tpu.vector_load %arg12[%swap3A_854] {strides = array<i32>} : memref<16xf32, #tpu.memory_space<vmem>>, vector<16xf32>,
    tpu.vector_store %arg12[%swap3A_854], %max3A_842 {strides = array<i32>} : memref<16xf32, #tpu.memory_space<vmem>>, vector<16xf32>,
    %add3A_856 = arith.constant 2 : i32
    %add3A_857 = vector.broadcast %add3A_856 : i32 to vector<16xi32>
    %add3A_858 = arith.addi %iota3A, %add3A_857 : vector<16xi32>
    %and3A_859 = arith.constant 15 : i32
    %and3A_860 = vector.broadcast %and3A_859 : i32 to vector<16xi32>
    %and3A_861 = arith.andi %add3A_858, %and3A_860 : vector<16xi32>
    %gather3A_862 = tpu.vector_load_idx %arg12[%and3A_861] : memref<16xf32, #tpu.memory_space<vmem>>[vector<16xi32>], vector<16xf32>,
    %swap3A_863 = arith.constant 0 : index
    %swap3A_864 = tpu.vector_load %arg12[%swap3A_863] {strides = array<i32>} : memref<16xf32, #tpu.memory_space<vmem>>, vector<16xf32>,
    tpu.vector_store %arg12[%swap3A_863], %max3A_844 {strides = array<i32>} : memref<16xf32, #tpu.memory_space<vmem>>, vector<16xf32>,
    %add3A_865 = arith.constant 2 : i32
    %add3A_866 = vector.broadcast %add3A_865 : i32 to vector<16xi32>
    %add3A_867 = arith.addi %iota3A, %add3A_866 : vector<16xi32>
    %and3A_868 = arith.constant 15 : i32
    %and3A_869 = vector.broadcast %and3A_868 : i32 to vector<16xi32>
    %and3A_870 = arith.andi %add3A_867, %and3A_869 : vector<16xi32>
    %gather3A_871 = tpu.vector_load_idx %arg12[%and3A_870] : memref<16xf32, #tpu.memory_space<vmem>>[vector<16xi32>], vector<16xf32>,
    %max3A_872 = arith.maximumf %max3A_840, %gather3A_853 : vector<16xf32>
    %min3A_873 = arith.minimumf %max3A_840, %gather3A_853 : vector<16xf32>
    %max3A_874 = arith.maximumf %max3A_842, %min3A_873 : vector<16xf32>
    %min3A_875 = arith.minimumf %max3A_842, %min3A_873 : vector<16xf32>
    %max3A_876 = arith.maximumf %max3A_844, %min3A_875 : vector<16xf32>
    %max3A_877 = arith.maximumf %max3A_872, %gather3A_862 : vector<16xf32>
    %min3A_878 = arith.minimumf %max3A_872, %gather3A_862 : vector<16xf32>
    %max3A_879 = arith.maximumf %max3A_874, %min3A_878 : vector<16xf32>
    %min3A_880 = arith.minimumf %max3A_874, %min3A_878 : vector<16xf32>
    %max3A_881 = arith.maximumf %max3A_876, %min3A_880 : vector<16xf32>
    %max3A_882 = arith.maximumf %max3A_877, %gather3A_871 : vector<16xf32>
    %min3A_883 = arith.minimumf %max3A_877, %gather3A_871 : vector<16xf32>
    %max3A_884 = arith.maximumf %max3A_879, %min3A_883 : vector<16xf32>
    %min3A_885 = arith.minimumf %max3A_879, %min3A_883 : vector<16xf32>
    %max3A_886 = arith.maximumf %max3A_881, %min3A_885 : vector<16xf32>
    %swap3A_887 = arith.constant 0 : index
    %swap3A_888 = tpu.vector_load %arg12[%swap3A_887] {strides = array<i32>} : memref<16xf32, #tpu.memory_space<vmem>>, vector<16xf32>,
    tpu.vector_store %arg12[%swap3A_887], %max3A_882 {strides = array<i32>} : memref<16xf32, #tpu.memory_space<vmem>>, vector<16xf32>,
    %add3A_889 = arith.constant 1 : i32
    %add3A_890 = vector.broadcast %add3A_889 : i32 to vector<16xi32>
    %add3A_891 = arith.addi %iota3A, %add3A_890 : vector<16xi32>
    %and3A_892 = arith.constant 15 : i32
    %and3A_893 = vector.broadcast %and3A_892 : i32 to vector<16xi32>
    %and3A_894 = arith.andi %add3A_891, %and3A_893 : vector<16xi32>
    %gather3A_895 = tpu.vector_load_idx %arg12[%and3A_894] : memref<16xf32, #tpu.memory_space<vmem>>[vector<16xi32>], vector<16xf32>,
    %swap3A_896 = arith.constant 0 : index
    %swap3A_897 = tpu.vector_load %arg12[%swap3A_896] {strides = array<i32>} : memref<16xf32, #tpu.memory_space<vmem>>, vector<16xf32>,
    tpu.vector_store %arg12[%swap3A_896], %max3A_884 {strides = array<i32>} : memref<16xf32, #tpu.memory_space<vmem>>, vector<16xf32>,
    %add3A_898 = arith.constant 1 : i32
    %add3A_899 = vector.broadcast %add3A_898 : i32 to vector<16xi32>
    %add3A_900 = arith.addi %iota3A, %add3A_899 : vector<16xi32>
    %and3A_901 = arith.constant 15 : i32
    %and3A_902 = vector.broadcast %and3A_901 : i32 to vector<16xi32>
    %and3A_903 = arith.andi %add3A_900, %and3A_902 : vector<16xi32>
    %gather3A_904 = tpu.vector_load_idx %arg12[%and3A_903] : memref<16xf32, #tpu.memory_space<vmem>>[vector<16xi32>], vector<16xf32>,
    %swap3A_905 = arith.constant 0 : index
    %swap3A_906 = tpu.vector_load %arg12[%swap3A_905] {strides = array<i32>} : memref<16xf32, #tpu.memory_space<vmem>>, vector<16xf32>,
    tpu.vector_store %arg12[%swap3A_905], %max3A_886 {strides = array<i32>} : memref<16xf32, #tpu.memory_space<vmem>>, vector<16xf32>,
    %add3A_907 = arith.constant 1 : i32
    %add3A_908 = vector.broadcast %add3A_907 : i32 to vector<16xi32>
    %add3A_909 = arith.addi %iota3A, %add3A_908 : vector<16xi32>
    %and3A_910 = arith.constant 15 : i32
    %and3A_911 = vector.broadcast %and3A_910 : i32 to vector<16xi32>
    %and3A_912 = arith.andi %add3A_909, %and3A_911 : vector<16xi32>
    %gather3A_913 = tpu.vector_load_idx %arg12[%and3A_912] : memref<16xf32, #tpu.memory_space<vmem>>[vector<16xi32>], vector<16xf32>,
    %max3A_914 = arith.maximumf %max3A_882, %gather3A_895 : vector<16xf32>
    %min3A_915 = arith.minimumf %max3A_882, %gather3A_895 : vector<16xf32>
    %max3A_916 = arith.maximumf %max3A_884, %min3A_915 : vector<16xf32>
    %min3A_917 = arith.minimumf %max3A_884, %min3A_915 : vector<16xf32>
    %max3A_918 = arith.maximumf %max3A_886, %min3A_917 : vector<16xf32>
    %max3A_919 = arith.maximumf %max3A_914, %gather3A_904 : vector<16xf32>
    %min3A_920 = arith.minimumf %max3A_914, %gather3A_904 : vector<16xf32>
    %max3A_921 = arith.maximumf %max3A_916, %min3A_920 : vector<16xf32>
    %min3A_922 = arith.minimumf %max3A_916, %min3A_920 : vector<16xf32>
    %max3A_923 = arith.maximumf %max3A_918, %min3A_922 : vector<16xf32>
    %max3A_924 = arith.maximumf %max3A_919, %gather3A_913 : vector<16xf32>
    %min3A_925 = arith.minimumf %max3A_919, %gather3A_913 : vector<16xf32>
    %max3A_926 = arith.maximumf %max3A_921, %min3A_925 : vector<16xf32>
    %min3A_927 = arith.minimumf %max3A_921, %min3A_925 : vector<16xf32>
    %max3A_928 = arith.maximumf %max3A_923, %min3A_927 : vector<16xf32>
    %slice3A_929 = vector.extract_strided_slice %max3A_924 {offsets = [0], sizes = [1], strides = [1]} : vector<16xf32> to vector<1xf32>
    %squeeze3A_930 = vector.extract %slice3A_929[0] : f32 from vector<1xf32>
    %slice3A_931 = vector.extract_strided_slice %max3A_926 {offsets = [0], sizes = [1], strides = [1]} : vector<16xf32> to vector<1xf32>
    %squeeze3A_932 = vector.extract %slice3A_931[0] : f32 from vector<1xf32>
    %slice3A_933 = vector.extract_strided_slice %max3A_928 {offsets = [0], sizes = [1], strides = [1]} : vector<16xf32> to vector<1xf32>
    %squeeze3A_934 = vector.extract %slice3A_933[0] : f32 from vector<1xf32>
    %eq3A_935 = arith.constant 8 : i32
    %eq3A_936 = vector.broadcast %eq3A_935 : i32 to vector<16xi32>
    %eq3A_937 = arith.cmpi eq, %iota3A, %eq3A_936 : vector<16xi32>
    %broadcast_in_dim3A_938 = vector.broadcast %reduce_max3A_702 : f32 to vector<16xf32>
    %select_n3A_939 = arith.select %eq3A_937, %broadcast_in_dim3A_938, %select_n3A_677 : vector<16xi1>, vector<16xf32>
    %eq3A_940 = arith.constant 9 : i32
    %eq3A_941 = vector.broadcast %eq3A_940 : i32 to vector<16xi32>
    %eq3A_942 = arith.cmpi eq, %iota3A, %eq3A_941 : vector<16xi32>
    %broadcast_in_dim3A_943 = vector.broadcast %squeeze3A_930 : f32 to vector<16xf32>
    %select_n3A_944 = arith.select %eq3A_942, %broadcast_in_dim3A_943, %select_n3A_939 : vector<16xi1>, vector<16xf32>
    %eq3A_945 = arith.constant 10 : i32
    %eq3A_946 = vector.broadcast %eq3A_945 : i32 to vector<16xi32>
    %eq3A_947 = arith.cmpi eq, %iota3A, %eq3A_946 : vector<16xi32>
    %broadcast_in_dim3A_948 = vector.broadcast %squeeze3A_932 : f32 to vector<16xf32>
    %select_n3A_949 = arith.select %eq3A_947, %broadcast_in_dim3A_948, %select_n3A_944 : vector<16xi1>, vector<16xf32>
    %eq3A_950 = arith.constant 11 : i32
    %eq3A_951 = vector.broadcast %eq3A_950 : i32 to vector<16xi32>
    %eq3A_952 = arith.cmpi eq, %iota3A, %eq3A_951 : vector<16xi32>
    %broadcast_in_dim3A_953 = vector.broadcast %squeeze3A_934 : f32 to vector<16xf32>
    %select_n3A_954 = arith.select %eq3A_952, %broadcast_in_dim3A_953, %select_n3A_949 : vector<16xi1>, vector<16xf32>
    %dma_wait3A_955 = arith.constant 0 : i32
    %dma_wait3A_956 = tpu.memref_slice %arg2[%add3A_394, %dma_wait3A_955] : memref<128x32768xf32, #tpu.memory_space<hbm>> -> memref<1x32768xf32, #tpu.memory_space<hbm>>
    %dma_wait3A_957 = tpu.memref_squeeze %dma_wait3A_956 : memref<1x32768xf32, #tpu.memory_space<hbm>> -> memref<32768xf32, #tpu.memory_space<hbm>>
    %dma_wait3A_958 = arith.constant 0 : i32
    %dma_wait3A_959 = tpu.memref_slice %arg2[%add3A_394, %dma_wait3A_958] : memref<128x32768xf32, #tpu.memory_space<hbm>> -> memref<1x32768xf32, #tpu.memory_space<hbm>>
    %dma_wait3A_960 = tpu.memref_squeeze %dma_wait3A_959 : memref<1x32768xf32, #tpu.memory_space<hbm>> -> memref<32768xf32, #tpu.memory_space<hbm>>
    tpu.wait_dma2 semaphore(%arg15 : memref<!tpu.dma_semaphore, #tpu.memory_space<semaphore_mem>>) src(%dma_wait3A_960 : memref<32768xf32, #tpu.memory_space<hbm>>) dst(%arg8 : memref<32768xf32, #tpu.memory_space<vmem>>)
    %slice3A_961 = vector.extract_strided_slice %gather3A {offsets = [12], sizes = [1], strides = [1]} : vector<16xi32> to vector<1xi32>
    %squeeze3A_962 = vector.extract %slice3A_961[0] : i32 from vector<1xi32>
    %shift_right_arithmetic3A_963 = arith.constant 4 : i32
    %shift_right_arithmetic3A_964 = arith.shrsi %squeeze3A_962, %shift_right_arithmetic3A_963 : i32
    %shift_left3A_965 = arith.constant 4 : i32
    %shift_left3A_966 = arith.shli %shift_right_arithmetic3A_964, %shift_left3A_965 : i32
    %and3A_967 = arith.constant 15 : i32
    %and3A_968 = arith.andi %squeeze3A_962, %and3A_967 : i32
    %get3A_969 = arith.index_cast %shift_left3A_966 : i32 to index
    %get3A_970 = tpu.vector_load %arg8[%get3A_969] {strides = array<i32>} : memref<32768xf32, #tpu.memory_space<vmem>>, vector<16xf32>,
    %eq3A_971 = vector.broadcast %and3A_968 : i32 to vector<16xi32>
    %eq3A_972 = arith.cmpi eq, %iota3A, %eq3A_971 : vector<16xi32>
    %jit3A_973 = arith.constant -3.000000e+38 : f32
    %broadcast_in_dim3A_974 = vector.broadcast %jit3A_973 : f32 to vector<16xf32>
    %select_n3A_975 = arith.select %eq3A_972, %get3A_970, %broadcast_in_dim3A_974 : vector<16xi1>, vector<16xf32>
    %reduce_max3A_976 = arith.constant true
    %reduce_max3A_977 = vector.broadcast %reduce_max3A_976 : i1 to vector<16xi1>
    %reduce_max3A_978 = tpu.scan <max>, %select_n3A_975 masked %reduce_max3A_977 : vector<16xf32>, vector<16xi1> -> vector<16xf32>
    %reduce_max3A_979 = vector.extract %reduce_max3A_978[15] : f32 from vector<16xf32>
    %jit3A_980 = arith.constant -3.000000e+38 : f32
    %broadcast_in_dim3A_981 = vector.broadcast %jit3A_980 : f32 to vector<16xf32>
    %select_n3A_982 = arith.select %eq3A_972, %broadcast_in_dim3A_981, %get3A_970 : vector<16xi1>, vector<16xf32>
    %swap3A_983 = arith.index_cast %shift_left3A_966 : i32 to index
    %swap3A_984 = tpu.vector_load %arg8[%swap3A_983] {strides = array<i32>} : memref<32768xf32, #tpu.memory_space<vmem>>, vector<16xf32>,
    tpu.vector_store %arg8[%swap3A_983], %select_n3A_982 {strides = array<i32>} : memref<32768xf32, #tpu.memory_space<vmem>>, vector<16xf32>,
    %broadcast_in_dim3A_985 = arith.constant -3.000000e+38 : f32
    %broadcast_in_dim3A_986 = vector.broadcast %broadcast_in_dim3A_985 : f32 to vector<16xf32>
    %scan3A_987 = arith.constant 0 : i32
    %scan3A_988 = arith.constant 128 : i32
    %scan3A_989 = arith.addi %scan3A_987, %scan3A_988 : i32
    %scan3A_990 = arith.constant 1 : i32
    %scan3A_991:12 = scf.for %scan3A_1324 = %scan3A_987 to %scan3A_989 step %scan3A_990 iter_args(%scan3A_1325 = %broadcast_in_dim3A_986, %scan3A_1326 = %broadcast_in_dim3A_986, %scan3A_1327 = %broadcast_in_dim3A_986, %scan3A_1328 = %broadcast_in_dim3A_986, %scan3A_1329 = %broadcast_in_dim3A_986, %scan3A_1330 = %broadcast_in_dim3A_986, %scan3A_1331 = %broadcast_in_dim3A_986, %scan3A_1332 = %broadcast_in_dim3A_986, %scan3A_1333 = %broadcast_in_dim3A_986, %scan3A_1334 = %broadcast_in_dim3A_986, %scan3A_1335 = %broadcast_in_dim3A_986, %scan3A_1336 = %broadcast_in_dim3A_986) -> (vector<16xf32>, vector<16xf32>, vector<16xf32>, vector<16xf32>, vector<16xf32>, vector<16xf32>, vector<16xf32>, vector<16xf32>, vector<16xf32>, vector<16xf32>, vector<16xf32>, vector<16xf32>)  : i32 {
      %mul3A_1337 = arith.constant 256 : i32
      %mul3A_1338 = arith.muli %scan3A_1324, %mul3A_1337 : i32
      %add3A_1339 = arith.constant 0 : i32
      %add3A_1340 = arith.addi %mul3A_1338, %add3A_1339 : i32
      %get3A_1341 = arith.index_cast %add3A_1340 : i32 to index
      %get3A_1342 = tpu.vector_load %arg8[%get3A_1341] {strides = array<i32>} : memref<32768xf32, #tpu.memory_space<vmem>>, vector<16xf32>,
      %max3A_1343 = arith.maximumf %scan3A_1325, %get3A_1342 : vector<16xf32>
      %min3A_1344 = arith.minimumf %scan3A_1325, %get3A_1342 : vector<16xf32>
      %max3A_1345 = arith.maximumf %scan3A_1326, %min3A_1344 : vector<16xf32>
      %min3A_1346 = arith.minimumf %scan3A_1326, %min3A_1344 : vector<16xf32>
      %max3A_1347 = arith.maximumf %scan3A_1327, %min3A_1346 : vector<16xf32>
      %add3A_1348 = arith.constant 16 : i32
      %add3A_1349 = arith.addi %mul3A_1338, %add3A_1348 : i32
      %get3A_1350 = arith.index_cast %add3A_1349 : i32 to index
      %get3A_1351 = tpu.vector_load %arg8[%get3A_1350] {strides = array<i32>} : memref<32768xf32, #tpu.memory_space<vmem>>, vector<16xf32>,
      %max3A_1352 = arith.maximumf %scan3A_1328, %get3A_1351 : vector<16xf32>
      %min3A_1353 = arith.minimumf %scan3A_1328, %get3A_1351 : vector<16xf32>
      %max3A_1354 = arith.maximumf %scan3A_1329, %min3A_1353 : vector<16xf32>
      %min3A_1355 = arith.minimumf %scan3A_1329, %min3A_1353 : vector<16xf32>
      %max3A_1356 = arith.maximumf %scan3A_1330, %min3A_1355 : vector<16xf32>
      %add3A_1357 = arith.constant 32 : i32
      %add3A_1358 = arith.addi %mul3A_1338, %add3A_1357 : i32
      %get3A_1359 = arith.index_cast %add3A_1358 : i32 to index
      %get3A_1360 = tpu.vector_load %arg8[%get3A_1359] {strides = array<i32>} : memref<32768xf32, #tpu.memory_space<vmem>>, vector<16xf32>,
      %max3A_1361 = arith.maximumf %scan3A_1331, %get3A_1360 : vector<16xf32>
      %min3A_1362 = arith.minimumf %scan3A_1331, %get3A_1360 : vector<16xf32>
      %max3A_1363 = arith.maximumf %scan3A_1332, %min3A_1362 : vector<16xf32>
      %min3A_1364 = arith.minimumf %scan3A_1332, %min3A_1362 : vector<16xf32>
      %max3A_1365 = arith.maximumf %scan3A_1333, %min3A_1364 : vector<16xf32>
      %add3A_1366 = arith.constant 48 : i32
      %add3A_1367 = arith.addi %mul3A_1338, %add3A_1366 : i32
      %get3A_1368 = arith.index_cast %add3A_1367 : i32 to index
      %get3A_1369 = tpu.vector_load %arg8[%get3A_1368] {strides = array<i32>} : memref<32768xf32, #tpu.memory_space<vmem>>, vector<16xf32>,
      %max3A_1370 = arith.maximumf %scan3A_1334, %get3A_1369 : vector<16xf32>
      %min3A_1371 = arith.minimumf %scan3A_1334, %get3A_1369 : vector<16xf32>
      %max3A_1372 = arith.maximumf %scan3A_1335, %min3A_1371 : vector<16xf32>
      %min3A_1373 = arith.minimumf %scan3A_1335, %min3A_1371 : vector<16xf32>
      %max3A_1374 = arith.maximumf %scan3A_1336, %min3A_1373 : vector<16xf32>
      %add3A_1375 = arith.constant 64 : i32
      %add3A_1376 = arith.addi %mul3A_1338, %add3A_1375 : i32
      %get3A_1377 = arith.index_cast %add3A_1376 : i32 to index
      %get3A_1378 = tpu.vector_load %arg8[%get3A_1377] {strides = array<i32>} : memref<32768xf32, #tpu.memory_space<vmem>>, vector<16xf32>,
      %max3A_1379 = arith.maximumf %max3A_1343, %get3A_1378 : vector<16xf32>
      %min3A_1380 = arith.minimumf %max3A_1343, %get3A_1378 : vector<16xf32>
      %max3A_1381 = arith.maximumf %max3A_1345, %min3A_1380 : vector<16xf32>
      %min3A_1382 = arith.minimumf %max3A_1345, %min3A_1380 : vector<16xf32>
      %max3A_1383 = arith.maximumf %max3A_1347, %min3A_1382 : vector<16xf32>
      %add3A_1384 = arith.constant 80 : i32
      %add3A_1385 = arith.addi %mul3A_1338, %add3A_1384 : i32
      %get3A_1386 = arith.index_cast %add3A_1385 : i32 to index
      %get3A_1387 = tpu.vector_load %arg8[%get3A_1386] {strides = array<i32>} : memref<32768xf32, #tpu.memory_space<vmem>>, vector<16xf32>,
      %max3A_1388 = arith.maximumf %max3A_1352, %get3A_1387 : vector<16xf32>
      %min3A_1389 = arith.minimumf %max3A_1352, %get3A_1387 : vector<16xf32>
      %max3A_1390 = arith.maximumf %max3A_1354, %min3A_1389 : vector<16xf32>
      %min3A_1391 = arith.minimumf %max3A_1354, %min3A_1389 : vector<16xf32>
      %max3A_1392 = arith.maximumf %max3A_1356, %min3A_1391 : vector<16xf32>
      %add3A_1393 = arith.constant 96 : i32
      %add3A_1394 = arith.addi %mul3A_1338, %add3A_1393 : i32
      %get3A_1395 = arith.index_cast %add3A_1394 : i32 to index
      %get3A_1396 = tpu.vector_load %arg8[%get3A_1395] {strides = array<i32>} : memref<32768xf32, #tpu.memory_space<vmem>>, vector<16xf32>,
      %max3A_1397 = arith.maximumf %max3A_1361, %get3A_1396 : vector<16xf32>
      %min3A_1398 = arith.minimumf %max3A_1361, %get3A_1396 : vector<16xf32>
      %max3A_1399 = arith.maximumf %max3A_1363, %min3A_1398 : vector<16xf32>
      %min3A_1400 = arith.minimumf %max3A_1363, %min3A_1398 : vector<16xf32>
      %max3A_1401 = arith.maximumf %max3A_1365, %min3A_1400 : vector<16xf32>
      %add3A_1402 = arith.constant 112 : i32
      %add3A_1403 = arith.addi %mul3A_1338, %add3A_1402 : i32
      %get3A_1404 = arith.index_cast %add3A_1403 : i32 to index
      %get3A_1405 = tpu.vector_load %arg8[%get3A_1404] {strides = array<i32>} : memref<32768xf32, #tpu.memory_space<vmem>>, vector<16xf32>,
      %max3A_1406 = arith.maximumf %max3A_1370, %get3A_1405 : vector<16xf32>
      %min3A_1407 = arith.minimumf %max3A_1370, %get3A_1405 : vector<16xf32>
      %max3A_1408 = arith.maximumf %max3A_1372, %min3A_1407 : vector<16xf32>
      %min3A_1409 = arith.minimumf %max3A_1372, %min3A_1407 : vector<16xf32>
      %max3A_1410 = arith.maximumf %max3A_1374, %min3A_1409 : vector<16xf32>
      %add3A_1411 = arith.constant 128 : i32
      %add3A_1412 = arith.addi %mul3A_1338, %add3A_1411 : i32
      %get3A_1413 = arith.index_cast %add3A_1412 : i32 to index
      %get3A_1414 = tpu.vector_load %arg8[%get3A_1413] {strides = array<i32>} : memref<32768xf32, #tpu.memory_space<vmem>>, vector<16xf32>,
      %max3A_1415 = arith.maximumf %max3A_1379, %get3A_1414 : vector<16xf32>
      %min3A_1416 = arith.minimumf %max3A_1379, %get3A_1414 : vector<16xf32>
      %max3A_1417 = arith.maximumf %max3A_1381, %min3A_1416 : vector<16xf32>
      %min3A_1418 = arith.minimumf %max3A_1381, %min3A_1416 : vector<16xf32>
      %max3A_1419 = arith.maximumf %max3A_1383, %min3A_1418 : vector<16xf32>
      %add3A_1420 = arith.constant 144 : i32
      %add3A_1421 = arith.addi %mul3A_1338, %add3A_1420 : i32
      %get3A_1422 = arith.index_cast %add3A_1421 : i32 to index
      %get3A_1423 = tpu.vector_load %arg8[%get3A_1422] {strides = array<i32>} : memref<32768xf32, #tpu.memory_space<vmem>>, vector<16xf32>,
      %max3A_1424 = arith.maximumf %max3A_1388, %get3A_1423 : vector<16xf32>
      %min3A_1425 = arith.minimumf %max3A_1388, %get3A_1423 : vector<16xf32>
      %max3A_1426 = arith.maximumf %max3A_1390, %min3A_1425 : vector<16xf32>
      %min3A_1427 = arith.minimumf %max3A_1390, %min3A_1425 : vector<16xf32>
      %max3A_1428 = arith.maximumf %max3A_1392, %min3A_1427 : vector<16xf32>
      %add3A_1429 = arith.constant 160 : i32
      %add3A_1430 = arith.addi %mul3A_1338, %add3A_1429 : i32
      %get3A_1431 = arith.index_cast %add3A_1430 : i32 to index
      %get3A_1432 = tpu.vector_load %arg8[%get3A_1431] {strides = array<i32>} : memref<32768xf32, #tpu.memory_space<vmem>>, vector<16xf32>,
      %max3A_1433 = arith.maximumf %max3A_1397, %get3A_1432 : vector<16xf32>
      %min3A_1434 = arith.minimumf %max3A_1397, %get3A_1432 : vector<16xf32>
      %max3A_1435 = arith.maximumf %max3A_1399, %min3A_1434 : vector<16xf32>
      %min3A_1436 = arith.minimumf %max3A_1399, %min3A_1434 : vector<16xf32>
      %max3A_1437 = arith.maximumf %max3A_1401, %min3A_1436 : vector<16xf32>
      %add3A_1438 = arith.constant 176 : i32
      %add3A_1439 = arith.addi %mul3A_1338, %add3A_1438 : i32
      %get3A_1440 = arith.index_cast %add3A_1439 : i32 to index
      %get3A_1441 = tpu.vector_load %arg8[%get3A_1440] {strides = array<i32>} : memref<32768xf32, #tpu.memory_space<vmem>>, vector<16xf32>,
      %max3A_1442 = arith.maximumf %max3A_1406, %get3A_1441 : vector<16xf32>
      %min3A_1443 = arith.minimumf %max3A_1406, %get3A_1441 : vector<16xf32>
      %max3A_1444 = arith.maximumf %max3A_1408, %min3A_1443 : vector<16xf32>
      %min3A_1445 = arith.minimumf %max3A_1408, %min3A_1443 : vector<16xf32>
      %max3A_1446 = arith.maximumf %max3A_1410, %min3A_1445 : vector<16xf32>
      %add3A_1447 = arith.constant 192 : i32
      %add3A_1448 = arith.addi %mul3A_1338, %add3A_1447 : i32
      %get3A_1449 = arith.index_cast %add3A_1448 : i32 to index
      %get3A_1450 = tpu.vector_load %arg8[%get3A_1449] {strides = array<i32>} : memref<32768xf32, #tpu.memory_space<vmem>>, vector<16xf32>,
      %max3A_1451 = arith.maximumf %max3A_1415, %get3A_1450 : vector<16xf32>
      %min3A_1452 = arith.minimumf %max3A_1415, %get3A_1450 : vector<16xf32>
      %max3A_1453 = arith.maximumf %max3A_1417, %min3A_1452 : vector<16xf32>
      %min3A_1454 = arith.minimumf %max3A_1417, %min3A_1452 : vector<16xf32>
      %max3A_1455 = arith.maximumf %max3A_1419, %min3A_1454 : vector<16xf32>
      %add3A_1456 = arith.constant 208 : i32
      %add3A_1457 = arith.addi %mul3A_1338, %add3A_1456 : i32
      %get3A_1458 = arith.index_cast %add3A_1457 : i32 to index
      %get3A_1459 = tpu.vector_load %arg8[%get3A_1458] {strides = array<i32>} : memref<32768xf32, #tpu.memory_space<vmem>>, vector<16xf32>,
      %max3A_1460 = arith.maximumf %max3A_1424, %get3A_1459 : vector<16xf32>
      %min3A_1461 = arith.minimumf %max3A_1424, %get3A_1459 : vector<16xf32>
      %max3A_1462 = arith.maximumf %max3A_1426, %min3A_1461 : vector<16xf32>
      %min3A_1463 = arith.minimumf %max3A_1426, %min3A_1461 : vector<16xf32>
      %max3A_1464 = arith.maximumf %max3A_1428, %min3A_1463 : vector<16xf32>
      %add3A_1465 = arith.constant 224 : i32
      %add3A_1466 = arith.addi %mul3A_1338, %add3A_1465 : i32
      %get3A_1467 = arith.index_cast %add3A_1466 : i32 to index
      %get3A_1468 = tpu.vector_load %arg8[%get3A_1467] {strides = array<i32>} : memref<32768xf32, #tpu.memory_space<vmem>>, vector<16xf32>,
      %max3A_1469 = arith.maximumf %max3A_1433, %get3A_1468 : vector<16xf32>
      %min3A_1470 = arith.minimumf %max3A_1433, %get3A_1468 : vector<16xf32>
      %max3A_1471 = arith.maximumf %max3A_1435, %min3A_1470 : vector<16xf32>
      %min3A_1472 = arith.minimumf %max3A_1435, %min3A_1470 : vector<16xf32>
      %max3A_1473 = arith.maximumf %max3A_1437, %min3A_1472 : vector<16xf32>
      %add3A_1474 = arith.constant 240 : i32
      %add3A_1475 = arith.addi %mul3A_1338, %add3A_1474 : i32
      %get3A_1476 = arith.index_cast %add3A_1475 : i32 to index
      %get3A_1477 = tpu.vector_load %arg8[%get3A_1476] {strides = array<i32>} : memref<32768xf32, #tpu.memory_space<vmem>>, vector<16xf32>,
      %max3A_1478 = arith.maximumf %max3A_1442, %get3A_1477 : vector<16xf32>
      %min3A_1479 = arith.minimumf %max3A_1442, %get3A_1477 : vector<16xf32>
      %max3A_1480 = arith.maximumf %max3A_1444, %min3A_1479 : vector<16xf32>
      %min3A_1481 = arith.minimumf %max3A_1444, %min3A_1479 : vector<16xf32>
      %max3A_1482 = arith.maximumf %max3A_1446, %min3A_1481 : vector<16xf32>
      scf.yield %max3A_1451, %max3A_1453, %max3A_1455, %max3A_1460, %max3A_1462, %max3A_1464, %max3A_1469, %max3A_1471, %max3A_1473, %max3A_1478, %max3A_1480, %max3A_1482 : vector<16xf32>, vector<16xf32>, vector<16xf32>, vector<16xf32>, vector<16xf32>, vector<16xf32>, vector<16xf32>, vector<16xf32>, vector<16xf32>, vector<16xf32>, vector<16xf32>, vector<16xf32>
    }
    %scan3A_992 = arith.constant 128 : i32
    %max3A_993 = arith.maximumf %scan3A_991#0, %scan3A_991#3 : vector<16xf32>
    %min3A_994 = arith.minimumf %scan3A_991#0, %scan3A_991#3 : vector<16xf32>
    %max3A_995 = arith.maximumf %scan3A_991#1, %min3A_994 : vector<16xf32>
    %min3A_996 = arith.minimumf %scan3A_991#1, %min3A_994 : vector<16xf32>
    %max3A_997 = arith.maximumf %scan3A_991#2, %min3A_996 : vector<16xf32>
    %max3A_998 = arith.maximumf %max3A_993, %scan3A_991#4 : vector<16xf32>
    %min3A_999 = arith.minimumf %max3A_993, %scan3A_991#4 : vector<16xf32>
    %max3A_1000 = arith.maximumf %max3A_995, %min3A_999 : vector<16xf32>
    %min3A_1001 = arith.minimumf %max3A_995, %min3A_999 : vector<16xf32>
    %max3A_1002 = arith.maximumf %max3A_997, %min3A_1001 : vector<16xf32>
    %max3A_1003 = arith.maximumf %max3A_998, %scan3A_991#5 : vector<16xf32>
    %min3A_1004 = arith.minimumf %max3A_998, %scan3A_991#5 : vector<16xf32>
    %max3A_1005 = arith.maximumf %max3A_1000, %min3A_1004 : vector<16xf32>
    %min3A_1006 = arith.minimumf %max3A_1000, %min3A_1004 : vector<16xf32>
    %max3A_1007 = arith.maximumf %max3A_1002, %min3A_1006 : vector<16xf32>
    %max3A_1008 = arith.maximumf %max3A_1003, %scan3A_991#6 : vector<16xf32>
    %min3A_1009 = arith.minimumf %max3A_1003, %scan3A_991#6 : vector<16xf32>
    %max3A_1010 = arith.maximumf %max3A_1005, %min3A_1009 : vector<16xf32>
    %min3A_1011 = arith.minimumf %max3A_1005, %min3A_1009 : vector<16xf32>
    %max3A_1012 = arith.maximumf %max3A_1007, %min3A_1011 : vector<16xf32>
    %max3A_1013 = arith.maximumf %max3A_1008, %scan3A_991#7 : vector<16xf32>
    %min3A_1014 = arith.minimumf %max3A_1008, %scan3A_991#7 : vector<16xf32>
    %max3A_1015 = arith.maximumf %max3A_1010, %min3A_1014 : vector<16xf32>
    %min3A_1016 = arith.minimumf %max3A_1010, %min3A_1014 : vector<16xf32>
    %max3A_1017 = arith.maximumf %max3A_1012, %min3A_1016 : vector<16xf32>
    %max3A_1018 = arith.maximumf %max3A_1013, %scan3A_991#8 : vector<16xf32>
    %min3A_1019 = arith.minimumf %max3A_1013, %scan3A_991#8 : vector<16xf32>
    %max3A_1020 = arith.maximumf %max3A_1015, %min3A_1019 : vector<16xf32>
    %min3A_1021 = arith.minimumf %max3A_1015, %min3A_1019 : vector<16xf32>
    %max3A_1022 = arith.maximumf %max3A_1017, %min3A_1021 : vector<16xf32>
    %max3A_1023 = arith.maximumf %max3A_1018, %scan3A_991#9 : vector<16xf32>
    %min3A_1024 = arith.minimumf %max3A_1018, %scan3A_991#9 : vector<16xf32>
    %max3A_1025 = arith.maximumf %max3A_1020, %min3A_1024 : vector<16xf32>
    %min3A_1026 = arith.minimumf %max3A_1020, %min3A_1024 : vector<16xf32>
    %max3A_1027 = arith.maximumf %max3A_1022, %min3A_1026 : vector<16xf32>
    %max3A_1028 = arith.maximumf %max3A_1023, %scan3A_991#10 : vector<16xf32>
    %min3A_1029 = arith.minimumf %max3A_1023, %scan3A_991#10 : vector<16xf32>
    %max3A_1030 = arith.maximumf %max3A_1025, %min3A_1029 : vector<16xf32>
    %min3A_1031 = arith.minimumf %max3A_1025, %min3A_1029 : vector<16xf32>
    %max3A_1032 = arith.maximumf %max3A_1027, %min3A_1031 : vector<16xf32>
    %max3A_1033 = arith.maximumf %max3A_1028, %scan3A_991#11 : vector<16xf32>
    %min3A_1034 = arith.minimumf %max3A_1028, %scan3A_991#11 : vector<16xf32>
    %max3A_1035 = arith.maximumf %max3A_1030, %min3A_1034 : vector<16xf32>
    %min3A_1036 = arith.minimumf %max3A_1030, %min3A_1034 : vector<16xf32>
    %max3A_1037 = arith.maximumf %max3A_1032, %min3A_1036 : vector<16xf32>
    %swap3A_1038 = arith.constant 0 : index
    %swap3A_1039 = tpu.vector_load %arg12[%swap3A_1038] {strides = array<i32>} : memref<16xf32, #tpu.memory_space<vmem>>, vector<16xf32>,
    tpu.vector_store %arg12[%swap3A_1038], %max3A_1033 {strides = array<i32>} : memref<16xf32, #tpu.memory_space<vmem>>, vector<16xf32>,
    %add3A_1040 = arith.constant 8 : i32
    %add3A_1041 = vector.broadcast %add3A_1040 : i32 to vector<16xi32>
    %add3A_1042 = arith.addi %iota3A, %add3A_1041 : vector<16xi32>
    %and3A_1043 = arith.constant 15 : i32
    %and3A_1044 = vector.broadcast %and3A_1043 : i32 to vector<16xi32>
    %and3A_1045 = arith.andi %add3A_1042, %and3A_1044 : vector<16xi32>
    %gather3A_1046 = tpu.vector_load_idx %arg12[%and3A_1045] : memref<16xf32, #tpu.memory_space<vmem>>[vector<16xi32>], vector<16xf32>,
    %swap3A_1047 = arith.constant 0 : index
    %swap3A_1048 = tpu.vector_load %arg12[%swap3A_1047] {strides = array<i32>} : memref<16xf32, #tpu.memory_space<vmem>>, vector<16xf32>,
    tpu.vector_store %arg12[%swap3A_1047], %max3A_1035 {strides = array<i32>} : memref<16xf32, #tpu.memory_space<vmem>>, vector<16xf32>,
    %add3A_1049 = arith.constant 8 : i32
    %add3A_1050 = vector.broadcast %add3A_1049 : i32 to vector<16xi32>
    %add3A_1051 = arith.addi %iota3A, %add3A_1050 : vector<16xi32>
    %and3A_1052 = arith.constant 15 : i32
    %and3A_1053 = vector.broadcast %and3A_1052 : i32 to vector<16xi32>
    %and3A_1054 = arith.andi %add3A_1051, %and3A_1053 : vector<16xi32>
    %gather3A_1055 = tpu.vector_load_idx %arg12[%and3A_1054] : memref<16xf32, #tpu.memory_space<vmem>>[vector<16xi32>], vector<16xf32>,
    %swap3A_1056 = arith.constant 0 : index
    %swap3A_1057 = tpu.vector_load %arg12[%swap3A_1056] {strides = array<i32>} : memref<16xf32, #tpu.memory_space<vmem>>, vector<16xf32>,
    tpu.vector_store %arg12[%swap3A_1056], %max3A_1037 {strides = array<i32>} : memref<16xf32, #tpu.memory_space<vmem>>, vector<16xf32>,
    %add3A_1058 = arith.constant 8 : i32
    %add3A_1059 = vector.broadcast %add3A_1058 : i32 to vector<16xi32>
    %add3A_1060 = arith.addi %iota3A, %add3A_1059 : vector<16xi32>
    %and3A_1061 = arith.constant 15 : i32
    %and3A_1062 = vector.broadcast %and3A_1061 : i32 to vector<16xi32>
    %and3A_1063 = arith.andi %add3A_1060, %and3A_1062 : vector<16xi32>
    %gather3A_1064 = tpu.vector_load_idx %arg12[%and3A_1063] : memref<16xf32, #tpu.memory_space<vmem>>[vector<16xi32>], vector<16xf32>,
    %max3A_1065 = arith.maximumf %max3A_1033, %gather3A_1046 : vector<16xf32>
    %min3A_1066 = arith.minimumf %max3A_1033, %gather3A_1046 : vector<16xf32>
    %max3A_1067 = arith.maximumf %max3A_1035, %min3A_1066 : vector<16xf32>
    %min3A_1068 = arith.minimumf %max3A_1035, %min3A_1066 : vector<16xf32>
    %max3A_1069 = arith.maximumf %max3A_1037, %min3A_1068 : vector<16xf32>
    %max3A_1070 = arith.maximumf %max3A_1065, %gather3A_1055 : vector<16xf32>
    %min3A_1071 = arith.minimumf %max3A_1065, %gather3A_1055 : vector<16xf32>
    %max3A_1072 = arith.maximumf %max3A_1067, %min3A_1071 : vector<16xf32>
    %min3A_1073 = arith.minimumf %max3A_1067, %min3A_1071 : vector<16xf32>
    %max3A_1074 = arith.maximumf %max3A_1069, %min3A_1073 : vector<16xf32>
    %max3A_1075 = arith.maximumf %max3A_1070, %gather3A_1064 : vector<16xf32>
    %min3A_1076 = arith.minimumf %max3A_1070, %gather3A_1064 : vector<16xf32>
    %max3A_1077 = arith.maximumf %max3A_1072, %min3A_1076 : vector<16xf32>
    %min3A_1078 = arith.minimumf %max3A_1072, %min3A_1076 : vector<16xf32>
    %max3A_1079 = arith.maximumf %max3A_1074, %min3A_1078 : vector<16xf32>
    %swap3A_1080 = arith.constant 0 : index
    %swap3A_1081 = tpu.vector_load %arg12[%swap3A_1080] {strides = array<i32>} : memref<16xf32, #tpu.memory_space<vmem>>, vector<16xf32>,
    tpu.vector_store %arg12[%swap3A_1080], %max3A_1075 {strides = array<i32>} : memref<16xf32, #tpu.memory_space<vmem>>, vector<16xf32>,
    %add3A_1082 = arith.constant 4 : i32
    %add3A_1083 = vector.broadcast %add3A_1082 : i32 to vector<16xi32>
    %add3A_1084 = arith.addi %iota3A, %add3A_1083 : vector<16xi32>
    %and3A_1085 = arith.constant 15 : i32
    %and3A_1086 = vector.broadcast %and3A_1085 : i32 to vector<16xi32>
    %and3A_1087 = arith.andi %add3A_1084, %and3A_1086 : vector<16xi32>
    %gather3A_1088 = tpu.vector_load_idx %arg12[%and3A_1087] : memref<16xf32, #tpu.memory_space<vmem>>[vector<16xi32>], vector<16xf32>,
    %swap3A_1089 = arith.constant 0 : index
    %swap3A_1090 = tpu.vector_load %arg12[%swap3A_1089] {strides = array<i32>} : memref<16xf32, #tpu.memory_space<vmem>>, vector<16xf32>,
    tpu.vector_store %arg12[%swap3A_1089], %max3A_1077 {strides = array<i32>} : memref<16xf32, #tpu.memory_space<vmem>>, vector<16xf32>,
    %add3A_1091 = arith.constant 4 : i32
    %add3A_1092 = vector.broadcast %add3A_1091 : i32 to vector<16xi32>
    %add3A_1093 = arith.addi %iota3A, %add3A_1092 : vector<16xi32>
    %and3A_1094 = arith.constant 15 : i32
    %and3A_1095 = vector.broadcast %and3A_1094 : i32 to vector<16xi32>
    %and3A_1096 = arith.andi %add3A_1093, %and3A_1095 : vector<16xi32>
    %gather3A_1097 = tpu.vector_load_idx %arg12[%and3A_1096] : memref<16xf32, #tpu.memory_space<vmem>>[vector<16xi32>], vector<16xf32>,
    %swap3A_1098 = arith.constant 0 : index
    %swap3A_1099 = tpu.vector_load %arg12[%swap3A_1098] {strides = array<i32>} : memref<16xf32, #tpu.memory_space<vmem>>, vector<16xf32>,
    tpu.vector_store %arg12[%swap3A_1098], %max3A_1079 {strides = array<i32>} : memref<16xf32, #tpu.memory_space<vmem>>, vector<16xf32>,
    %add3A_1100 = arith.constant 4 : i32
    %add3A_1101 = vector.broadcast %add3A_1100 : i32 to vector<16xi32>
    %add3A_1102 = arith.addi %iota3A, %add3A_1101 : vector<16xi32>
    %and3A_1103 = arith.constant 15 : i32
    %and3A_1104 = vector.broadcast %and3A_1103 : i32 to vector<16xi32>
    %and3A_1105 = arith.andi %add3A_1102, %and3A_1104 : vector<16xi32>
    %gather3A_1106 = tpu.vector_load_idx %arg12[%and3A_1105] : memref<16xf32, #tpu.memory_space<vmem>>[vector<16xi32>], vector<16xf32>,
    %max3A_1107 = arith.maximumf %max3A_1075, %gather3A_1088 : vector<16xf32>
    %min3A_1108 = arith.minimumf %max3A_1075, %gather3A_1088 : vector<16xf32>
    %max3A_1109 = arith.maximumf %max3A_1077, %min3A_1108 : vector<16xf32>
    %min3A_1110 = arith.minimumf %max3A_1077, %min3A_1108 : vector<16xf32>
    %max3A_1111 = arith.maximumf %max3A_1079, %min3A_1110 : vector<16xf32>
    %max3A_1112 = arith.maximumf %max3A_1107, %gather3A_1097 : vector<16xf32>
    %min3A_1113 = arith.minimumf %max3A_1107, %gather3A_1097 : vector<16xf32>
    %max3A_1114 = arith.maximumf %max3A_1109, %min3A_1113 : vector<16xf32>
    %min3A_1115 = arith.minimumf %max3A_1109, %min3A_1113 : vector<16xf32>
    %max3A_1116 = arith.maximumf %max3A_1111, %min3A_1115 : vector<16xf32>
    %max3A_1117 = arith.maximumf %max3A_1112, %gather3A_1106 : vector<16xf32>
    %min3A_1118 = arith.minimumf %max3A_1112, %gather3A_1106 : vector<16xf32>
    %max3A_1119 = arith.maximumf %max3A_1114, %min3A_1118 : vector<16xf32>
    %min3A_1120 = arith.minimumf %max3A_1114, %min3A_1118 : vector<16xf32>
    %max3A_1121 = arith.maximumf %max3A_1116, %min3A_1120 : vector<16xf32>
    %swap3A_1122 = arith.constant 0 : index
    %swap3A_1123 = tpu.vector_load %arg12[%swap3A_1122] {strides = array<i32>} : memref<16xf32, #tpu.memory_space<vmem>>, vector<16xf32>,
    tpu.vector_store %arg12[%swap3A_1122], %max3A_1117 {strides = array<i32>} : memref<16xf32, #tpu.memory_space<vmem>>, vector<16xf32>,
    %add3A_1124 = arith.constant 2 : i32
    %add3A_1125 = vector.broadcast %add3A_1124 : i32 to vector<16xi32>
    %add3A_1126 = arith.addi %iota3A, %add3A_1125 : vector<16xi32>
    %and3A_1127 = arith.constant 15 : i32
    %and3A_1128 = vector.broadcast %and3A_1127 : i32 to vector<16xi32>
    %and3A_1129 = arith.andi %add3A_1126, %and3A_1128 : vector<16xi32>
    %gather3A_1130 = tpu.vector_load_idx %arg12[%and3A_1129] : memref<16xf32, #tpu.memory_space<vmem>>[vector<16xi32>], vector<16xf32>,
    %swap3A_1131 = arith.constant 0 : index
    %swap3A_1132 = tpu.vector_load %arg12[%swap3A_1131] {strides = array<i32>} : memref<16xf32, #tpu.memory_space<vmem>>, vector<16xf32>,
    tpu.vector_store %arg12[%swap3A_1131], %max3A_1119 {strides = array<i32>} : memref<16xf32, #tpu.memory_space<vmem>>, vector<16xf32>,
    %add3A_1133 = arith.constant 2 : i32
    %add3A_1134 = vector.broadcast %add3A_1133 : i32 to vector<16xi32>
    %add3A_1135 = arith.addi %iota3A, %add3A_1134 : vector<16xi32>
    %and3A_1136 = arith.constant 15 : i32
    %and3A_1137 = vector.broadcast %and3A_1136 : i32 to vector<16xi32>
    %and3A_1138 = arith.andi %add3A_1135, %and3A_1137 : vector<16xi32>
    %gather3A_1139 = tpu.vector_load_idx %arg12[%and3A_1138] : memref<16xf32, #tpu.memory_space<vmem>>[vector<16xi32>], vector<16xf32>,
    %swap3A_1140 = arith.constant 0 : index
    %swap3A_1141 = tpu.vector_load %arg12[%swap3A_1140] {strides = array<i32>} : memref<16xf32, #tpu.memory_space<vmem>>, vector<16xf32>,
    tpu.vector_store %arg12[%swap3A_1140], %max3A_1121 {strides = array<i32>} : memref<16xf32, #tpu.memory_space<vmem>>, vector<16xf32>,
    %add3A_1142 = arith.constant 2 : i32
    %add3A_1143 = vector.broadcast %add3A_1142 : i32 to vector<16xi32>
    %add3A_1144 = arith.addi %iota3A, %add3A_1143 : vector<16xi32>
    %and3A_1145 = arith.constant 15 : i32
    %and3A_1146 = vector.broadcast %and3A_1145 : i32 to vector<16xi32>
    %and3A_1147 = arith.andi %add3A_1144, %and3A_1146 : vector<16xi32>
    %gather3A_1148 = tpu.vector_load_idx %arg12[%and3A_1147] : memref<16xf32, #tpu.memory_space<vmem>>[vector<16xi32>], vector<16xf32>,
    %max3A_1149 = arith.maximumf %max3A_1117, %gather3A_1130 : vector<16xf32>
    %min3A_1150 = arith.minimumf %max3A_1117, %gather3A_1130 : vector<16xf32>
    %max3A_1151 = arith.maximumf %max3A_1119, %min3A_1150 : vector<16xf32>
    %min3A_1152 = arith.minimumf %max3A_1119, %min3A_1150 : vector<16xf32>
    %max3A_1153 = arith.maximumf %max3A_1121, %min3A_1152 : vector<16xf32>
    %max3A_1154 = arith.maximumf %max3A_1149, %gather3A_1139 : vector<16xf32>
    %min3A_1155 = arith.minimumf %max3A_1149, %gather3A_1139 : vector<16xf32>
    %max3A_1156 = arith.maximumf %max3A_1151, %min3A_1155 : vector<16xf32>
    %min3A_1157 = arith.minimumf %max3A_1151, %min3A_1155 : vector<16xf32>
    %max3A_1158 = arith.maximumf %max3A_1153, %min3A_1157 : vector<16xf32>
    %max3A_1159 = arith.maximumf %max3A_1154, %gather3A_1148 : vector<16xf32>
    %min3A_1160 = arith.minimumf %max3A_1154, %gather3A_1148 : vector<16xf32>
    %max3A_1161 = arith.maximumf %max3A_1156, %min3A_1160 : vector<16xf32>
    %min3A_1162 = arith.minimumf %max3A_1156, %min3A_1160 : vector<16xf32>
    %max3A_1163 = arith.maximumf %max3A_1158, %min3A_1162 : vector<16xf32>
    %swap3A_1164 = arith.constant 0 : index
    %swap3A_1165 = tpu.vector_load %arg12[%swap3A_1164] {strides = array<i32>} : memref<16xf32, #tpu.memory_space<vmem>>, vector<16xf32>,
    tpu.vector_store %arg12[%swap3A_1164], %max3A_1159 {strides = array<i32>} : memref<16xf32, #tpu.memory_space<vmem>>, vector<16xf32>,
    %add3A_1166 = arith.constant 1 : i32
    %add3A_1167 = vector.broadcast %add3A_1166 : i32 to vector<16xi32>
    %add3A_1168 = arith.addi %iota3A, %add3A_1167 : vector<16xi32>
    %and3A_1169 = arith.constant 15 : i32
    %and3A_1170 = vector.broadcast %and3A_1169 : i32 to vector<16xi32>
    %and3A_1171 = arith.andi %add3A_1168, %and3A_1170 : vector<16xi32>
    %gather3A_1172 = tpu.vector_load_idx %arg12[%and3A_1171] : memref<16xf32, #tpu.memory_space<vmem>>[vector<16xi32>], vector<16xf32>,
    %swap3A_1173 = arith.constant 0 : index
    %swap3A_1174 = tpu.vector_load %arg12[%swap3A_1173] {strides = array<i32>} : memref<16xf32, #tpu.memory_space<vmem>>, vector<16xf32>,
    tpu.vector_store %arg12[%swap3A_1173], %max3A_1161 {strides = array<i32>} : memref<16xf32, #tpu.memory_space<vmem>>, vector<16xf32>,
    %add3A_1175 = arith.constant 1 : i32
    %add3A_1176 = vector.broadcast %add3A_1175 : i32 to vector<16xi32>
    %add3A_1177 = arith.addi %iota3A, %add3A_1176 : vector<16xi32>
    %and3A_1178 = arith.constant 15 : i32
    %and3A_1179 = vector.broadcast %and3A_1178 : i32 to vector<16xi32>
    %and3A_1180 = arith.andi %add3A_1177, %and3A_1179 : vector<16xi32>
    %gather3A_1181 = tpu.vector_load_idx %arg12[%and3A_1180] : memref<16xf32, #tpu.memory_space<vmem>>[vector<16xi32>], vector<16xf32>,
    %swap3A_1182 = arith.constant 0 : index
    %swap3A_1183 = tpu.vector_load %arg12[%swap3A_1182] {strides = array<i32>} : memref<16xf32, #tpu.memory_space<vmem>>, vector<16xf32>,
    tpu.vector_store %arg12[%swap3A_1182], %max3A_1163 {strides = array<i32>} : memref<16xf32, #tpu.memory_space<vmem>>, vector<16xf32>,
    %add3A_1184 = arith.constant 1 : i32
    %add3A_1185 = vector.broadcast %add3A_1184 : i32 to vector<16xi32>
    %add3A_1186 = arith.addi %iota3A, %add3A_1185 : vector<16xi32>
    %and3A_1187 = arith.constant 15 : i32
    %and3A_1188 = vector.broadcast %and3A_1187 : i32 to vector<16xi32>
    %and3A_1189 = arith.andi %add3A_1186, %and3A_1188 : vector<16xi32>
    %gather3A_1190 = tpu.vector_load_idx %arg12[%and3A_1189] : memref<16xf32, #tpu.memory_space<vmem>>[vector<16xi32>], vector<16xf32>,
    %max3A_1191 = arith.maximumf %max3A_1159, %gather3A_1172 : vector<16xf32>
    %min3A_1192 = arith.minimumf %max3A_1159, %gather3A_1172 : vector<16xf32>
    %max3A_1193 = arith.maximumf %max3A_1161, %min3A_1192 : vector<16xf32>
    %min3A_1194 = arith.minimumf %max3A_1161, %min3A_1192 : vector<16xf32>
    %max3A_1195 = arith.maximumf %max3A_1163, %min3A_1194 : vector<16xf32>
    %max3A_1196 = arith.maximumf %max3A_1191, %gather3A_1181 : vector<16xf32>
    %min3A_1197 = arith.minimumf %max3A_1191, %gather3A_1181 : vector<16xf32>
    %max3A_1198 = arith.maximumf %max3A_1193, %min3A_1197 : vector<16xf32>
    %min3A_1199 = arith.minimumf %max3A_1193, %min3A_1197 : vector<16xf32>
    %max3A_1200 = arith.maximumf %max3A_1195, %min3A_1199 : vector<16xf32>
    %max3A_1201 = arith.maximumf %max3A_1196, %gather3A_1190 : vector<16xf32>
    %min3A_1202 = arith.minimumf %max3A_1196, %gather3A_1190 : vector<16xf32>
    %max3A_1203 = arith.maximumf %max3A_1198, %min3A_1202 : vector<16xf32>
    %min3A_1204 = arith.minimumf %max3A_1198, %min3A_1202 : vector<16xf32>
    %max3A_1205 = arith.maximumf %max3A_1200, %min3A_1204 : vector<16xf32>
    %slice3A_1206 = vector.extract_strided_slice %max3A_1201 {offsets = [0], sizes = [1], strides = [1]} : vector<16xf32> to vector<1xf32>
    %squeeze3A_1207 = vector.extract %slice3A_1206[0] : f32 from vector<1xf32>
    %slice3A_1208 = vector.extract_strided_slice %max3A_1203 {offsets = [0], sizes = [1], strides = [1]} : vector<16xf32> to vector<1xf32>
    %squeeze3A_1209 = vector.extract %slice3A_1208[0] : f32 from vector<1xf32>
    %slice3A_1210 = vector.extract_strided_slice %max3A_1205 {offsets = [0], sizes = [1], strides = [1]} : vector<16xf32> to vector<1xf32>
    %squeeze3A_1211 = vector.extract %slice3A_1210[0] : f32 from vector<1xf32>
    %eq3A_1212 = arith.constant 12 : i32
    %eq3A_1213 = vector.broadcast %eq3A_1212 : i32 to vector<16xi32>
    %eq3A_1214 = arith.cmpi eq, %iota3A, %eq3A_1213 : vector<16xi32>
    %broadcast_in_dim3A_1215 = vector.broadcast %reduce_max3A_979 : f32 to vector<16xf32>
    %select_n3A_1216 = arith.select %eq3A_1214, %broadcast_in_dim3A_1215, %select_n3A_954 : vector<16xi1>, vector<16xf32>
    %eq3A_1217 = arith.constant 13 : i32
    %eq3A_1218 = vector.broadcast %eq3A_1217 : i32 to vector<16xi32>
    %eq3A_1219 = arith.cmpi eq, %iota3A, %eq3A_1218 : vector<16xi32>
    %broadcast_in_dim3A_1220 = vector.broadcast %squeeze3A_1207 : f32 to vector<16xf32>
    %select_n3A_1221 = arith.select %eq3A_1219, %broadcast_in_dim3A_1220, %select_n3A_1216 : vector<16xi1>, vector<16xf32>
    %eq3A_1222 = arith.constant 14 : i32
    %eq3A_1223 = vector.broadcast %eq3A_1222 : i32 to vector<16xi32>
    %eq3A_1224 = arith.cmpi eq, %iota3A, %eq3A_1223 : vector<16xi32>
    %broadcast_in_dim3A_1225 = vector.broadcast %squeeze3A_1209 : f32 to vector<16xf32>
    %select_n3A_1226 = arith.select %eq3A_1224, %broadcast_in_dim3A_1225, %select_n3A_1221 : vector<16xi1>, vector<16xf32>
    %eq3A_1227 = arith.constant 15 : i32
    %eq3A_1228 = vector.broadcast %eq3A_1227 : i32 to vector<16xi32>
    %eq3A_1229 = arith.cmpi eq, %iota3A, %eq3A_1228 : vector<16xi32>
    %broadcast_in_dim3A_1230 = vector.broadcast %squeeze3A_1211 : f32 to vector<16xf32>
    %select_n3A_1231 = arith.select %eq3A_1229, %broadcast_in_dim3A_1230, %select_n3A_1226 : vector<16xi1>, vector<16xf32>
    %swap3A_1232 = arith.constant 0 : index
    %swap3A_1233 = tpu.vector_load %arg12[%swap3A_1232] {strides = array<i32>} : memref<16xf32, #tpu.memory_space<vmem>>, vector<16xf32>,
    tpu.vector_store %arg12[%swap3A_1232], %select_n3A_1231 {strides = array<i32>} : memref<16xf32, #tpu.memory_space<vmem>>, vector<16xf32>,
    %mul3A_1234 = arith.constant 16 : i32
    %mul3A_1235 = arith.muli %add3A, %mul3A_1234 : i32
    "tpu.region"() ({
      %run_scoped3A = tpu.sem_alloc : memref<!tpu.dma_semaphore, #tpu.memory_space<semaphore_mem>>
      %dma_start3A_1324 = tpu.memref_slice %arg6[%mul3A_1235] : memref<512xf32, #tpu.memory_space<hbm>> -> memref<16xf32, #tpu.memory_space<hbm>>
      %dma_start3A_1325 = tpu.memref_slice %arg6[%mul3A_1235] : memref<512xf32, #tpu.memory_space<hbm>> -> memref<16xf32, #tpu.memory_space<hbm>>
      tpu.enqueue_dma source(%arg12 : memref<16xf32, #tpu.memory_space<vmem>>) target(%dma_start3A_1325 : memref<16xf32, #tpu.memory_space<hbm>>) target_semaphore(%run_scoped3A : memref<!tpu.dma_semaphore, #tpu.memory_space<semaphore_mem>>)
      %dma_wait3A_1326 = tpu.memref_slice %arg6[%mul3A_1235] : memref<512xf32, #tpu.memory_space<hbm>> -> memref<16xf32, #tpu.memory_space<hbm>>
      %dma_wait3A_1327 = tpu.memref_slice %arg6[%mul3A_1235] : memref<512xf32, #tpu.memory_space<hbm>> -> memref<16xf32, #tpu.memory_space<hbm>>
      tpu.wait_dma2 semaphore(%run_scoped3A : memref<!tpu.dma_semaphore, #tpu.memory_space<semaphore_mem>>) src(%arg12 : memref<16xf32, #tpu.memory_space<vmem>>) dst(%dma_wait3A_1327 : memref<16xf32, #tpu.memory_space<hbm>>)
      tpu.yield
    }) : () -> ()
    %dma_wait3A_1236 = tpu.memref_slice %arg5[%mul3A_27] : memref<512xf32, #tpu.memory_space<hbm>> -> memref<16xf32, #tpu.memory_space<hbm>>
    %dma_wait3A_1237 = tpu.memref_slice %arg5[%mul3A_27] : memref<512xf32, #tpu.memory_space<hbm>> -> memref<16xf32, #tpu.memory_space<hbm>>
    tpu.wait_dma2 semaphore(%arg16 : memref<!tpu.dma_semaphore, #tpu.memory_space<semaphore_mem>>) src(%dma_wait3A_1237 : memref<16xf32, #tpu.memory_space<hbm>>) dst(%arg14 : memref<16xf32, #tpu.memory_space<vmem>>)
    %dma_wait3A_1238 = arith.constant 0 : i32
    %dma_wait3A_1239 = arith.constant 0 : i32
    %dma_wait3A_1240 = arith.constant 0 : i32
    %dma_wait3A_1241 = tpu.memref_slice %arg13[%dma_wait3A_1238, %dma_wait3A_1239, %dma_wait3A_1240] : memref<4x4x128xf32, #tpu.memory_space<vmem>> -> memref<1x4x128xf32, #tpu.memory_space<vmem>>
    %dma_wait3A_1242 = tpu.memref_squeeze %dma_wait3A_1241 : memref<1x4x128xf32, #tpu.memory_space<vmem>> -> memref<4x128xf32, #tpu.memory_space<vmem>>
    %dma_wait3A_1243 = arith.constant 0 : i32
    %dma_wait3A_1244 = tpu.memref_slice %arg4[%add3A_38, %dma_wait3A_1243, %multiple_of3A] : memref<128x4x32768xf32, #tpu.memory_space<hbm>> -> memref<1x4x128xf32, #tpu.memory_space<hbm>>
    %dma_wait3A_1245 = tpu.memref_squeeze %dma_wait3A_1244 : memref<1x4x128xf32, #tpu.memory_space<hbm>> -> memref<4x128xf32, #tpu.memory_space<hbm>>
    %dma_wait3A_1246 = arith.constant 0 : i32
    %dma_wait3A_1247 = arith.constant 0 : i32
    %dma_wait3A_1248 = tpu.memref_slice %arg13[%dma_wait3A_1238, %dma_wait3A_1246, %dma_wait3A_1247] : memref<4x4x128xf32, #tpu.memory_space<vmem>> -> memref<1x4x128xf32, #tpu.memory_space<vmem>>
    %dma_wait3A_1249 = tpu.memref_squeeze %dma_wait3A_1248 : memref<1x4x128xf32, #tpu.memory_space<vmem>> -> memref<4x128xf32, #tpu.memory_space<vmem>>
    %dma_wait3A_1250 = arith.constant 0 : i32
    %dma_wait3A_1251 = tpu.memref_slice %arg4[%add3A_38, %dma_wait3A_1250, %multiple_of3A] : memref<128x4x32768xf32, #tpu.memory_space<hbm>> -> memref<1x4x128xf32, #tpu.memory_space<hbm>>
    %dma_wait3A_1252 = tpu.memref_squeeze %dma_wait3A_1251 : memref<1x4x128xf32, #tpu.memory_space<hbm>> -> memref<4x128xf32, #tpu.memory_space<hbm>>
    tpu.wait_dma2 semaphore(%arg16 : memref<!tpu.dma_semaphore, #tpu.memory_space<semaphore_mem>>) src(%dma_wait3A_1252 : memref<4x128xf32, #tpu.memory_space<hbm>>) dst(%dma_wait3A_1249 : memref<4x128xf32, #tpu.memory_space<vmem>>)
    %dma_wait3A_1253 = arith.constant 1 : i32
    %dma_wait3A_1254 = arith.constant 0 : i32
    %dma_wait3A_1255 = arith.constant 0 : i32
    %dma_wait3A_1256 = tpu.memref_slice %arg13[%dma_wait3A_1253, %dma_wait3A_1254, %dma_wait3A_1255] : memref<4x4x128xf32, #tpu.memory_space<vmem>> -> memref<1x4x128xf32, #tpu.memory_space<vmem>>
    %dma_wait3A_1257 = tpu.memref_squeeze %dma_wait3A_1256 : memref<1x4x128xf32, #tpu.memory_space<vmem>> -> memref<4x128xf32, #tpu.memory_space<vmem>>
    %dma_wait3A_1258 = arith.constant 0 : i32
    %dma_wait3A_1259 = tpu.memref_slice %arg4[%add3A_62, %dma_wait3A_1258, %multiple_of3A_60] : memref<128x4x32768xf32, #tpu.memory_space<hbm>> -> memref<1x4x128xf32, #tpu.memory_space<hbm>>
    %dma_wait3A_1260 = tpu.memref_squeeze %dma_wait3A_1259 : memref<1x4x128xf32, #tpu.memory_space<hbm>> -> memref<4x128xf32, #tpu.memory_space<hbm>>
    %dma_wait3A_1261 = arith.constant 0 : i32
    %dma_wait3A_1262 = arith.constant 0 : i32
    %dma_wait3A_1263 = tpu.memref_slice %arg13[%dma_wait3A_1253, %dma_wait3A_1261, %dma_wait3A_1262] : memref<4x4x128xf32, #tpu.memory_space<vmem>> -> memref<1x4x128xf32, #tpu.memory_space<vmem>>
    %dma_wait3A_1264 = tpu.memref_squeeze %dma_wait3A_1263 : memref<1x4x128xf32, #tpu.memory_space<vmem>> -> memref<4x128xf32, #tpu.memory_space<vmem>>
    %dma_wait3A_1265 = arith.constant 0 : i32
    %dma_wait3A_1266 = tpu.memref_slice %arg4[%add3A_62, %dma_wait3A_1265, %multiple_of3A_60] : memref<128x4x32768xf32, #tpu.memory_space<hbm>> -> memref<1x4x128xf32, #tpu.memory_space<hbm>>
    %dma_wait3A_1267 = tpu.memref_squeeze %dma_wait3A_1266 : memref<1x4x128xf32, #tpu.memory_space<hbm>> -> memref<4x128xf32, #tpu.memory_space<hbm>>
    tpu.wait_dma2 semaphore(%arg16 : memref<!tpu.dma_semaphore, #tpu.memory_space<semaphore_mem>>) src(%dma_wait3A_1267 : memref<4x128xf32, #tpu.memory_space<hbm>>) dst(%dma_wait3A_1264 : memref<4x128xf32, #tpu.memory_space<vmem>>)
    %dma_wait3A_1268 = arith.constant 2 : i32
    %dma_wait3A_1269 = arith.constant 0 : i32
    %dma_wait3A_1270 = arith.constant 0 : i32
    %dma_wait3A_1271 = tpu.memref_slice %arg13[%dma_wait3A_1268, %dma_wait3A_1269, %dma_wait3A_1270] : memref<4x4x128xf32, #tpu.memory_space<vmem>> -> memref<1x4x128xf32, #tpu.memory_space<vmem>>
    %dma_wait3A_1272 = tpu.memref_squeeze %dma_wait3A_1271 : memref<1x4x128xf32, #tpu.memory_space<vmem>> -> memref<4x128xf32, #tpu.memory_space<vmem>>
    %dma_wait3A_1273 = arith.constant 0 : i32
    %dma_wait3A_1274 = tpu.memref_slice %arg4[%add3A_86, %dma_wait3A_1273, %multiple_of3A_84] : memref<128x4x32768xf32, #tpu.memory_space<hbm>> -> memref<1x4x128xf32, #tpu.memory_space<hbm>>
    %dma_wait3A_1275 = tpu.memref_squeeze %dma_wait3A_1274 : memref<1x4x128xf32, #tpu.memory_space<hbm>> -> memref<4x128xf32, #tpu.memory_space<hbm>>
    %dma_wait3A_1276 = arith.constant 0 : i32
    %dma_wait3A_1277 = arith.constant 0 : i32
    %dma_wait3A_1278 = tpu.memref_slice %arg13[%dma_wait3A_1268, %dma_wait3A_1276, %dma_wait3A_1277] : memref<4x4x128xf32, #tpu.memory_space<vmem>> -> memref<1x4x128xf32, #tpu.memory_space<vmem>>
    %dma_wait3A_1279 = tpu.memref_squeeze %dma_wait3A_1278 : memref<1x4x128xf32, #tpu.memory_space<vmem>> -> memref<4x128xf32, #tpu.memory_space<vmem>>
    %dma_wait3A_1280 = arith.constant 0 : i32
    %dma_wait3A_1281 = tpu.memref_slice %arg4[%add3A_86, %dma_wait3A_1280, %multiple_of3A_84] : memref<128x4x32768xf32, #tpu.memory_space<hbm>> -> memref<1x4x128xf32, #tpu.memory_space<hbm>>
    %dma_wait3A_1282 = tpu.memref_squeeze %dma_wait3A_1281 : memref<1x4x128xf32, #tpu.memory_space<hbm>> -> memref<4x128xf32, #tpu.memory_space<hbm>>
    tpu.wait_dma2 semaphore(%arg16 : memref<!tpu.dma_semaphore, #tpu.memory_space<semaphore_mem>>) src(%dma_wait3A_1282 : memref<4x128xf32, #tpu.memory_space<hbm>>) dst(%dma_wait3A_1279 : memref<4x128xf32, #tpu.memory_space<vmem>>)
    %dma_wait3A_1283 = arith.constant 3 : i32
    %dma_wait3A_1284 = arith.constant 0 : i32
    %dma_wait3A_1285 = arith.constant 0 : i32
    %dma_wait3A_1286 = tpu.memref_slice %arg13[%dma_wait3A_1283, %dma_wait3A_1284, %dma_wait3A_1285] : memref<4x4x128xf32, #tpu.memory_space<vmem>> -> memref<1x4x128xf32, #tpu.memory_space<vmem>>
    %dma_wait3A_1287 = tpu.memref_squeeze %dma_wait3A_1286 : memref<1x4x128xf32, #tpu.memory_space<vmem>> -> memref<4x128xf32, #tpu.memory_space<vmem>>
    %dma_wait3A_1288 = arith.constant 0 : i32
    %dma_wait3A_1289 = tpu.memref_slice %arg4[%add3A_110, %dma_wait3A_1288, %multiple_of3A_108] : memref<128x4x32768xf32, #tpu.memory_space<hbm>> -> memref<1x4x128xf32, #tpu.memory_space<hbm>>
    %dma_wait3A_1290 = tpu.memref_squeeze %dma_wait3A_1289 : memref<1x4x128xf32, #tpu.memory_space<hbm>> -> memref<4x128xf32, #tpu.memory_space<hbm>>
    %dma_wait3A_1291 = arith.constant 0 : i32
    %dma_wait3A_1292 = arith.constant 0 : i32
    %dma_wait3A_1293 = tpu.memref_slice %arg13[%dma_wait3A_1283, %dma_wait3A_1291, %dma_wait3A_1292] : memref<4x4x128xf32, #tpu.memory_space<vmem>> -> memref<1x4x128xf32, #tpu.memory_space<vmem>>
    %dma_wait3A_1294 = tpu.memref_squeeze %dma_wait3A_1293 : memref<1x4x128xf32, #tpu.memory_space<vmem>> -> memref<4x128xf32, #tpu.memory_space<vmem>>
    %dma_wait3A_1295 = arith.constant 0 : i32
    %dma_wait3A_1296 = tpu.memref_slice %arg4[%add3A_110, %dma_wait3A_1295, %multiple_of3A_108] : memref<128x4x32768xf32, #tpu.memory_space<hbm>> -> memref<1x4x128xf32, #tpu.memory_space<hbm>>
    %dma_wait3A_1297 = tpu.memref_squeeze %dma_wait3A_1296 : memref<1x4x128xf32, #tpu.memory_space<hbm>> -> memref<4x128xf32, #tpu.memory_space<hbm>>
    tpu.wait_dma2 semaphore(%arg16 : memref<!tpu.dma_semaphore, #tpu.memory_space<semaphore_mem>>) src(%dma_wait3A_1297 : memref<4x128xf32, #tpu.memory_space<hbm>>) dst(%dma_wait3A_1294 : memref<4x128xf32, #tpu.memory_space<vmem>>)
    %shift_right_arithmetic3A_1298 = arith.constant 2 : i32
    %shift_right_arithmetic3A_1299 = vector.broadcast %shift_right_arithmetic3A_1298 : i32 to vector<16xi32>
    %shift_right_arithmetic3A_1300 = arith.shrsi %iota3A, %shift_right_arithmetic3A_1299 : vector<16xi32>
    %and3A_1301 = arith.constant 3 : i32
    %and3A_1302 = vector.broadcast %and3A_1301 : i32 to vector<16xi32>
    %and3A_1303 = arith.andi %iota3A, %and3A_1302 : vector<16xi32>
    %and3A_1304 = arith.constant 127 : i32
    %and3A_1305 = vector.broadcast %and3A_1304 : i32 to vector<16xi32>
    %and3A_1306 = arith.andi %gather3A, %and3A_1305 : vector<16xi32>
    %gather3A_1307 = tpu.vector_load_idx %arg13[%shift_right_arithmetic3A_1300, %and3A_1303, %and3A_1306] : memref<4x4x128xf32, #tpu.memory_space<vmem>>[vector<16xi32>, vector<16xi32>, vector<16xi32>], vector<16xf32>,
    %get3A_1308 = arith.constant 0 : index
    %get3A_1309 = tpu.vector_load %arg14[%get3A_1308] {strides = array<i32>} : memref<16xf32, #tpu.memory_space<vmem>>, vector<16xf32>,
    %sub3A = arith.subf %gather3A_1307, %get3A_1309 : vector<16xf32>
    %abs3A = math.absf %sub3A : vector<16xf32>
    %lt3A = arith.constant 1.000000e+00 : f32
    %lt3A_1310 = vector.broadcast %lt3A : f32 to vector<16xf32>
    %lt3A_1311 = arith.cmpf olt, %abs3A, %lt3A_1310 : vector<16xf32>
    %mul3A_1312 = arith.constant 5.000000e-01 : f32
    %mul3A_1313 = vector.broadcast %mul3A_1312 : f32 to vector<16xf32>
    %mul3A_1314 = arith.mulf %mul3A_1313, %sub3A : vector<16xf32>
    %mul3A_1315 = arith.mulf %mul3A_1314, %sub3A : vector<16xf32>
    %sub3A_1316 = arith.constant 5.000000e-01 : f32
    %sub3A_1317 = vector.broadcast %sub3A_1316 : f32 to vector<16xf32>
    %sub3A_1318 = arith.subf %abs3A, %sub3A_1317 : vector<16xf32>
    %select_n3A_1319 = arith.select %lt3A_1311, %mul3A_1315, %sub3A_1318 : vector<16xi1>, vector<16xf32>
    %swap3A_1320 = arith.constant 0 : index
    %swap3A_1321 = tpu.vector_load %arg14[%swap3A_1320] {strides = array<i32>} : memref<16xf32, #tpu.memory_space<vmem>>, vector<16xf32>,
    tpu.vector_store %arg14[%swap3A_1320], %select_n3A_1319 {strides = array<i32>} : memref<16xf32, #tpu.memory_space<vmem>>, vector<16xf32>,
    %mul3A_1322 = arith.constant 16 : i32
    %mul3A_1323 = arith.muli %add3A, %mul3A_1322 : i32
    "tpu.region"() ({
      %run_scoped3A = tpu.sem_alloc : memref<!tpu.dma_semaphore, #tpu.memory_space<semaphore_mem>>
      %dma_start3A_1324 = tpu.memref_slice %arg7[%mul3A_1323] : memref<512xf32, #tpu.memory_space<hbm>> -> memref<16xf32, #tpu.memory_space<hbm>>
      %dma_start3A_1325 = tpu.memref_slice %arg7[%mul3A_1323] : memref<512xf32, #tpu.memory_space<hbm>> -> memref<16xf32, #tpu.memory_space<hbm>>
      tpu.enqueue_dma source(%arg14 : memref<16xf32, #tpu.memory_space<vmem>>) target(%dma_start3A_1325 : memref<16xf32, #tpu.memory_space<hbm>>) target_semaphore(%run_scoped3A : memref<!tpu.dma_semaphore, #tpu.memory_space<semaphore_mem>>)
      %dma_wait3A_1326 = tpu.memref_slice %arg7[%mul3A_1323] : memref<512xf32, #tpu.memory_space<hbm>> -> memref<16xf32, #tpu.memory_space<hbm>>
      %dma_wait3A_1327 = tpu.memref_slice %arg7[%mul3A_1323] : memref<512xf32, #tpu.memory_space<hbm>> -> memref<16xf32, #tpu.memory_space<hbm>>
      tpu.wait_dma2 semaphore(%run_scoped3A : memref<!tpu.dma_semaphore, #tpu.memory_space<semaphore_mem>>) src(%arg14 : memref<16xf32, #tpu.memory_space<vmem>>) dst(%dma_wait3A_1327 : memref<16xf32, #tpu.memory_space<hbm>>)
      tpu.yield
    }) : () -> ()
    return
  }
}

module attributes {stable_mosaic.version = 14 : i64} {
  func.func @body(%arg0: memref<4x128xf32, #tpu.memory_space<vmem>>, %arg1: memref<4x128xf32, #tpu.memory_space<vmem>>, %arg2: memref<1x1xf32, #tpu.memory_space<vmem>>) attributes {dimension_semantics = [], scalar_prefetch = 0 : i64, scratch_operands = 0 : i64, tpu.core_type = #tpu.core_type<tc>} {
    %get3A = arith.constant 0 : index
    %get3A_0 = arith.constant 0 : index
    %get3A_1 = vector.load %arg0[%get3A, %get3A_0] : memref<4x128xf32, #tpu.memory_space<vmem>>, vector<4x128xf32>
    %iota3A = tpu.iota {dimensions = array<i32: 1>} : vector<4x128xi32>
    %jit3A = arith.constant 4 : i32
    %eq3A = arith.constant 0 : i32
    %eq3A_2 = arith.cmpi eq, %jit3A, %eq3A : i32
    %jit3A_3 = arith.constant 1 : i32
    %select_n3A = arith.select %eq3A_2, %jit3A_3, %jit3A : i32
    %rem3A = vector.broadcast %select_n3A : i32 to vector<4x128xi32>
    %rem3A_4 = arith.remsi %iota3A, %rem3A : vector<4x128xi32>
    %ne3A = arith.constant 0 : i32
    %ne3A_5 = vector.broadcast %ne3A : i32 to vector<4x128xi32>
    %ne3A_6 = arith.cmpi ne, %rem3A_4, %ne3A_5 : vector<4x128xi32>
    %lt3A = arith.constant 0 : i32
    %lt3A_7 = vector.broadcast %lt3A : i32 to vector<4x128xi32>
    %lt3A_8 = arith.cmpi slt, %rem3A_4, %lt3A_7 : vector<4x128xi32>
    %lt3A_9 = arith.constant 0 : i32
    %lt3A_10 = arith.cmpi slt, %select_n3A, %lt3A_9 : i32
    %ne3A_11 = vector.broadcast %lt3A_10 : i1 to vector<4x128xi1>
    %ne3A_12 = vector.broadcast %ne3A_11 : vector<4x128xi1> to vector<4x128xi1>
    %ne3A_13 = arith.xori %lt3A_8, %ne3A_12 : vector<4x128xi1>
    %and3A = arith.andi %ne3A_13, %ne3A_6 : vector<4x128xi1>
    %add3A = vector.broadcast %select_n3A : i32 to vector<4x128xi32>
    %add3A_14 = arith.addi %rem3A_4, %add3A : vector<4x128xi32>
    %select_n3A_15 = arith.select %and3A, %add3A_14, %rem3A_4 : vector<4x128xi1>, vector<4x128xi32>
    %eq3A_16 = arith.constant 0 : i32
    %eq3A_17 = vector.broadcast %eq3A_16 : i32 to vector<4x128xi32>
    %eq3A_18 = arith.cmpi eq, %select_n3A_15, %eq3A_17 : vector<4x128xi32>
    %jit3A_19 = arith.constant 1.000000e+00 : f32
    %jit3A_20 = arith.constant 0.000000e+00 : f32
    %broadcast_in_dim3A = vector.broadcast %jit3A_19 : f32 to vector<4x128xf32>
    %broadcast_in_dim3A_21 = vector.broadcast %jit3A_20 : f32 to vector<4x128xf32>
    %select_n3A_22 = arith.select %eq3A_18, %broadcast_in_dim3A, %broadcast_in_dim3A_21 : vector<4x128xi1>, vector<4x128xf32>
    %max3A = arith.constant 0.000000e+00 : f32
    %max3A_23 = vector.broadcast %max3A : f32 to vector<4x128xf32>
    %max3A_24 = arith.maximumf %get3A_1, %max3A_23 : vector<4x128xf32>
    %mul3A = arith.mulf %get3A_1, %select_n3A_22 : vector<4x128xf32>
    %sub3A = arith.subf %max3A_24, %mul3A : vector<4x128xf32>
    %abs3A = math.absf %get3A_1 : vector<4x128xf32>
    %neg3A = arith.constant 0.000000e+00 : f32
    %neg3A_25 = vector.broadcast %neg3A : f32 to vector<4x128xf32>
    %neg3A_26 = arith.subf %neg3A_25, %abs3A : vector<4x128xf32>
    %exp3A = math.exp %neg3A_26 : vector<4x128xf32>
    %log1p3A = math.log1p %exp3A : vector<4x128xf32>
    %add3A_27 = arith.addf %sub3A, %log1p3A : vector<4x128xf32>
    %reduce_sum3A = vector.shape_cast %add3A_27 : vector<4x128xf32> to vector<1x4x128xf32>
    %reduce_sum3A_28 = arith.constant dense<0.000000e+00> : vector<1xf32>
    %reduce_sum3A_29 = vector.multi_reduction <add>, %reduce_sum3A, %reduce_sum3A_28 [1, 2] : vector<1x4x128xf32> to vector<1xf32>
    %reduce_sum3A_30 = vector.shape_cast %reduce_sum3A_29 : vector<1xf32> to vector<1x1x1xf32>
    %reduce_sum3A_31 = vector.extract %reduce_sum3A_30[0, 0, 0] : f32 from vector<1x1x1xf32>
    %get3A_32 = arith.constant 0 : index
    %get3A_33 = arith.constant 0 : index
    %get3A_34 = vector.load %arg1[%get3A_32, %get3A_33] : memref<4x128xf32, #tpu.memory_space<vmem>>, vector<4x128xf32>
    %reduce_sum3A_35 = vector.shape_cast %get3A_34 : vector<4x128xf32> to vector<1x4x128xf32>
    %reduce_sum3A_36 = arith.constant dense<0.000000e+00> : vector<1xf32>
    %reduce_sum3A_37 = vector.multi_reduction <add>, %reduce_sum3A_35, %reduce_sum3A_36 [1, 2] : vector<1x4x128xf32> to vector<1xf32>
    %reduce_sum3A_38 = vector.shape_cast %reduce_sum3A_37 : vector<1xf32> to vector<1x1x1xf32>
    %reduce_sum3A_39 = vector.extract %reduce_sum3A_38[0, 0, 0] : f32 from vector<1x1x1xf32>
    %add3A_40 = arith.addf %reduce_sum3A_31, %reduce_sum3A_39 : f32
    %div3A = arith.constant 5.120000e+02 : f32
    %div3A_41 = arith.divf %add3A_40, %div3A : f32
    %reshape3A = vector.broadcast %div3A_41 : f32 to vector<1x1xf32>
    %swap3A = arith.constant 0 : index
    %swap3A_42 = arith.constant 0 : index
    %swap3A_43 = vector.load %arg2[%swap3A, %swap3A_42] : memref<1x1xf32, #tpu.memory_space<vmem>>, vector<1x1xf32>
    tpu.vector_store %arg2[%swap3A, %swap3A_42], %reshape3A {strides = array<i32>} : memref<1x1xf32, #tpu.memory_space<vmem>>, vector<1x1xf32>,
    return
  }
}

</mosaic_0001>

<sc_bundles>
// kernel: kernel.4.cloned.1.call-start
scs
__scs_entry_jumppad:
0x0: {  	(pc) =	sbr.rel $0x88, $3  }
0x1: {  	(tag) =	ssettag $0x0;
	lr =	simm.s32 $0x1  }
0x2: {  	[smem:$0x3F9D] =	sst lr;
	_ =	strace $0xD0000000  }
0x3: {  	_ = 	snop  }
0x4: {  	_ = 	snop  }
0x5: {  	_ = 	snop  }
0x6: {  	_ = 	snop  }
0x7: {  	_ = 	snop  }
__scs_overlays_trampoline_lowered:
0x8: {  	[smem:$0x3FAC] =	sst s0  }
0x9: {  	[smem:$0x3FAD] =	sst s1  }
0xa: {  	[smem:$0x3FAE] =	sst s2  }
0xb: {  	[smem:$0x3FAF] =	sst s3  }
0xc: {  	[smem:$0x3FB0] =	sst s4  }
0xd: {  	[smem:$0x3FB1] =	sst s5  }
0xe: {  	[smem:$0x3FB2] =	sst s6  }
0xf: {  	[smem:$0x3FB3] =	sst s7  }
0x10: {  	[smem:$0x3FB4] =	sst s8  }
0x11: {  	[smem:$0x3FB5] =	sst s9;
	s0 =	simm.s32 @!p0 $0x0  }
0x12: {  	s1 =	sld [smem:$0x3F9B];
	s0 =	simm.s32 @p0 $0x1  }
0x13: {  	[smem:$0x3FB6] =	sst s0;
	s0 =	simm.s32 @!p1 $0x0  }
0x14: {  	s2 =	sld [smem:$0x3F9A];
	s0 =	simm.s32 @p1 $0x1  }
0x15: {  	[smem:$0x3FB7] =	sst s0;
	s0 =	simm.s32 @!p2 $0x0  }
0x16: {  	s3 =	sld [smem:$0x3FDB];
	s0 =	simm.s32 @p2 $0x1  }
0x17: {  	s4 =	simm.s32 $0x1BF5;
	[smem:$0x3FB9] =	sst s0  }
0x18: {  	s0 =	sld [smem:$0x3F9C];
	_ =	swait.ge [sflag:s4], $0x0  }
0x19: {  	s7 =	sld [smem:$0x3F9D]  }
0x1a: {  	s8 =	sadd.s32 $0xFFFFE003, lr  }
0x1b: {  	s9 =	sadd.s32 $0xFFFFFEF7, lr;
	s5 =	simm.s32 $0xFFFFFFFF;
	p2 =	slt.u32 s8, $0xFFFFF086  }
0x1c: {  	p1 =	slt.u32 s9, $0xF7A;
	s5 =	simm.s32 @!p2 $0x0  }
0x1d: {  	s5 =	simm.s32 @p1 $0x1;
	p0 =	seq.s32 s7, s2  }
0x1e: {  	s7 =	smul.u32 @!p0 $0xF7A, s2;
	p2 =	seq.s32 @!p0 s5, $0x0  }
0x1f: {  	s9 =	smul.u32 $0xF7A, s1;
	s8 =	simm.s32 @!p0 $0x1BF5;
	p2 =	por !p2, p0  }
0x20: {  	[sflag:s8] =	ssyncset.s32 @!p0 $0xFFFFF086;
	s6 =	sadd.s32 @!p0 s3, s7;
	s7 =	simm.s32 @!p0 $0x108  }
0x21: {  	s3 =	sadd.s32 s3, s9;
	s6 =	sadd.s32 @!p0 $0x88, s6;
	s7 =	simm.s32 @p2 $0x1082  }
0x22: {  	[simem:s7], [sflag:s8] =	dma.local @!p0 [hbm:s6], $0xF7A  }
0x23: {  	s9 =	sor.u32 $0xD0000000, s2;
	s6 =	simm.s32 $0x108;
	_ =	swait.ge @!p0 [sflag:s8], $0x0  }
0x24: {  	s3 =	sadd.s32 $0x88, s3;
	s6 =	simm.s32 @!p1 $0x1082;
	[sflag:s4] =	ssyncset.s32 $0xFFFFF086  }
0x25: {  	[simem:s6], [sflag:s4] =	dma.local [hbm:s3], $0xF7A  }
0x26: {  	[smem:$0x3F9D] =	sst s1;
	(tag) =	ssettag s2;
	_ =	strace s9  }
0x27: {  	s1 =	sld [smem:$0x3FAD]  }
0x28: {  	s2 =	sld [smem:$0x3FAE]  }
0x29: {  	s4 =	sld [smem:$0x3FB0]  }
0x2a: {  	p0 =	seq.s32 s5, $0x0;
	s5 =	sld [smem:$0x3FB1]  }
0x2b: {  	s6 =	sld [smem:$0x3FB2]  }
0x2c: {  	s7 =	sld [smem:$0x3FB3]  }
0x2d: {  	s3 =	simm.s32 $0x108;
	s8 =	sld [smem:$0x3FB4]  }
0x2e: {  	s3 =	simm.s32 @!p0 $0x1082;
	s9 =	sld [smem:$0x3FB5]  }
0x2f: {  	lr =	sadd.s32 s0, s3;
	s0 =	sld [smem:$0x3FAC]  }
0x30: {  	s3 =	sld [smem:$0x3FAF]  }
0x31: {  	[smem:$0x3FB8] =	sst s10  }
0x32: {  	s10 =	sld [smem:$0x3FB6];
	_ =	sdelay $0x3  }
0x33: {  	p0 =	seq.s32 s10, $0x1;
	s10 =	sld [smem:$0x3FB8];
	_ =	sdelay $0x3  }
0x34: {  	[smem:$0x3FB8] =	sst s10  }
0x35: {  	s10 =	sld [smem:$0x3FB7];
	_ =	sdelay $0x3  }
0x36: {  	p1 =	seq.s32 s10, $0x1;
	s10 =	sld [smem:$0x3FB8];
	_ =	sdelay $0x3  }
0x37: {  	[smem:$0x3FB8] =	sst s10  }
0x38: {  	s10 =	sld [smem:$0x3FB9]  }
0x39: {  	_ = 	snop;
	(pc) =	sbr.ind lr, $3  }
0x3a: {  	_ = 	snop  }
0x3b: {  	_ = 	snop  }
0x3c: {  	p2 =	seq.s32 s10, $0x1;
	s10 =	sld [smem:$0x3FB8]  }
0x3d: {  	_ =	shalt  }
0x3e: {  	_ =	shalt  }
0x3f: {  	_ =	shalt  }
0x40: {  	_ =	shalt  }
0x41: {  	_ =	shalt  }
0x42: {  	_ =	shalt  }
0x43: {  	_ =	shalt  }
0x44: {  	_ =	shalt  }
0x45: {  	_ =	shalt  }
0x46: {  	_ =	shalt  }
0x47: {  	_ =	shalt  }
0x48: {  	_ =	shalt  }
0x49: {  	_ =	shalt  }
0x4a: {  	_ =	shalt  }
0x4b: {  	_ =	shalt  }
0x4c: {  	_ =	shalt  }
0x4d: {  	_ =	shalt  }
0x4e: {  	_ =	shalt  }
0x4f: {  	_ =	shalt  }
0x50: {  	_ =	shalt  }
0x51: {  	_ =	shalt  }
0x52: {  	_ =	shalt  }
0x53: {  	_ =	shalt  }
0x54: {  	_ =	shalt  }
0x55: {  	_ =	shalt  }
0x56: {  	_ =	shalt  }
0x57: {  	_ =	shalt  }
0x58: {  	_ =	shalt  }
0x59: {  	_ =	shalt  }
0x5a: {  	_ =	shalt  }
0x5b: {  	_ =	shalt  }
0x5c: {  	_ =	shalt  }
0x5d: {  	_ =	shalt  }
0x5e: {  	_ =	shalt  }
0x5f: {  	_ =	shalt  }
0x60: {  	_ =	shalt  }
0x61: {  	_ =	shalt  }
0x62: {  	_ =	shalt  }
0x63: {  	_ =	shalt  }
0x64: {  	_ =	shalt  }
0x65: {  	_ =	shalt  }
0x66: {  	_ =	shalt  }
0x67: {  	_ =	shalt  }
0x68: {  	_ =	shalt  }
0x69: {  	_ =	shalt  }
0x6a: {  	_ =	shalt  }
0x6b: {  	_ =	shalt  }
0x6c: {  	_ =	shalt  }
0x6d: {  	_ =	shalt  }
0x6e: {  	_ =	shalt  }
0x6f: {  	_ =	shalt  }
0x70: {  	_ =	shalt  }
0x71: {  	_ =	shalt  }
0x72: {  	_ =	shalt  }
0x73: {  	_ =	shalt  }
0x74: {  	_ =	shalt  }
0x75: {  	_ =	shalt  }
0x76: {  	_ =	shalt  }
0x77: {  	_ =	shalt  }
0x78: {  	_ =	shalt  }
0x79: {  	_ =	shalt  }
0x7a: {  	_ =	shalt  }
0x7b: {  	_ =	shalt  }
0x7c: {  	_ =	shalt  }
0x7d: {  	_ =	shalt  }
0x7e: {  	_ =	shalt  }
0x7f: {  	_ =	shalt  }
0x80: {  	_ =	shalt  }
0x81: {  	_ =	shalt  }
0x82: {  	_ =	shalt  }
0x83: {  	_ =	shalt  }
0x84: {  	_ =	shalt  }
0x85: {  	_ =	shalt  }
0x86: {  	_ =	shalt  }
0x87: {  	_ =	shalt  }
.Lfunc_end0:
.L_simem_size_0:
called_computation_lowered:
.L_overlay_start_0:
0x88: {  	s2 =	sld [smem:$0x3FD9]  }
0x89: {  	s3 =	sld [smem:$0x3FFE];
	_ =	sdelay $0x1  }
0x8a: {  	s1 =	srdreg.scid  }
0x8b: {  	s0 =	sand.u32 $0x1, s1  }
0x8c: {  	s17 =	sshll.u32 s0, $0xA;
	s2 =	sadd.s32 s3, s2  }
0x8d: {  	s2 =	sadd.s32 s2, s17  }
0x8e: {  	[smem:$0x3FC4] =	sst s2  }
0x8f: {  	_ = 	snop  }
0x90: {  	s2 =	sld [smem:$0x3FC9]  }
0x91: {  	s18 =	sld [smem:$0x3FC8]  }
0x92: {  	s4 =	sld [smem:$0x3FC7];
	(tm) =	ssettm $0x1  }
0x93: {  	s5 =	sld [smem:$0x3FFB];
	_ =	sdelay $0x3  }
0x94: {  	_ =	strace s5  }
0x95: {  	s5 =	sld [smem:$0x3FFC];
	_ =	sdelay $0x3  }
0x96: {  	_ =	strace s5  }
0x97: {  	s5 =	sld [smem:$0x3FFD];
	_ =	sdelay $0x3  }
0x98: {  	_ =	strace s5  }
0x99: {  	_ =	strace $0x8FFFFFFF  }
0x9a: {  	s19 =	sld [smem:$0x3FDB];
	_ =	sdelay $0x1  }
0x9b: {  	s6 =	simm.s32 $_scs_section_size  }
0x9c: {  	s7 =	simm.s32 $_size__tile_overlayer_lowered;
	s8 =	simm.s32 $_tile_overlayer_lowered  }
0x9d: {  	s22 =	simm.s32 $0x1BFF;
	s21 =	sshll.u32 s8, $0x1;
	s5 =	sadd.s32 s6, s19  }
0x9e: {  	s9 =	simm.s32 $0x0;
	s20 =	sshll.u32 s7, $0x1;
	s7 =	sadd.s32 s21, s5  }
0x9f: {  	[timem:s9], [sflag:s22] =	dma.local [hbm:s7], s20  }
0xa0: {  	_ =	swait.ge [sflag:s22], s20  }
0xa1: {  	s6 =	ssub.s32 $0x0, s20;
	[sflag:s22] =	ssyncset.done $0x0  }
0xa2: {  	[sflag:s22] =	ssyncadd.s32 s6;
	_ =	sdelay $0x1  }
0xa3: {  	s23 =	simm.s32 $0x1B8B  }
0xa4: {  	_ =	swait.ge [sflag:s23], $0x1  }
0xa5: {  	[sflag:s23] =	ssyncset.done $0x0  }
0xa6: {  	s25 =	simm.s32 $0x1B8E;
	s24 =	sld [smem:$0x3FFE];
	[sflag:s23] =	ssyncadd.s32 $0xFFFFFFFF  }
0xa7: {  	s26 =	simm.s32 $execute0_lowered;
	[smem:$0x3FD2] =	sst s25  }
0xa8: {  	s7 =	sshll.u32 s26, $0x1;
	_ =	strace $0x80000046;
	[dreg:$0x1] =	wrdreg $0xFFFFFFFF  }
0xa9: {  	s28 =	simm.s32 $_size_execute0_lowered;
	s5 =	sadd.s32 s5, s7;
	[dreg:$0x0] =	wrdreg $0x0  }
0xaa: {  	s7 =	sshll.u32 s28, $0x1;
	[dreg:$0x2] =	wrdreg s5  }
0xab: {  	[dreg:$0x3] =	wrdreg s7  }
0xac: {  	[dreg:$0x4] =	wrdreg $0xC0  }
0xad: {  	_ =	task [dreg:s9], $0x5FFFF  }
0xae: {  	[dreg:$0x1] =	wrdreg $0xFFFFFFFF  }
0xaf: {  	[dreg:$0x0] =	wrdreg $0x60  }
0xb0: {  	[dreg:$0x2] =	wrdreg s2  }
0xb1: {  	[dreg:$0x3] =	wrdreg s4  }
0xb2: {  	[dreg:$0x4] =	wrdreg s18  }
0xb3: {  	[dreg:$0x5] =	wrdreg s24  }
0xb4: {  	[dreg:$0x6] =	wrdreg $0x9  }
0xb5: {  	_ =	task.clear_ibuf [dreg:s9], $0x7FFFF;
	_ =	strace $0x90000046  }
0xb6: {  	s29 =	simm.s32 $0x9;
	_ =	strace $0x80000048  }
0xb7: {  	_ =	swait.ge [sflag:s29], $0x1  }
0xb8: {  	[sflag:s29] =	ssyncadd.s32 $0xFFFFFFFF  }
0xb9: {  	_ =	strace $0x90000048  }
0xba: {  	_ =	sfence  }
0xbb: {  	s30 =	sld [smem:$0x0];
	_ =	sdelay $0x2  }
0xbc: {  	s31 =	sshll.u32 s1, $0xD;
	s1 =	sshrl.u32 s1, $0x2  }
0xbd: {  	s3 =	sand.u32 $0x4000, s31;
	s1 =	sadd.s32 s1, s30  }
0xbe: {  	s0 =	sor.u32 s3, s0;
	s1 =	sshll.u32 s1, $0x11  }
0xbf: {  	s0 =	sor.u32 s1, s0  }
0xc0: {  	s0 =	sadd.s32 $0x8F2B, s0  }
0xc1: {  	[sflag:s0] =	ssyncadd.remote.s32 $0x1  }
0xc2: {  	_ =	sfence.sel $0xFFFF  }
0xc3: {  	[dreg:$0x0] =	wrdreg $0xFFFFFFFF;
	(pc) =	sbr.abs _section_cstart, $3  }
0xc4: {  	[dreg:$0x1] =	wrdreg $0xFFFFFFFF  }
0xc5: {  	_ =	task.clear_ibuf [dreg:s9], $0x2FFFF;
	_ =	strace $0x9FFFFFFF  }
0xc6: {  	(tm) =	ssettm $0x7FFFFFFF  }
0xc7: {  	_ =	shalt  }
tec
execute0_lowered:
.L_overlay_start_1:
0x0: {  	(tag) =	ssettag $0x1  }
0x1: {  	s1 =	rddreg [dreg:$0x0]  }
0x2: {  	s3 =	rddreg [dreg:$0x2];
	s0 =	srdreg.scid  }
0x3: {  	s8 =	stileid.u32;
	s2 =	rddreg [dreg:$0x3];
	s4 =	simm.s32 $0x0  }
0x4: {  	s17 =	simm.s32 $0x80;
	s18 =	simm.s32 $0x400;
	s21 =	simm.s32 $0x18900  }
0x5: {  	s22 =	simm.s32 $0x18000;
	s23 =	simm.s32 $0x3;
	s28 =	simm.s32 $0x18700  }
0x6: {  	s29 =	simm.s32 $0x1;
	s30 =	simm.s32 $0x18080;
	s31 =	simm.s32 $0x2  }
0x7: {  	s5 =	sand.u32 $0x1, s0;
	s19 =	sshll.u32 s8, $0x1;
	[smem:$0x7FF] =	sst s4  }
0x8: {  	v0 =	vimm.s32 $0x3210FEDC;
	v1 =	vimm.s32 $0xBA987654;
	s10 =	sshll.u32 s8, $0x12;
	s9 =	sor.u32 s5, s19;
	s6 =	ssub.s32 $0x2, s5  }
0x9: {  	v0 =	vunpack.c.l.s4.s8 v0;
	v1 =	vunpack.c.l.s4.s8 v1;
	_ =	strace $0x80000047;
	s5 =	sshll.u32 s5, $0x9;
	s0 =	sshll.u32 s9, $0x1  }
0xa: {  	s7 =	sshrl.u32 s6, $0x1;
	s20 =	sshll.u32 s9, $0x2;
	s5 =	sor.u32 s5, s10  }
0xb: {  	s13 =	sshllo.u32 s9, $0x2;
	v0 =	vunpack.c.0.s8.s32 v0;
	v1 =	vunpack.c.0.s8.s32 v1;
	s9 =	sshll.u32 s9, $0x13;
	s2 =	sadd.s32 s0, s2  }
0xc: {  	v3 =	vimm.s32 $0xFEDCBA98;
	v4 =	vimm.s32 $0x10FEDCBA;
	v6 =	vimm.s32 $0x87654321;
	s16 =	ssub.s32 s6, s7;
	s11 =	sor.u32 $0x1, s20;
	s5 =	sshrl.u32 s5, $0x3  }
0xd: {  	v3 =	vunpack.c.l.s4.s8 v3;
	v6 =	vunpack.c.l.s4.s8 v6;
	s12 =	sor.u32 $0x2, s20;
	s26 =	sshll.u32 s13, $0x7;
	s24 =	sshll.u32 s11, $0x7;
	v5 =	vcombine.low v1, v0  }
0xe: {  	s25 =	sshll.u32 s12, $0x7;
	s14 =	sand.u32 $0x380, s26;
	s5 =	sadd.s32 s1, s5;
	v0 =	vunpack.c.l.s4.s8 v4;
	v1 =	vimm.s32 $0x98765432;
	v4 =	vimm.s32 $0xFEDCBA9  }
0xf: {  	v2 =	vimm.s32 $0x76543210;
	s8 =	sadd.s32 $0xC00, s2;
	s15 =	sadd.s32 $0x1000, s2;
	s16 =	smax.u32 s16, $0x1;
	v1 =	vunpack.c.l.s4.s8 v1;
	v4 =	vunpack.c.l.s4.s8 v4  }
0x10: {  	v2 =	vunpack.c.l.s4.s8 v2;
	v3 =	vunpack.c.0.s8.s32 v3;
	v6 =	vunpack.c.0.s8.s32 v6;
	s26 =	simm.s32 $0x18500;
	s6 =	sand.u32 $0x280, s24;
	s7 =	sand.u32 $0x300, s25  }
0x11: {  	s14 =	sor.u32 s10, s14;
	s24 =	simm.s32 $0x18100;
	s6 =	sor.u32 s10, s6;
	v0 =	vunpack.c.0.s8.s32 v0;
	v1 =	vunpack.c.0.s8.s32 v1;
	v4 =	vunpack.c.0.s8.s32 v4  }
0x12: {  	v2 =	vunpack.c.0.s8.s32 v2;
	v3 =	vand.u32 $0xF, v3;
	s7 =	sor.u32 s10, s7;
	s10 =	sshll.u32 s11, $0x11;
	s14 =	sshrl.u32 s14, $0x3  }
0x13: {  	s11 =	sshll.u32 s12, $0x11;
	s12 =	sshll.u32 s13, $0x11;
	s6 =	sshrl.u32 s6, $0x3;
	v7 =	vcombine.low v1, v0;
	v0 =	vlaneseq.u32;
	v6 =	vcombine.low v6, v4  }
0x14: {  	v2 =	vcombine.low v3, v2;
	v3 =	vand.u32 $0xF, v5;
	s7 =	sshrl.u32 s7, $0x3;
	s13 =	sadd.s32 s1, s14;
	s14 =	sadd.s32 $0xE00, s2;
	v1 =	vshrl.u32 v0, $0x2  }
0x15: {  	s2 =	simm.s32 $0x0;
	s6 =	sadd.s32 s1, s6;
	s7 =	sadd.s32 s1, s7;
	v1 =	vor.u32 s20, v1;
	v4 =	vand.u32 $0xF, v7;
	v5 =	vand.u32 $0xF, v6  }
.LBB2_1:
0x16: {  	[tilespmem:s4], [sflag:$0x1] =	stream.strided.gather [hbm4b:s5+s17], $0x8000, s18, s17, $0x38;
	[tilespmem:$0x18980] =	vst v63  }
0x17: {  	s0 =	simm.s32 $0x8000  }
0x18: {  	[tilespmem:s0], [sflag:$0x1] =	stream.strided.gather [hbm4b:s6+s17], $0x8000, s18, s17, $0x38;
	[tilespmem:$0x18980] =	vst v63  }
0x19: {  	s19 =	simm.s32 $0x10000  }
0x1a: {  	[tilespmem:s19], [sflag:$0x1] =	stream.strided.gather [hbm4b:s7+s17], $0x8000, s18, s17, $0x38;
	[tilespmem:$0x18980] =	vst v63  }
0x1b: {  	_ = 	snop  }
0x1c: {  	[tilespmem:s21], [sflag:$0x2] =	stream.linear.gather [hbm4b:s8+s4], $0x10, $0x38;
	[tilespmem:$0x18980] =	vst v63  }
0x1d: {  	s20 =	rddreg [dreg:$0x1]  }
0x1e: {  	[tilespmem:s22], [sflag:$0x3] =	stream.linear.gather [hbm4b:s20+s4], $0x80, $0x38;
	[tilespmem:$0x18980] =	vst v63  }
0x1f: {  	_ =	swait.ge [sflag:s23], $0x80  }
0x20: {  	[sflag:s23] =	ssyncset.done $0x0  }
0x21: {  	[sflag:s23] =	ssyncadd.s32 $0xFFFFFF80  }
0x22: {  	v6 =	vld.idx.msk [tilespmem:v1+s22+$0x0], $0xffff;
	_ =	sdelay $0x4  }
0x23: {  	(v2sf) =	vpush v6, $0x0;
	_ =	sdelay $0x3  }
0x24: {  	(v2sf) =	vpush v6, $0x4;
	_ =	sdelay $0x5  }
0x25: {  	(v2sf) =	vpush v6, $0x8;
	_ =	sdelay $0x4  }
0x26: {  	s20 =	spop (v2sf)  }
0x27: {  	s25 =	sshll.u32 s20, $0x2  }
0x28: {  	s0 =	sand.u32 $0x7FFFFE00, s25  }
0x29: {  	(v2sf) =	vpush v6, $0xC;
	s0 =	sadd.s32 s9, s0  }
0x2a: {  	s19 =	spop (v2sf);
	s0 =	sshrl.u32 s0, $0x3  }
0x2b: {  	s1 =	sshll.u32 s19, $0x2;
	s0 =	sadd.s32 s3, s0  }
0x2c: {  	[tilespmem:s24], [sflag:$0x2] =	stream.linear.gather [hbm4b:s0+s4], $0x200, $0x38;
	[tilespmem:$0x18980] =	vst v63  }
0x2d: {  	s0 =	sand.u32 $0x7FFFFE00, s1  }
0x2e: {  	s0 =	sadd.s32 s10, s0  }
0x2f: {  	s0 =	sshrl.u32 s0, $0x3  }
0x30: {  	s25 =	simm.s32 $0x18300;
	s1 =	spop (v2sf);
	s0 =	sadd.s32 s3, s0  }
0x31: {  	[tilespmem:s25], [sflag:$0x2] =	stream.linear.gather [hbm4b:s0+s4], $0x200, $0x38;
	[tilespmem:$0x18980] =	vst v63  }
0x32: {  	s25 =	sshll.u32 s1, $0x2  }
0x33: {  	s0 =	sand.u32 $0x7FFFFE00, s25  }
0x34: {  	s0 =	sadd.s32 s11, s0  }
0x35: {  	s0 =	sshrl.u32 s0, $0x3  }
0x36: {  	s0 =	sadd.s32 s3, s0  }
0x37: {  	[tilespmem:s26], [sflag:$0x2] =	stream.linear.gather [hbm4b:s0+s4], $0x200, $0x38;
	[tilespmem:$0x18980] =	vst v63  }
0x38: {  	s0 =	spop (v2sf)  }
0x39: {  	s25 =	sshll.u32 s0, $0x2  }
0x3a: {  	s25 =	sand.u32 $0x7FFFFE00, s25  }
0x3b: {  	s25 =	sadd.s32 s12, s25  }
0x3c: {  	s25 =	sshrl.u32 s25, $0x3  }
0x3d: {  	s25 =	sadd.s32 s3, s25  }
0x3e: {  	[tilespmem:s28], [sflag:$0x2] =	stream.linear.gather [hbm4b:s25+s4], $0x200, $0x38;
	[tilespmem:$0x18980] =	vst v63  }
0x3f: {  	_ =	swait.ge [sflag:s29], $0x8000  }
0x40: {  	[sflag:s29] =	ssyncset.done $0x0  }
0x41: {  	s25 =	sand.u32 $0xFFFFFFF0, s20;
	[sflag:s29] =	ssyncadd.s32 $0xFFFF8000  }
0x42: {  	v7 =	vld [tilespmem:s25+$0x0];
	_ =	sdelay $0x1  }
0x43: {  	s20 =	sand.u32 $0xF, s20  }
0x44: {  	v8 =	vmov s20  }
0x45: {  	vm0 =	veq.s32 v8, v0  }
0x46: {  	v8 =	vsel vm0, $0xFF61B1E6, v7  }
0x47: {  	[tilespmem:s25+$0x0] =	vst v8;
	s25 =	simm.s32 $0x0  }
0x48: {  	v8 =	vld [tilespmem:s25+$0x20]  }
0x49: {  	v9 =	vld [tilespmem:s25+$0x10]  }
0x4a: {  	v10 =	vld [tilespmem:s25+$0x0];
	_ =	sdelay $0x1  }
0x4b: {  	v14 =	vimm.f32 $-3.000000010e+38;
	v11 =	vld [tilespmem:s25+$0x60]  }
0x4c: {  	v13 =	vld [tilespmem:s25+$0x50];
	v12 =	vmin.f32 v14, v8  }
0x4d: {  	v15 =	vld [tilespmem:s25+$0xA0];
	v16 =	vmax.f32 v14, v9;
	v9 =	vmin.f32 v14, v9;
	v8 =	vmax.f32 v14, v8  }
0x4e: {  	v18 =	vmax.f32 v14, v10;
	v22 =	vmin.f32 v14, v10;
	v17 =	vmax.f32 v14, v9  }
0x4f: {  	v19 =	vmax.f32 v14, v12;
	v9 =	vmin.f32 v14, v9;
	v12 =	vmin.f32 v14, v12  }
0x50: {  	v21 =	vld [tilespmem:s25+$0xE0];
	v20 =	vmax.f32 v8, v11;
	v24 =	vmin.f32 v14, v22;
	v8 =	vmin.f32 v8, v11  }
0x51: {  	v23 =	vld [tilespmem:s25+$0x90];
	v10 =	vmax.f32 v14, v12;
	v12 =	vmin.f32 v16, v13;
	v9 =	vmax.f32 v14, v9  }
0x52: {  	v11 =	vmax.f32 v20, v15;
	v25 =	vmax.f32 v17, v12;
	v12 =	vmin.f32 v17, v12;
	v17 =	vld [tilespmem:s25+$0xD0]  }
0x53: {  	v27 =	vmax.f32 v19, v8;
	v20 =	vmin.f32 v20, v15;
	v8 =	vmin.f32 v19, v8  }
0x54: {  	v15 =	vmax.f32 v27, v20;
	v26 =	vmax.f32 v9, v12;
	v9 =	vmax.f32 v16, v13;
	v16 =	vld [tilespmem:s25+$0x30]  }
0x55: {  	v29 =	vld [tilespmem:s25+$0x40];
	v12 =	vmax.f32 v14, v24;
	v13 =	vmin.f32 v11, v21;
	v11 =	vmax.f32 v11, v21  }
0x56: {  	v19 =	vmax.f32 v9, v23;
	v9 =	vmin.f32 v9, v23;
	v23 =	vmax.f32 v10, v8  }
0x57: {  	v24 =	vld [tilespmem:s25+$0x70];
	v8 =	vmax.f32 v25, v9;
	v28 =	vmin.f32 v19, v17;
	v10 =	vmax.f32 v19, v17  }
0x58: {  	v19 =	vmin.f32 v25, v9;
	v17 =	vmax.f32 v14, v22;
	v30 =	vmin.f32 v8, v28  }
0x59: {  	v9 =	vmax.f32 v8, v28;
	v22 =	vmax.f32 v26, v19;
	v28 =	vmax.f32 v14, v16  }
0x5a: {  	v16 =	vmin.f32 v14, v16;
	v19 =	vmin.f32 v27, v20;
	v26 =	vmax.f32 v18, v29  }
0x5b: {  	v25 =	vld [tilespmem:s25+$0xB0];
	v27 =	vmax.f32 v14, v16;
	v20 =	vmin.f32 v14, v16;
	v16 =	vmax.f32 v23, v19  }
0x5c: {  	v21 =	vld [tilespmem:s25+$0x80];
	v19 =	vmin.f32 v18, v29;
	v23 =	vmax.f32 v28, v24;
	v18 =	vmin.f32 v28, v24  }
0x5d: {  	v14 =	vmax.f32 v14, v20;
	v28 =	vmax.f32 v27, v18;
	v24 =	vmin.f32 v27, v18;
	v18 =	vld [tilespmem:s25+$0xF0]  }
0x5e: {  	v27 =	vmax.f32 v14, v24;
	v24 =	vld [tilespmem:s25+$0xC0]  }
0x5f: {  	v8 =	vmax.f32 v15, v13;
	v20 =	vmin.f32 v17, v19  }
0x60: {  	v14 =	vmax.f32 v22, v30;
	v29 =	vmin.f32 v23, v25;
	v23 =	vmax.f32 v23, v25  }
0x61: {  	s20 =	simm.s32 $0x400;
	v25 =	vmin.f32 v26, v21;
	v22 =	vmax.f32 v28, v29;
	v28 =	vmin.f32 v28, v29  }
.LBB2_2:
0x62: {  	s25 =	sshra.s32 s20, $0x2;
	p0 =	sne.s32 s20, $0x1FC00;
	s20 =	sadd.s32 $0x400, s20;
	v21 =	vmax.f32 v26, v21;
	v26 =	vmax.f32 v27, v28;
	v27 =	vmax.f32 v23, v18  }
0x63: {  	v13 =	vmin.f32 v15, v13;
	v28 =	vld [tilespmem:s25+$0x20];
	v29 =	vmax.f32 v21, v24;
	v21 =	vmin.f32 v21, v24  }
0x64: {  	v17 =	vmax.f32 v17, v19;
	v12 =	vmax.f32 v12, v20;
	v18 =	vmin.f32 v23, v18;
	v15 =	vld [tilespmem:s25+$0x10]  }
0x65: {  	v20 =	vmax.f32 v17, v25;
	v17 =	vmin.f32 v17, v25;
	v23 =	vmin.f32 v22, v18;
	v19 =	vld [tilespmem:s25+$0x0]  }
0x66: {  	v22 =	vmax.f32 v22, v18;
	v25 =	vmin.f32 v20, v21;
	v23 =	vmax.f32 v26, v23;
	v24 =	vld [tilespmem:s25+$0x60]  }
0x67: {  	v13 =	vmax.f32 v16, v13;
	v12 =	vmax.f32 v12, v17;
	v17 =	vmax.f32 v20, v21;
	v18 =	vld [tilespmem:s25+$0x50]  }
0x68: {  	v12 =	vmax.f32 v12, v25;
	v16 =	vmin.f32 v11, v28;
	v20 =	vld [tilespmem:s25+$0xA0]  }
0x69: {  	v11 =	vmax.f32 v11, v28;
	v21 =	vmax.f32 v10, v15;
	v10 =	vmin.f32 v10, v15  }
0x6a: {  	v26 =	vmax.f32 v8, v16;
	v25 =	vmax.f32 v29, v19;
	v15 =	vmax.f32 v9, v10  }
0x6b: {  	v8 =	vmin.f32 v8, v16;
	v9 =	vmin.f32 v9, v10;
	v10 =	vmax.f32 v11, v24;
	v16 =	vld [tilespmem:s25+$0xE0]  }
0x6c: {  	v19 =	vmin.f32 v29, v19;
	v8 =	vmax.f32 v13, v8;
	v13 =	vmin.f32 v21, v18;
	v28 =	vld [tilespmem:s25+$0x90]  }
0x6d: {  	v29 =	vmin.f32 v17, v19;
	v30 =	vmax.f32 v15, v13;
	v13 =	vmin.f32 v15, v13;
	v31 =	vld [tilespmem:s25+$0xD0]  }
0x6e: {  	v9 =	vmax.f32 v14, v9;
	v11 =	vmin.f32 v11, v24;
	v14 =	vmax.f32 v10, v20  }
0x6f: {  	v32 =	vmax.f32 v26, v11;
	v20 =	vmin.f32 v10, v20;
	v24 =	vmax.f32 v9, v13  }
0x70: {  	v12 =	vmax.f32 v12, v29;
	v9 =	vmax.f32 v21, v18;
	v13 =	vmin.f32 v14, v16  }
0x71: {  	v10 =	vmin.f32 v26, v11;
	v18 =	vld [tilespmem:s25+$0x30];
	v11 =	vmax.f32 v9, v28;
	v9 =	vmin.f32 v9, v28  }
0x72: {  	v26 =	vmax.f32 v8, v10;
	v28 =	vld [tilespmem:s25+$0x70];
	v8 =	vmax.f32 v30, v9;
	v21 =	vmin.f32 v11, v31  }
0x73: {  	v15 =	vmax.f32 v32, v20;
	v10 =	vmax.f32 v11, v31;
	v29 =	vld [tilespmem:s25+$0x40];
	v31 =	vmin.f32 v8, v21  }
0x74: {  	v11 =	vmin.f32 v30, v9;
	v9 =	vmax.f32 v8, v21;
	v8 =	vmax.f32 v15, v13  }
0x75: {  	v17 =	vmax.f32 v17, v19;
	v30 =	vmax.f32 v24, v11;
	v11 =	vmax.f32 v14, v16;
	v33 =	vld [tilespmem:s25+$0xB0]  }
0x76: {  	v19 =	vmin.f32 v32, v20;
	v14 =	vmax.f32 v27, v18;
	v16 =	vmin.f32 v27, v18;
	v18 =	vld [tilespmem:s25+$0xF0]  }
0x77: {  	v27 =	vmax.f32 v22, v16;
	v20 =	vmin.f32 v22, v16;
	v21 =	vld [tilespmem:s25+$0x80];
	v16 =	vmax.f32 v26, v19  }
.Ltmp0:
0x78: {  	v22 =	vmax.f32 v23, v20;
	v19 =	vmin.f32 v25, v29;
	v23 =	vmax.f32 v14, v28;
	v24 =	vld [tilespmem:s25+$0xC0];
	(pc) =	sbr.rel @p0 .LBB2_2-.Ltmp0, $4  }
0x79: {  	v26 =	vmax.f32 v25, v29;
	v14 =	vmin.f32 v14, v28;
	v20 =	vmin.f32 v17, v19  }
0x7a: {  	v28 =	vmax.f32 v27, v14;
	v14 =	vmin.f32 v27, v14;
	v29 =	vmin.f32 v23, v33  }
0x7b: {  	v27 =	vmax.f32 v22, v14;
	v23 =	vmax.f32 v23, v33;
	v14 =	vmax.f32 v30, v31  }
0x7c: {  	v22 =	vmax.f32 v28, v29;
	v28 =	vmin.f32 v28, v29;
	v25 =	vmin.f32 v26, v21  }
0x7d: {  	v21 =	vmax.f32 v26, v21;
	v26 =	vmax.f32 v27, v28;
	v27 =	vmax.f32 v23, v18  }
0x7e: {  	v13 =	vmin.f32 v15, v13;
	v15 =	vmax.f32 v17, v19;
	v12 =	vmax.f32 v12, v20  }
0x7f: {  	v17 =	vmin.f32 v23, v18;
	v28 =	vmax.f32 v21, v24;
	v21 =	vmin.f32 v21, v24  }
0x80: {  	v18 =	vmax.f32 v15, v25;
	v15 =	vmin.f32 v15, v25;
	v19 =	vmin.f32 v22, v17  }
0x81: {  	v17 =	vmax.f32 v22, v17;
	v13 =	vmax.f32 v16, v13;
	v20 =	vmin.f32 v18, v21  }
0x82: {  	v12 =	vmax.f32 v12, v15;
	v15 =	vmax.f32 v18, v21;
	v16 =	vmin.f32 v28, v10  }
0x83: {  	v10 =	vmax.f32 v28, v10;
	v12 =	vmax.f32 v12, v20;
	v18 =	vmin.f32 v15, v16  }
0x84: {  	v15 =	vmax.f32 v15, v16;
	v16 =	vmin.f32 v10, v9;
	v9 =	vmax.f32 v10, v9  }
0x85: {  	v12 =	vmax.f32 v12, v18;
	v10 =	vmax.f32 v15, v16;
	v15 =	vmin.f32 v15, v16  }
0x86: {  	v12 =	vmax.f32 v12, v15;
	v15 =	vmax.f32 v9, v14;
	v9 =	vmin.f32 v9, v14  }
0x87: {  	v14 =	vmax.f32 v10, v9;
	v9 =	vmin.f32 v10, v9;
	v10 =	vmin.f32 v15, v11  }
0x88: {  	v11 =	vmax.f32 v15, v11;
	v9 =	vmax.f32 v12, v9;
	v12 =	vmin.f32 v14, v10  }
0x89: {  	v10 =	vmax.f32 v14, v10;
	v9 =	vmax.f32 v9, v12;
	v12 =	vmin.f32 v11, v8  }
0x8a: {  	v8 =	vmax.f32 v11, v8;
	v11 =	vmax.f32 v10, v12;
	v10 =	vmin.f32 v10, v12  }
0x8b: {  	v9 =	vmax.f32 v9, v10;
	v10 =	vmax.f32 v8, v13;
	v8 =	vmin.f32 v8, v13  }
0x8c: {  	v19 =	vmax.f32 v26, v19;
	v12 =	vmax.f32 v11, v8;
	v8 =	vmin.f32 v11, v8  }
0x8d: {  	v11 =	vmax.f32 v10, v27;
	v8 =	vmax.f32 v9, v8;
	v9 =	vmin.f32 v10, v27  }
0x8e: {  	v10 =	vmax.f32 v11, v17;
	v11 =	vmin.f32 v11, v17;
	v13 =	vmax.f32 v12, v9  }
0x8f: {  	v14 =	vmax.f32 v10, v19;
	v9 =	vmin.f32 v12, v9;
	v10 =	vmin.f32 v10, v19  }
0x90: {  	v12 =	vmax.f32 v13, v11;
	v8 =	vmax.f32 v8, v9;
	v9 =	vmin.f32 v13, v11  }
0x91: {  	[tilespmem:$0x18080] =	vst v14;
	v11 =	vmax.f32 v12, v10;
	v8 =	vmax.f32 v8, v9;
	v9 =	vmin.f32 v12, v10  }
0x92: {  	v13 =	vld.idx.msk [tilespmem:v2+s30+$0x0], $0xffff;
	[tilespmem:$0x18080] =	vst v11;
	v8 =	vmax.f32 v8, v9  }
0x93: {  	v9 =	vld.idx.msk [tilespmem:v2+s30+$0x0], $0xffff;
	[tilespmem:$0x18080] =	vst v8  }
0x94: {  	v10 =	vld.idx.msk [tilespmem:v2+s30+$0x0], $0xffff;
	_ =	sdelay $0x2  }
0x95: {  	v12 =	vmax.f32 v14, v13;
	v13 =	vmin.f32 v14, v13  }
0x96: {  	v15 =	vmax.f32 v11, v13;
	v11 =	vmin.f32 v11, v13;
	v14 =	vmax.f32 v12, v9  }
0x97: {  	v9 =	vmin.f32 v12, v9;
	v8 =	vmax.f32 v8, v11;
	v12 =	vmax.f32 v14, v10  }
0x98: {  	v13 =	vmax.f32 v15, v9;
	v10 =	vmin.f32 v14, v10;
	v9 =	vmin.f32 v15, v9  }
0x99: {  	[tilespmem:$0x18080] =	vst v12;
	v11 =	vmax.f32 v13, v10;
	v8 =	vmax.f32 v8, v9;
	v9 =	vmin.f32 v13, v10  }
0x9a: {  	v14 =	vld.idx.msk [tilespmem:v3+s30+$0x0], $0xffff;
	[tilespmem:$0x18080] =	vst v11;
	v8 =	vmax.f32 v8, v9  }
0x9b: {  	v9 =	vld.idx.msk [tilespmem:v3+s30+$0x0], $0xffff;
	[tilespmem:$0x18080] =	vst v8  }
0x9c: {  	v10 =	vld.idx.msk [tilespmem:v3+s30+$0x0], $0xffff;
	_ =	sdelay $0x2  }
0x9d: {  	v13 =	vmax.f32 v12, v14;
	v12 =	vmin.f32 v12, v14  }
0x9e: {  	v14 =	vmax.f32 v13, v9;
	v15 =	vmax.f32 v11, v12;
	v9 =	vmin.f32 v13, v9  }
0x9f: {  	v11 =	vmin.f32 v11, v12;
	v13 =	vmax.f32 v14, v10;
	v12 =	vmax.f32 v15, v9  }
0xa0: {  	v10 =	vmin.f32 v14, v10;
	v8 =	vmax.f32 v8, v11;
	v9 =	vmin.f32 v15, v9  }
0xa1: {  	[tilespmem:$0x18080] =	vst v13;
	v11 =	vmax.f32 v12, v10;
	v8 =	vmax.f32 v8, v9;
	v9 =	vmin.f32 v12, v10  }
0xa2: {  	v14 =	vld.idx.msk [tilespmem:v4+s30+$0x0], $0xffff;
	[tilespmem:$0x18080] =	vst v11;
	v8 =	vmax.f32 v8, v9  }
0xa3: {  	v9 =	vld.idx.msk [tilespmem:v4+s30+$0x0], $0xffff;
	[tilespmem:$0x18080] =	vst v8  }
0xa4: {  	v10 =	vld.idx.msk [tilespmem:v4+s30+$0x0], $0xffff;
	_ =	sdelay $0x2  }
0xa5: {  	v12 =	vmax.f32 v13, v14;
	v13 =	vmin.f32 v13, v14  }
0xa6: {  	v14 =	vmax.f32 v12, v9;
	v15 =	vmax.f32 v11, v13;
	v12 =	vmin.f32 v12, v9  }
0xa7: {  	v11 =	vmin.f32 v11, v13;
	v9 =	vmax.f32 v14, v10;
	v13 =	vmax.f32 v15, v12  }
0xa8: {  	v10 =	vmin.f32 v14, v10;
	v8 =	vmax.f32 v8, v11;
	v14 =	vmin.f32 v15, v12  }
0xa9: {  	[tilespmem:$0x18080] =	vst v9;
	v11 =	vmax.f32 v13, v10;
	v8 =	vmax.f32 v8, v14;
	v10 =	vmin.f32 v13, v10  }
0xaa: {  	v12 =	vld.idx.msk [tilespmem:v5+s30+$0x0], $0xffff;
	[tilespmem:$0x18080] =	vst v11;
	v14 =	vmax.f32 v8, v10  }
0xab: {  	s20 =	simm.s32 $0x0;
	v13 =	vld.idx.msk [tilespmem:v5+s30+$0x0], $0xffff;
	[tilespmem:$0x18080] =	vst v14  }
0xac: {  	v10 =	vld.idx.msk [tilespmem:v5+s30+$0x0], $0xffff;
	[tilespmem:s20], [sflag:$0x1] =	stream.strided.gather [hbm4b:s13+s17], $0x8000, s18, s17, $0x38  }
0xad: {  	_ =	swait.ge [sflag:s29], $0x8000  }
0xae: {  	[sflag:s29] =	ssyncset.done $0x0  }
0xaf: {  	s20 =	sand.u32 $0xFFFFFFF0, s19;
	[sflag:s29] =	ssyncadd.s32 $0xFFFF8000  }
0xb0: {  	v8 =	vld [tilespmem:s20+$0x8000];
	_ =	sdelay $0x1  }
0xb1: {  	s25 =	sand.u32 $0xF, s19  }
0xb2: {  	v15 =	vmov s25  }
0xb3: {  	vm1 =	veq.s32 v15, v0  }
0xb4: {  	v15 =	vsel vm1, $0xFF61B1E6, v8  }
0xb5: {  	s25 =	simm.s32 $0x0;
	[tilespmem:s20+$0x8000] =	vst v15  }
0xb6: {  	v15 =	vld [tilespmem:s25+$0x8020]  }
0xb7: {  	v16 =	vld [tilespmem:s25+$0x8010]  }
0xb8: {  	v17 =	vld [tilespmem:s25+$0x8000];
	_ =	sdelay $0x1  }
0xb9: {  	v18 =	vld [tilespmem:s25+$0x8060]  }
0xba: {  	v21 =	vimm.f32 $-3.000000010e+38;
	v20 =	vld [tilespmem:s25+$0x8050]  }
0xbb: {  	v19 =	vmin.f32 v21, v15;
	v23 =	vmax.f32 v21, v16;
	v16 =	vmin.f32 v21, v16  }
0xbc: {  	v22 =	vld [tilespmem:s25+$0x80A0];
	v15 =	vmax.f32 v21, v15;
	v25 =	vmax.f32 v21, v17;
	v29 =	vmin.f32 v21, v17  }
0xbd: {  	v24 =	vmax.f32 v21, v16;
	v26 =	vmax.f32 v21, v19;
	v16 =	vmin.f32 v21, v16  }
0xbe: {  	v28 =	vld [tilespmem:s25+$0x80E0];
	v19 =	vmin.f32 v21, v19;
	v27 =	vmax.f32 v15, v18;
	v31 =	vmin.f32 v21, v29  }
0xbf: {  	v30 =	vld [tilespmem:s25+$0x8090];
	v15 =	vmin.f32 v15, v18;
	v17 =	vmax.f32 v21, v19;
	v19 =	vmin.f32 v23, v20  }
0xc0: {  	v16 =	vmax.f32 v21, v16;
	v32 =	vmax.f32 v24, v19;
	v19 =	vmin.f32 v24, v19;
	v24 =	vld [tilespmem:s25+$0x80D0]  }
0xc1: {  	v18 =	vmax.f32 v27, v22;
	v34 =	vmax.f32 v26, v15;
	v27 =	vmin.f32 v27, v22  }
0xc2: {  	v15 =	vmin.f32 v26, v15;
	v22 =	vmax.f32 v34, v27;
	v33 =	vmax.f32 v16, v19  }
0xc3: {  	v19 =	vmax.f32 v21, v31;
	v16 =	vmax.f32 v23, v20;
	v20 =	vmin.f32 v18, v28;
	v23 =	vld [tilespmem:s25+$0x8030]  }
0xc4: {  	v36 =	vld [tilespmem:s25+$0x8040];
	v18 =	vmax.f32 v18, v28;
	v26 =	vmax.f32 v16, v30;
	v16 =	vmin.f32 v16, v30  }
0xc5: {  	v31 =	vld [tilespmem:s25+$0x8070];
	v30 =	vmax.f32 v17, v15;
	v15 =	vmax.f32 v32, v16;
	v35 =	vmin.f32 v26, v24  }
0xc6: {  	v17 =	vmax.f32 v26, v24;
	v26 =	vmin.f32 v32, v16;
	v24 =	vmax.f32 v21, v29  }
0xc7: {  	v37 =	vmin.f32 v15, v35;
	v16 =	vmax.f32 v15, v35;
	v29 =	vmax.f32 v33, v26  }
0xc8: {  	v60 =	vld [tilespmem:s25+$0x80B0];
	v61 =	vmax.f32 v21, v23;
	v23 =	vmin.f32 v21, v23;
	v26 =	vmin.f32 v34, v27  }
0xc9: {  	v33 =	vmax.f32 v25, v36;
	v62 =	vmax.f32 v21, v23;
	v27 =	vmin.f32 v21, v23  }
0xca: {  	v28 =	vld [tilespmem:s25+$0x8080];
	v23 =	vmax.f32 v30, v26;
	v26 =	vmin.f32 v25, v36;
	v25 =	vmin.f32 v61, v31  }
0xcb: {  	v30 =	vmax.f32 v61, v31;
	v35 =	vmax.f32 v62, v25;
	v31 =	vmin.f32 v62, v25;
	v25 =	vld [tilespmem:s25+$0x80F0]  }
0xcc: {  	v32 =	vld [tilespmem:s25+$0x80C0];
	v15 =	vmax.f32 v22, v20  }
0xcd: {  	v21 =	vmax.f32 v21, v27;
	v27 =	vmin.f32 v24, v26;
	v63 =	vmin.f32 v30, v60  }
0xce: {  	v30 =	vmax.f32 v30, v60;
	v34 =	vmax.f32 v21, v31;
	v21 =	vmax.f32 v29, v37  }
0xcf: {  	s19 =	simm.s32 $0x400;
	v31 =	vmin.f32 v33, v28;
	v29 =	vmax.f32 v35, v63;
	v35 =	vmin.f32 v35, v63  }
.LBB2_4:
0xd0: {  	s20 =	sshra.s32 s19, $0x2;
	p0 =	sne.s32 s19, $0x1FC00;
	s19 =	sadd.s32 $0x400, s19;
	v28 =	vmax.f32 v33, v28;
	v33 =	vmax.f32 v34, v35;
	v34 =	vmax.f32 v30, v25  }
0xd1: {  	v20 =	vmin.f32 v22, v20;
	v35 =	vld [tilespmem:s20+$0x8020];
	v36 =	vmax.f32 v28, v32;
	v28 =	vmin.f32 v28, v32  }
0xd2: {  	v24 =	vmax.f32 v24, v26;
	v19 =	vmax.f32 v19, v27;
	v25 =	vmin.f32 v30, v25;
	v22 =	vld [tilespmem:s20+$0x8010]  }
0xd3: {  	v27 =	vmax.f32 v24, v31;
	v24 =	vmin.f32 v24, v31;
	v30 =	vmin.f32 v29, v25;
	v26 =	vld [tilespmem:s20+$0x8000]  }
0xd4: {  	v29 =	vmax.f32 v29, v25;
	v32 =	vmin.f32 v27, v28;
	v30 =	vmax.f32 v33, v30;
	v31 =	vld [tilespmem:s20+$0x8060]  }
0xd5: {  	v20 =	vmax.f32 v23, v20;
	v19 =	vmax.f32 v19, v24;
	v24 =	vmax.f32 v27, v28;
	v25 =	vld [tilespmem:s20+$0x8050]  }
0xd6: {  	v19 =	vmax.f32 v19, v32;
	v23 =	vmin.f32 v18, v35;
	v27 =	vld [tilespmem:s20+$0x80A0]  }
0xd7: {  	v18 =	vmax.f32 v18, v35;
	v28 =	vmax.f32 v17, v22;
	v17 =	vmin.f32 v17, v22  }
0xd8: {  	v32 =	vmax.f32 v15, v23;
	v33 =	vmax.f32 v36, v26;
	v22 =	vmax.f32 v16, v17  }
0xd9: {  	v15 =	vmin.f32 v15, v23;
	v16 =	vmin.f32 v16, v17;
	v17 =	vmax.f32 v18, v31;
	v23 =	vld [tilespmem:s20+$0x80E0]  }
0xda: {  	v26 =	vmin.f32 v36, v26;
	v15 =	vmax.f32 v20, v15;
	v20 =	vmin.f32 v28, v25;
	v35 =	vld [tilespmem:s20+$0x8090]  }
0xdb: {  	v36 =	vmin.f32 v24, v26;
	v37 =	vmax.f32 v22, v20;
	v20 =	vmin.f32 v22, v20;
	v38 =	vld [tilespmem:s20+$0x80D0]  }
0xdc: {  	v16 =	vmax.f32 v21, v16;
	v18 =	vmin.f32 v18, v31;
	v21 =	vmax.f32 v17, v27  }
0xdd: {  	v39 =	vmax.f32 v32, v18;
	v27 =	vmin.f32 v17, v27;
	v31 =	vmax.f32 v16, v20  }
0xde: {  	v19 =	vmax.f32 v19, v36;
	v16 =	vmax.f32 v28, v25;
	v20 =	vmin.f32 v21, v23  }
0xdf: {  	v17 =	vmin.f32 v32, v18;
	v25 =	vld [tilespmem:s20+$0x8030];
	v18 =	vmax.f32 v16, v35;
	v16 =	vmin.f32 v16, v35  }
0xe0: {  	v32 =	vmax.f32 v15, v17;
	v35 =	vld [tilespmem:s20+$0x8070];
	v15 =	vmax.f32 v37, v16;
	v28 =	vmin.f32 v18, v38  }
0xe1: {  	v22 =	vmax.f32 v39, v27;
	v17 =	vmax.f32 v18, v38;
	v36 =	vld [tilespmem:s20+$0x8040];
	v38 =	vmin.f32 v15, v28  }
0xe2: {  	v18 =	vmin.f32 v37, v16;
	v16 =	vmax.f32 v15, v28;
	v15 =	vmax.f32 v22, v20  }
0xe3: {  	v24 =	vmax.f32 v24, v26;
	v31 =	vmax.f32 v31, v18;
	v18 =	vmax.f32 v21, v23;
	v37 =	vld [tilespmem:s20+$0x80B0]  }
0xe4: {  	v26 =	vmin.f32 v39, v27;
	v21 =	vmax.f32 v34, v25;
	v23 =	vmin.f32 v34, v25;
	v25 =	vld [tilespmem:s20+$0x80F0]  }
0xe5: {  	v34 =	vmax.f32 v29, v23;
	v27 =	vmin.f32 v29, v23;
	v28 =	vld [tilespmem:s20+$0x8080];
	v23 =	vmax.f32 v32, v26  }
.Ltmp1:
0xe6: {  	v29 =	vmax.f32 v30, v27;
	v26 =	vmin.f32 v33, v36;
	v30 =	vmax.f32 v21, v35;
	v32 =	vld [tilespmem:s20+$0x80C0];
	(pc) =	sbr.rel @p0 .LBB2_4-.Ltmp1, $4  }
0xe7: {  	v33 =	vmax.f32 v33, v36;
	v21 =	vmin.f32 v21, v35;
	v27 =	vmin.f32 v24, v26  }
0xe8: {  	v35 =	vmax.f32 v34, v21;
	v21 =	vmin.f32 v34, v21;
	v36 =	vmin.f32 v30, v37  }
0xe9: {  	v34 =	vmax.f32 v29, v21;
	v30 =	vmax.f32 v30, v37;
	v21 =	vmax.f32 v31, v38  }
0xea: {  	v29 =	vmax.f32 v35, v36;
	v35 =	vmin.f32 v35, v36;
	v31 =	vmin.f32 v33, v28  }
0xeb: {  	v28 =	vmax.f32 v33, v28;
	v60 =	vmax.f32 v34, v35;
	v61 =	vmax.f32 v30, v25  }
0xec: {  	v20 =	vmin.f32 v22, v20;
	v22 =	vmax.f32 v24, v26;
	v19 =	vmax.f32 v19, v27  }
0xed: {  	v24 =	vmin.f32 v30, v25;
	v62 =	vmax.f32 v28, v32;
	v28 =	vmin.f32 v28, v32  }
0xee: {  	v25 =	vmax.f32 v22, v31;
	v22 =	vmin.f32 v22, v31;
	v26 =	vmin.f32 v29, v24  }
0xef: {  	v24 =	vmax.f32 v29, v24;
	v20 =	vmax.f32 v23, v20;
	v27 =	vmin.f32 v25, v28  }
0xf0: {  	v19 =	vmax.f32 v19, v22;
	v22 =	vmax.f32 v25, v28;
	v23 =	vmin.f32 v62, v17  }
0xf1: {  	v17 =	vmax.f32 v62, v17;
	v19 =	vmax.f32 v19, v27;
	v25 =	vmin.f32 v22, v23  }
0xf2: {  	v22 =	vmax.f32 v22, v23;
	v23 =	vmin.f32 v17, v16;
	v16 =	vmax.f32 v17, v16  }
0xf3: {  	v19 =	vmax.f32 v19, v25;
	v17 =	vmax.f32 v22, v23;
	v22 =	vmin.f32 v22, v23  }
0xf4: {  	v19 =	vmax.f32 v19, v22;
	v22 =	vmax.f32 v16, v21;
	v16 =	vmin.f32 v16, v21  }
0xf5: {  	v21 =	vmax.f32 v17, v16;
	v16 =	vmin.f32 v17, v16;
	v17 =	vmin.f32 v22, v18  }
0xf6: {  	v18 =	vmax.f32 v22, v18;
	v16 =	vmax.f32 v19, v16;
	v19 =	vmin.f32 v21, v17  }
0xf7: {  	v17 =	vmax.f32 v21, v17;
	v16 =	vmax.f32 v16, v19;
	v19 =	vmin.f32 v18, v15  }
0xf8: {  	v15 =	vmax.f32 v18, v15;
	v18 =	vmax.f32 v17, v19;
	v17 =	vmin.f32 v17, v19  }
0xf9: {  	v16 =	vmax.f32 v16, v17;
	v17 =	vmax.f32 v15, v20;
	v15 =	vmin.f32 v15, v20  }
0xfa: {  	v26 =	vmax.f32 v60, v26;
	v19 =	vmax.f32 v18, v15;
	v15 =	vmin.f32 v18, v15  }
0xfb: {  	v18 =	vmax.f32 v17, v61;
	v15 =	vmax.f32 v16, v15;
	v16 =	vmin.f32 v17, v61  }
0xfc: {  	v17 =	vmax.f32 v18, v24;
	v18 =	vmin.f32 v18, v24;
	v20 =	vmax.f32 v19, v16  }
0xfd: {  	v21 =	vmax.f32 v17, v26;
	v16 =	vmin.f32 v19, v16;
	v17 =	vmin.f32 v17, v26  }
0xfe: {  	v19 =	vmax.f32 v20, v18;
	v15 =	vmax.f32 v15, v16;
	v16 =	vmin.f32 v20, v18  }
0xff: {  	[tilespmem:$0x18080] =	vst v21;
	v18 =	vmax.f32 v19, v17;
	v15 =	vmax.f32 v15, v16;
	v16 =	vmin.f32 v19, v17  }
0x100: {  	v20 =	vld.idx.msk [tilespmem:v2+s30+$0x0], $0xffff;
	[tilespmem:$0x18080] =	vst v18;
	v15 =	vmax.f32 v15, v16  }
0x101: {  	v16 =	vld.idx.msk [tilespmem:v2+s30+$0x0], $0xffff;
	[tilespmem:$0x18080] =	vst v15  }
0x102: {  	v17 =	vld.idx.msk [tilespmem:v2+s30+$0x0], $0xffff;
	_ =	sdelay $0x2  }
0x103: {  	v19 =	vmax.f32 v21, v20;
	v20 =	vmin.f32 v21, v20  }
0x104: {  	v22 =	vmax.f32 v18, v20;
	v18 =	vmin.f32 v18, v20;
	v21 =	vmax.f32 v19, v16  }
0x105: {  	v16 =	vmin.f32 v19, v16;
	v15 =	vmax.f32 v15, v18;
	v19 =	vmax.f32 v21, v17  }
0x106: {  	v20 =	vmax.f32 v22, v16;
	v17 =	vmin.f32 v21, v17;
	v16 =	vmin.f32 v22, v16  }
0x107: {  	[tilespmem:$0x18080] =	vst v19;
	v18 =	vmax.f32 v20, v17;
	v15 =	vmax.f32 v15, v16;
	v16 =	vmin.f32 v20, v17  }
0x108: {  	v21 =	vld.idx.msk [tilespmem:v3+s30+$0x0], $0xffff;
	[tilespmem:$0x18080] =	vst v18;
	v15 =	vmax.f32 v15, v16  }
0x109: {  	v16 =	vld.idx.msk [tilespmem:v3+s30+$0x0], $0xffff;
	[tilespmem:$0x18080] =	vst v15  }
0x10a: {  	v17 =	vld.idx.msk [tilespmem:v3+s30+$0x0], $0xffff;
	_ =	sdelay $0x2  }
0x10b: {  	v20 =	vmax.f32 v19, v21;
	v19 =	vmin.f32 v19, v21  }
0x10c: {  	v21 =	vmax.f32 v20, v16;
	v22 =	vmax.f32 v18, v19;
	v16 =	vmin.f32 v20, v16  }
0x10d: {  	v18 =	vmin.f32 v18, v19;
	v20 =	vmax.f32 v21, v17;
	v19 =	vmax.f32 v22, v16  }
0x10e: {  	v17 =	vmin.f32 v21, v17;
	v15 =	vmax.f32 v15, v18;
	v16 =	vmin.f32 v22, v16  }
0x10f: {  	[tilespmem:$0x18080] =	vst v20;
	v18 =	vmax.f32 v19, v17;
	v15 =	vmax.f32 v15, v16;
	v16 =	vmin.f32 v19, v17  }
0x110: {  	v21 =	vld.idx.msk [tilespmem:v4+s30+$0x0], $0xffff;
	[tilespmem:$0x18080] =	vst v18;
	v15 =	vmax.f32 v15, v16  }
0x111: {  	v16 =	vld.idx.msk [tilespmem:v4+s30+$0x0], $0xffff;
	[tilespmem:$0x18080] =	vst v15  }
0x112: {  	v19 =	vld.idx.msk [tilespmem:v4+s30+$0x0], $0xffff;
	_ =	sdelay $0x2  }
0x113: {  	v17 =	vmax.f32 v20, v21;
	v20 =	vmin.f32 v20, v21  }
0x114: {  	v21 =	vmax.f32 v17, v16;
	v22 =	vmax.f32 v18, v20;
	v16 =	vmin.f32 v17, v16  }
0x115: {  	v18 =	vmin.f32 v18, v20;
	v17 =	vmax.f32 v21, v19;
	v20 =	vmax.f32 v22, v16  }
0x116: {  	v19 =	vmin.f32 v21, v19;
	v15 =	vmax.f32 v15, v18;
	v16 =	vmin.f32 v22, v16  }
0x117: {  	[tilespmem:$0x18080] =	vst v17;
	v18 =	vmax.f32 v20, v19;
	v15 =	vmax.f32 v15, v16;
	v16 =	vmin.f32 v20, v19  }
0x118: {  	v21 =	vld.idx.msk [tilespmem:v5+s30+$0x0], $0xffff;
	[tilespmem:$0x18080] =	vst v18;
	v20 =	vmax.f32 v15, v16  }
0x119: {  	v19 =	vld.idx.msk [tilespmem:v5+s30+$0x0], $0xffff;
	[tilespmem:$0x18080] =	vst v20  }
0x11a: {  	v16 =	vld.idx.msk [tilespmem:v5+s30+$0x0], $0xffff;
	_ =	swait.ge [sflag:s29], $0x8000  }
0x11b: {  	[sflag:s29] =	ssyncset.done $0x0  }
0x11c: {  	s19 =	sand.u32 $0xFFFFFFF0, s1;
	[sflag:s29] =	ssyncadd.s32 $0xFFFF8000  }
0x11d: {  	v15 =	vld [tilespmem:s19+$0x10000];
	_ =	sdelay $0x1  }
0x11e: {  	s20 =	sand.u32 $0xF, s1  }
0x11f: {  	v22 =	vmov s20  }
0x120: {  	vm2 =	veq.s32 v22, v0  }
0x121: {  	v22 =	vsel vm2, $0xFF61B1E6, v15  }
0x122: {  	s25 =	simm.s32 $0x0;
	[tilespmem:s19+$0x10000] =	vst v22  }
0x123: {  	v22 =	vld [tilespmem:s25+$0x10020]  }
0x124: {  	v23 =	vld [tilespmem:s25+$0x10010]  }
0x125: {  	v24 =	vld [tilespmem:s25+$0x10000]  }
0x126: {  	v25 =	vld [tilespmem:s25+$0x10060]  }
0x127: {  	v28 =	vimm.f32 $-3.000000010e+38;
	v27 =	vld [tilespmem:s25+$0x10050]  }
0x128: {  	v43 =	vld [tilespmem:s25+$0x10040];
	v26 =	vmin.f32 v28, v22  }
0x129: {  	v29 =	vld [tilespmem:s25+$0x100A0];
	v30 =	vmax.f32 v28, v23;
	v23 =	vmin.f32 v28, v23;
	v22 =	vmax.f32 v28, v22  }
0x12a: {  	v63 =	vmax.f32 v28, v24;
	v36 =	vmin.f32 v28, v24;
	v31 =	vmax.f32 v28, v23  }
0x12b: {  	v48 =	vmax.f32 v28, v26;
	v23 =	vmin.f32 v28, v23;
	v26 =	vmin.f32 v28, v26  }
0x12c: {  	v49 =	vmax.f32 v22, v25;
	v38 =	vmin.f32 v28, v36;
	v22 =	vmin.f32 v22, v25  }
0x12d: {  	v37 =	vld [tilespmem:s25+$0x10090];
	v33 =	vmin.f32 v63, v43;
	v24 =	vmax.f32 v28, v26;
	v26 =	vmin.f32 v30, v27  }
0x12e: {  	v50 =	vld [tilespmem:s25+$0x100E0];
	v23 =	vmax.f32 v28, v23;
	v25 =	vmax.f32 v49, v29;
	v41 =	vmax.f32 v48, v22  }
0x12f: {  	v34 =	vmin.f32 v49, v29;
	v22 =	vmin.f32 v48, v22;
	v39 =	vmax.f32 v31, v26  }
0x130: {  	v26 =	vmin.f32 v31, v26;
	v31 =	vld [tilespmem:s25+$0x100D0];
	v52 =	vmax.f32 v24, v22;
	v29 =	vmax.f32 v41, v34  }
0x131: {  	v58 =	vmin.f32 v41, v34;
	v40 =	vmax.f32 v23, v26;
	v23 =	vmax.f32 v30, v27  }
0x132: {  	v26 =	vmax.f32 v28, v38;
	v30 =	vld [tilespmem:s25+$0x10030];
	v51 =	vmax.f32 v23, v37;
	v23 =	vmin.f32 v23, v37  }
0x133: {  	v27 =	vmin.f32 v25, v50;
	v25 =	vmax.f32 v25, v50;
	v54 =	vmin.f32 v39, v23  }
0x134: {  	v53 =	vld [tilespmem:s25+$0x10070];
	v22 =	vmax.f32 v39, v23;
	v55 =	vmax.f32 v40, v54;
	v40 =	vmax.f32 v63, v43  }
0x135: {  	v56 =	vld [tilespmem:s25+$0x100B0];
	v42 =	vmin.f32 v51, v31;
	v24 =	vmax.f32 v51, v31;
	v31 =	vmax.f32 v28, v36  }
0x136: {  	v44 =	vmin.f32 v22, v42;
	v23 =	vmax.f32 v22, v42;
	v22 =	vmax.f32 v29, v27  }
0x137: {  	v35 =	vld [tilespmem:s25+$0x10080];
	v57 =	vmax.f32 v28, v30;
	v30 =	vmin.f32 v28, v30;
	v34 =	vmin.f32 v31, v33  }
0x138: {  	v32 =	vld [tilespmem:s25+$0x100F0];
	v59 =	vmax.f32 v28, v30;
	v60 =	vmin.f32 v28, v30;
	v30 =	vmax.f32 v52, v58  }
0x139: {  	v39 =	vld [tilespmem:s25+$0x100C0];
	v61 =	vmax.f32 v57, v53;
	v62 =	vmin.f32 v57, v53;
	v28 =	vmax.f32 v28, v60  }
0x13a: {  	v42 =	vmax.f32 v59, v62;
	v38 =	vmin.f32 v59, v62;
	v63 =	vmin.f32 v61, v56  }
0x13b: {  	v37 =	vmax.f32 v61, v56;
	v41 =	vmax.f32 v28, v38;
	v28 =	vmax.f32 v55, v44  }
0x13c: {  	s1 =	simm.s32 $0x400;
	v38 =	vmin.f32 v40, v35;
	v36 =	vmax.f32 v42, v63;
	v42 =	vmin.f32 v42, v63  }
.LBB2_6:
0x13d: {  	s19 =	sshra.s32 s1, $0x2;
	p0 =	sne.s32 s1, $0x1FC00;
	s1 =	sadd.s32 $0x400, s1;
	v35 =	vmax.f32 v40, v35;
	v40 =	vmax.f32 v41, v42;
	v41 =	vmax.f32 v37, v32  }
0x13e: {  	v27 =	vmin.f32 v29, v27;
	v42 =	vld [tilespmem:s19+$0x10020];
	v43 =	vmax.f32 v35, v39;
	v35 =	vmin.f32 v35, v39  }
0x13f: {  	v31 =	vmax.f32 v31, v33;
	v26 =	vmax.f32 v26, v34;
	v32 =	vmin.f32 v37, v32;
	v29 =	vld [tilespmem:s19+$0x10010]  }
0x140: {  	v34 =	vmax.f32 v31, v38;
	v31 =	vmin.f32 v31, v38;
	v37 =	vmin.f32 v36, v32;
	v33 =	vld [tilespmem:s19+$0x10000]  }
0x141: {  	v36 =	vmax.f32 v36, v32;
	v39 =	vmin.f32 v34, v35;
	v37 =	vmax.f32 v40, v37;
	v38 =	vld [tilespmem:s19+$0x10060]  }
0x142: {  	v27 =	vmax.f32 v30, v27;
	v26 =	vmax.f32 v26, v31;
	v31 =	vmax.f32 v34, v35;
	v32 =	vld [tilespmem:s19+$0x10050]  }
0x143: {  	v26 =	vmax.f32 v26, v39;
	v30 =	vmin.f32 v25, v42;
	v34 =	vld [tilespmem:s19+$0x100A0]  }
0x144: {  	v25 =	vmax.f32 v25, v42;
	v35 =	vmax.f32 v24, v29;
	v24 =	vmin.f32 v24, v29  }
0x145: {  	v39 =	vmax.f32 v22, v30;
	v40 =	vmax.f32 v43, v33;
	v29 =	vmax.f32 v23, v24  }
0x146: {  	v22 =	vmin.f32 v22, v30;
	v23 =	vmin.f32 v23, v24;
	v24 =	vmax.f32 v25, v38;
	v30 =	vld [tilespmem:s19+$0x100E0]  }
0x147: {  	v33 =	vmin.f32 v43, v33;
	v22 =	vmax.f32 v27, v22;
	v27 =	vmin.f32 v35, v32;
	v42 =	vld [tilespmem:s19+$0x10090]  }
0x148: {  	v43 =	vmin.f32 v31, v33;
	v44 =	vmax.f32 v29, v27;
	v27 =	vmin.f32 v29, v27;
	v45 =	vld [tilespmem:s19+$0x100D0]  }
0x149: {  	v23 =	vmax.f32 v28, v23;
	v25 =	vmin.f32 v25, v38;
	v28 =	vmax.f32 v24, v34  }
0x14a: {  	v46 =	vmax.f32 v39, v25;
	v34 =	vmin.f32 v24, v34;
	v38 =	vmax.f32 v23, v27  }
0x14b: {  	v26 =	vmax.f32 v26, v43;
	v23 =	vmax.f32 v35, v32;
	v27 =	vmin.f32 v28, v30  }
0x14c: {  	v24 =	vmin.f32 v39, v25;
	v32 =	vld [tilespmem:s19+$0x10030];
	v25 =	vmax.f32 v23, v42;
	v23 =	vmin.f32 v23, v42  }
0x14d: {  	v39 =	vmax.f32 v22, v24;
	v42 =	vld [tilespmem:s19+$0x10070];
	v22 =	vmax.f32 v44, v23;
	v35 =	vmin.f32 v25, v45  }
0x14e: {  	v29 =	vmax.f32 v46, v34;
	v24 =	vmax.f32 v25, v45;
	v43 =	vld [tilespmem:s19+$0x10040];
	v45 =	vmin.f32 v22, v35  }
0x14f: {  	v25 =	vmin.f32 v44, v23;
	v23 =	vmax.f32 v22, v35;
	v22 =	vmax.f32 v29, v27  }
0x150: {  	v31 =	vmax.f32 v31, v33;
	v38 =	vmax.f32 v38, v25;
	v25 =	vmax.f32 v28, v30;
	v44 =	vld [tilespmem:s19+$0x100B0]  }
0x151: {  	v33 =	vmin.f32 v46, v34;
	v28 =	vmax.f32 v41, v32;
	v30 =	vmin.f32 v41, v32;
	v32 =	vld [tilespmem:s19+$0x100F0]  }
0x152: {  	v41 =	vmax.f32 v36, v30;
	v34 =	vmin.f32 v36, v30;
	v35 =	vld [tilespmem:s19+$0x10080];
	v30 =	vmax.f32 v39, v33  }
.Ltmp2:
0x153: {  	v36 =	vmax.f32 v37, v34;
	v33 =	vmin.f32 v40, v43;
	v37 =	vmax.f32 v28, v42;
	v39 =	vld [tilespmem:s19+$0x100C0];
	(pc) =	sbr.rel @p0 .LBB2_6-.Ltmp2, $4  }
0x154: {  	v40 =	vmax.f32 v40, v43;
	v28 =	vmin.f32 v28, v42;
	v34 =	vmin.f32 v31, v33  }
0x155: {  	v42 =	vmax.f32 v41, v28;
	v28 =	vmin.f32 v41, v28;
	v43 =	vmin.f32 v37, v44  }
0x156: {  	v41 =	vmax.f32 v36, v28;
	v37 =	vmax.f32 v37, v44;
	v28 =	vmax.f32 v38, v45  }
0x157: {  	v36 =	vmax.f32 v42, v43;
	v42 =	vmin.f32 v42, v43;
	v38 =	vmin.f32 v40, v35  }
0x158: {  	v35 =	vmax.f32 v40, v35;
	v56 =	vmax.f32 v41, v42;
	v57 =	vmax.f32 v37, v32  }
0x159: {  	v27 =	vmin.f32 v29, v27;
	v29 =	vmax.f32 v31, v33;
	v26 =	vmax.f32 v26, v34  }
0x15a: {  	v31 =	vmin.f32 v37, v32;
	v58 =	vmax.f32 v35, v39;
	v35 =	vmin.f32 v35, v39  }
0x15b: {  	v59 =	vmax.f32 v29, v38;
	v29 =	vmin.f32 v29, v38;
	v60 =	vmin.f32 v36, v31  }
0x15c: {  	v31 =	vmax.f32 v36, v31;
	v27 =	vmax.f32 v30, v27;
	v61 =	vmin.f32 v59, v35  }
0x15d: {  	v26 =	vmax.f32 v26, v29;
	v29 =	vmax.f32 v59, v35;
	v30 =	vmin.f32 v58, v24  }
0x15e: {  	v24 =	vmax.f32 v58, v24;
	v26 =	vmax.f32 v26, v61;
	v32 =	vmin.f32 v29, v30  }
0x15f: {  	v29 =	vmax.f32 v29, v30;
	v30 =	vmin.f32 v24, v23;
	v23 =	vmax.f32 v24, v23  }
0x160: {  	v26 =	vmax.f32 v26, v32;
	v24 =	vmax.f32 v29, v30;
	v29 =	vmin.f32 v29, v30  }
0x161: {  	v26 =	vmax.f32 v26, v29;
	v29 =	vmax.f32 v23, v28;
	v23 =	vmin.f32 v23, v28  }
0x162: {  	v28 =	vmax.f32 v24, v23;
	v23 =	vmin.f32 v24, v23;
	v24 =	vmin.f32 v29, v25  }
0x163: {  	v25 =	vmax.f32 v29, v25;
	v23 =	vmax.f32 v26, v23;
	v26 =	vmin.f32 v28, v24  }
0x164: {  	v24 =	vmax.f32 v28, v24;
	v23 =	vmax.f32 v23, v26;
	v26 =	vmin.f32 v25, v22  }
0x165: {  	v22 =	vmax.f32 v25, v22;
	v25 =	vmax.f32 v24, v26;
	v24 =	vmin.f32 v24, v26  }
0x166: {  	v23 =	vmax.f32 v23, v24;
	v24 =	vmax.f32 v22, v27;
	v22 =	vmin.f32 v22, v27  }
0x167: {  	v33 =	vmax.f32 v56, v60;
	v26 =	vmax.f32 v25, v22;
	v22 =	vmin.f32 v25, v22  }
0x168: {  	v25 =	vmax.f32 v24, v57;
	v22 =	vmax.f32 v23, v22;
	v23 =	vmin.f32 v24, v57  }
0x169: {  	v24 =	vmax.f32 v25, v31;
	v25 =	vmin.f32 v25, v31;
	v27 =	vmax.f32 v26, v23  }
0x16a: {  	v28 =	vmax.f32 v24, v33;
	v23 =	vmin.f32 v26, v23;
	v24 =	vmin.f32 v24, v33  }
0x16b: {  	v26 =	vmax.f32 v27, v25;
	v22 =	vmax.f32 v22, v23;
	v23 =	vmin.f32 v27, v25  }
0x16c: {  	[tilespmem:$0x18080] =	vst v28;
	v25 =	vmax.f32 v26, v24;
	v22 =	vmax.f32 v22, v23;
	v23 =	vmin.f32 v26, v24  }
0x16d: {  	v27 =	vld.idx.msk [tilespmem:v2+s30+$0x0], $0xffff;
	[tilespmem:$0x18080] =	vst v25;
	v22 =	vmax.f32 v22, v23  }
0x16e: {  	v23 =	vld.idx.msk [tilespmem:v2+s30+$0x0], $0xffff;
	[tilespmem:$0x18080] =	vst v22  }
0x16f: {  	v24 =	vld.idx.msk [tilespmem:v2+s30+$0x0], $0xffff;
	_ =	sdelay $0x2  }
0x170: {  	v26 =	vmax.f32 v28, v27;
	v27 =	vmin.f32 v28, v27  }
0x171: {  	v29 =	vmax.f32 v25, v27;
	v25 =	vmin.f32 v25, v27;
	v28 =	vmax.f32 v26, v23  }
0x172: {  	v23 =	vmin.f32 v26, v23;
	v22 =	vmax.f32 v22, v25;
	v26 =	vmax.f32 v28, v24  }
0x173: {  	v27 =	vmax.f32 v29, v23;
	v24 =	vmin.f32 v28, v24;
	v23 =	vmin.f32 v29, v23  }
0x174: {  	[tilespmem:$0x18080] =	vst v26;
	v25 =	vmax.f32 v27, v24;
	v22 =	vmax.f32 v22, v23;
	v23 =	vmin.f32 v27, v24  }
0x175: {  	v28 =	vld.idx.msk [tilespmem:v3+s30+$0x0], $0xffff;
	[tilespmem:$0x18080] =	vst v25;
	v22 =	vmax.f32 v22, v23  }
0x176: {  	v23 =	vld.idx.msk [tilespmem:v3+s30+$0x0], $0xffff;
	[tilespmem:$0x18080] =	vst v22  }
0x177: {  	v24 =	vld.idx.msk [tilespmem:v3+s30+$0x0], $0xffff;
	_ =	sdelay $0x2  }
0x178: {  	v27 =	vmax.f32 v26, v28;
	v26 =	vmin.f32 v26, v28  }
0x179: {  	v28 =	vmax.f32 v27, v23;
	v29 =	vmax.f32 v25, v26;
	v23 =	vmin.f32 v27, v23  }
0x17a: {  	v25 =	vmin.f32 v25, v26;
	v27 =	vmax.f32 v28, v24;
	v26 =	vmax.f32 v29, v23  }
0x17b: {  	v24 =	vmin.f32 v28, v24;
	v22 =	vmax.f32 v22, v25;
	v23 =	vmin.f32 v29, v23  }
0x17c: {  	[tilespmem:$0x18080] =	vst v27;
	v25 =	vmax.f32 v26, v24;
	v22 =	vmax.f32 v22, v23;
	v23 =	vmin.f32 v26, v24  }
0x17d: {  	v28 =	vld.idx.msk [tilespmem:v4+s30+$0x0], $0xffff;
	[tilespmem:$0x18080] =	vst v25;
	v22 =	vmax.f32 v22, v23  }
0x17e: {  	v23 =	vld.idx.msk [tilespmem:v4+s30+$0x0], $0xffff;
	[tilespmem:$0x18080] =	vst v22  }
0x17f: {  	v24 =	vld.idx.msk [tilespmem:v4+s30+$0x0], $0xffff;
	_ =	sdelay $0x2  }
0x180: {  	v26 =	vmax.f32 v27, v28;
	v27 =	vmin.f32 v27, v28  }
0x181: {  	v28 =	vmax.f32 v26, v23;
	v29 =	vmax.f32 v25, v27;
	v26 =	vmin.f32 v26, v23  }
0x182: {  	v25 =	vmin.f32 v25, v27;
	v23 =	vmax.f32 v28, v24;
	v27 =	vmax.f32 v29, v26  }
0x183: {  	v24 =	vmin.f32 v28, v24;
	v22 =	vmax.f32 v22, v25;
	v26 =	vmin.f32 v29, v26  }
0x184: {  	[tilespmem:$0x18080] =	vst v23;
	v25 =	vmax.f32 v27, v24;
	v22 =	vmax.f32 v22, v26;
	v24 =	vmin.f32 v27, v24  }
0x185: {  	v28 =	vld.idx.msk [tilespmem:v5+s30+$0x0], $0xffff;
	[tilespmem:$0x18080] =	vst v25;
	v26 =	vmax.f32 v22, v24  }
0x186: {  	v27 =	vld.idx.msk [tilespmem:v5+s30+$0x0], $0xffff;
	[tilespmem:$0x18080] =	vst v26  }
0x187: {  	v24 =	vld.idx.msk [tilespmem:v5+s30+$0x0], $0xffff;
	_ =	swait.ge [sflag:s29], $0x8000  }
0x188: {  	[sflag:s29] =	ssyncset.done $0x0  }
0x189: {  	s1 =	sand.u32 $0xFFFFFFF0, s0;
	[sflag:s29] =	ssyncadd.s32 $0xFFFF8000  }
0x18a: {  	v22 =	vld [tilespmem:s1+$0x0];
	_ =	sdelay $0x1  }
0x18b: {  	s20 =	sand.u32 $0xF, s0  }
0x18c: {  	v29 =	vmov s20  }
0x18d: {  	vm3 =	veq.s32 v29, v0  }
0x18e: {  	v29 =	vsel vm3, $0xFF61B1E6, v22  }
0x18f: {  	s25 =	simm.s32 $0x0;
	[tilespmem:s1+$0x0] =	vst v29  }
0x190: {  	v29 =	vld [tilespmem:s25+$0x20]  }
0x191: {  	v30 =	vld [tilespmem:s25+$0x10]  }
0x192: {  	v31 =	vld [tilespmem:s25+$0x0]  }
0x193: {  	v60 =	vld [tilespmem:s25+$0x30]  }
0x194: {  	v62 =	vld [tilespmem:s25+$0x60]  }
0x195: {  	v34 =	vimm.f32 $-3.000000010e+38;
	v63 =	vld [tilespmem:s25+$0x50]  }
0x196: {  	v51 =	vmin.f32 v34, v29  }
0x197: {  	v50 =	vld [tilespmem:s25+$0x40];
	v53 =	vmax.f32 v34, v30;
	v30 =	vmin.f32 v34, v30;
	v29 =	vmax.f32 v34, v29  }
0x198: {  	v52 =	vld [tilespmem:s25+$0xA0];
	v39 =	vmax.f32 v34, v31;
	v43 =	vmin.f32 v34, v31;
	v37 =	vmin.f32 v34, v60  }
0x199: {  	v54 =	vmax.f32 v34, v30;
	v55 =	vmax.f32 v34, v51;
	v30 =	vmin.f32 v34, v30  }
0x19a: {  	v33 =	vmin.f32 v34, v51;
	v56 =	vmax.f32 v29, v62;
	v57 =	vmin.f32 v53, v63  }
0x19b: {  	v42 =	vld [tilespmem:s25+$0xE0];
	v45 =	vmin.f32 v34, v43;
	v29 =	vmin.f32 v29, v62;
	v38 =	vmax.f32 v34, v43  }
0x19c: {  	v40 =	vmin.f32 v39, v50;
	v31 =	vmax.f32 v34, v33;
	v46 =	vmax.f32 v54, v57  }
0x19d: {  	v44 =	vld [tilespmem:s25+$0x90];
	v33 =	vmin.f32 v54, v57;
	v30 =	vmax.f32 v34, v30;
	v59 =	vmax.f32 v56, v52  }
0x19e: {  	v58 =	vld [tilespmem:s25+$0xD0];
	v48 =	vmax.f32 v55, v29;
	v41 =	vmin.f32 v56, v52;
	v29 =	vmin.f32 v55, v29  }
0x19f: {  	v57 =	vmax.f32 v34, v60;
	v60 =	vmin.f32 v34, v37;
	v47 =	vmax.f32 v30, v33  }
0x1a0: {  	v33 =	vmax.f32 v34, v45;
	v30 =	vmax.f32 v53, v63;
	v35 =	vmin.f32 v59, v42  }
0x1a1: {  	v62 =	vmax.f32 v31, v29;
	v36 =	vmax.f32 v48, v41;
	v32 =	vmax.f32 v59, v42  }
0x1a2: {  	v63 =	vld [tilespmem:s25+$0x70];
	v59 =	vmax.f32 v34, v37;
	v61 =	vmax.f32 v30, v44;
	v30 =	vmin.f32 v30, v44  }
0x1a3: {  	v56 =	vld [tilespmem:s25+$0xB0];
	v34 =	vmax.f32 v34, v60;
	v29 =	vmax.f32 v46, v30;
	v49 =	vmin.f32 v61, v58  }
0x1a4: {  	v31 =	vmax.f32 v61, v58;
	v54 =	vmin.f32 v46, v30;
	v58 =	vmin.f32 v48, v41  }
0x1a5: {  	v42 =	vld [tilespmem:s25+$0x80];
	v41 =	vmin.f32 v38, v40;
	v51 =	vmin.f32 v29, v49;
	v30 =	vmax.f32 v29, v49  }
0x1a6: {  	v29 =	vmax.f32 v36, v35;
	v55 =	vmax.f32 v47, v54;
	v47 =	vmax.f32 v39, v50;
	v39 =	vld [tilespmem:s25+$0xF0]  }
0x1a7: {  	v46 =	vld [tilespmem:s25+$0xC0];
	v37 =	vmax.f32 v62, v58;
	v61 =	vmax.f32 v57, v63;
	v62 =	vmin.f32 v57, v63  }
0x1a8: {  	v49 =	vmax.f32 v59, v62;
	v45 =	vmin.f32 v59, v62;
	v63 =	vmin.f32 v61, v56  }
0x1a9: {  	v44 =	vmax.f32 v61, v56;
	v48 =	vmax.f32 v34, v45;
	v34 =	vmax.f32 v55, v51  }
0x1aa: {  	s0 =	simm.s32 $0x400;
	v45 =	vmin.f32 v47, v42;
	v43 =	vmax.f32 v49, v63;
	v49 =	vmin.f32 v49, v63  }
.LBB2_8:
0x1ab: {  	s1 =	sshra.s32 s0, $0x2;
	p0 =	sne.s32 s0, $0x1FC00;
	s0 =	sadd.s32 $0x400, s0;
	v42 =	vmax.f32 v47, v42;
	v47 =	vmax.f32 v48, v49;
	v48 =	vmax.f32 v44, v39  }
0x1ac: {  	v35 =	vmin.f32 v36, v35;
	v49 =	vld [tilespmem:s1+$0x20];
	v50 =	vmax.f32 v42, v46;
	v42 =	vmin.f32 v42, v46  }
0x1ad: {  	v38 =	vmax.f32 v38, v40;
	v33 =	vmax.f32 v33, v41;
	v39 =	vmin.f32 v44, v39;
	v36 =	vld [tilespmem:s1+$0x10]  }
0x1ae: {  	v41 =	vmax.f32 v38, v45;
	v38 =	vmin.f32 v38, v45;
	v44 =	vmin.f32 v43, v39;
	v40 =	vld [tilespmem:s1+$0x0]  }
0x1af: {  	v43 =	vmax.f32 v43, v39;
	v46 =	vmin.f32 v41, v42;
	v44 =	vmax.f32 v47, v44;
	v45 =	vld [tilespmem:s1+$0x60]  }
0x1b0: {  	v35 =	vmax.f32 v37, v35;
	v33 =	vmax.f32 v33, v38;
	v38 =	vmax.f32 v41, v42;
	v39 =	vld [tilespmem:s1+$0x50]  }
0x1b1: {  	v33 =	vmax.f32 v33, v46;
	v37 =	vmin.f32 v32, v49;
	v41 =	vld [tilespmem:s1+$0xA0]  }
0x1b2: {  	v32 =	vmax.f32 v32, v49;
	v42 =	vmax.f32 v31, v36;
	v31 =	vmin.f32 v31, v36  }
0x1b3: {  	v46 =	vmax.f32 v29, v37;
	v47 =	vmax.f32 v50, v40;
	v36 =	vmax.f32 v30, v31  }
0x1b4: {  	v29 =	vmin.f32 v29, v37;
	v30 =	vmin.f32 v30, v31;
	v31 =	vmax.f32 v32, v45;
	v37 =	vld [tilespmem:s1+$0xE0]  }
0x1b5: {  	v40 =	vmin.f32 v50, v40;
	v29 =	vmax.f32 v35, v29;
	v35 =	vmin.f32 v42, v39;
	v49 =	vld [tilespmem:s1+$0x90]  }
0x1b6: {  	v50 =	vmin.f32 v38, v40;
	v51 =	vmax.f32 v36, v35;
	v35 =	vmin.f32 v36, v35;
	v52 =	vld [tilespmem:s1+$0xD0]  }
0x1b7: {  	v30 =	vmax.f32 v34, v30;
	v32 =	vmin.f32 v32, v45;
	v34 =	vmax.f32 v31, v41  }
0x1b8: {  	v53 =	vmax.f32 v46, v32;
	v41 =	vmin.f32 v31, v41;
	v45 =	vmax.f32 v30, v35  }
0x1b9: {  	v33 =	vmax.f32 v33, v50;
	v30 =	vmax.f32 v42, v39;
	v35 =	vmin.f32 v34, v37  }
0x1ba: {  	v31 =	vmin.f32 v46, v32;
	v39 =	vld [tilespmem:s1+$0x30];
	v32 =	vmax.f32 v30, v49;
	v30 =	vmin.f32 v30, v49  }
0x1bb: {  	v46 =	vmax.f32 v29, v31;
	v49 =	vld [tilespmem:s1+$0x70];
	v29 =	vmax.f32 v51, v30;
	v42 =	vmin.f32 v32, v52  }
0x1bc: {  	v36 =	vmax.f32 v53, v41;
	v31 =	vmax.f32 v32, v52;
	v50 =	vld [tilespmem:s1+$0x40];
	v52 =	vmin.f32 v29, v42  }
0x1bd: {  	v32 =	vmin.f32 v51, v30;
	v30 =	vmax.f32 v29, v42;
	v29 =	vmax.f32 v36, v35  }
0x1be: {  	v38 =	vmax.f32 v38, v40;
	v45 =	vmax.f32 v45, v32;
	v32 =	vmax.f32 v34, v37;
	v51 =	vld [tilespmem:s1+$0xB0]  }
0x1bf: {  	v40 =	vmin.f32 v53, v41;
	v34 =	vmax.f32 v48, v39;
	v37 =	vmin.f32 v48, v39;
	v39 =	vld [tilespmem:s1+$0xF0]  }
0x1c0: {  	v48 =	vmax.f32 v43, v37;
	v41 =	vmin.f32 v43, v37;
	v42 =	vld [tilespmem:s1+$0x80];
	v37 =	vmax.f32 v46, v40  }
.Ltmp3:
0x1c1: {  	v43 =	vmax.f32 v44, v41;
	v40 =	vmin.f32 v47, v50;
	v44 =	vmax.f32 v34, v49;
	v46 =	vld [tilespmem:s1+$0xC0];
	(pc) =	sbr.rel @p0 .LBB2_8-.Ltmp3, $4  }
0x1c2: {  	v47 =	vmax.f32 v47, v50;
	v34 =	vmin.f32 v34, v49;
	v41 =	vmin.f32 v38, v40  }
0x1c3: {  	v49 =	vmax.f32 v48, v34;
	v34 =	vmin.f32 v48, v34;
	v50 =	vmin.f32 v44, v51  }
0x1c4: {  	v48 =	vmax.f32 v43, v34;
	v44 =	vmax.f32 v44, v51;
	v34 =	vmax.f32 v45, v52  }
0x1c5: {  	v43 =	vmax.f32 v49, v50;
	v49 =	vmin.f32 v49, v50;
	v45 =	vmin.f32 v47, v42  }
0x1c6: {  	v42 =	vmax.f32 v47, v42;
	v63 =	vmax.f32 v48, v49;
	v48 =	vmax.f32 v44, v39  }
0x1c7: {  	v35 =	vmin.f32 v36, v35;
	v51 =	vmax.f32 v38, v40;
	v33 =	vmax.f32 v33, v41  }
0x1c8: {  	v52 =	vmin.f32 v44, v39;
	v7 =	vnsel vm0, $0xFF61B1E6, v7;
	v57 =	vmin.f32 v9, v12  }
0x1c9: {  	v58 =	vmax.f32 v9, v12;
	vm12 =	vmmov $0x1;
	vm13 =	vmmov $0x3  }
0x1ca: {  	vm14 =	vmmov $0x7;
	v8 =	vnsel vm1, $0xFF61B1E6, v8;
	vm15 =	vmmov $0xf  }
0x1cb: {  	vm4 =	vmmov $0x1f;
	vm5 =	vmmov $0x3f;
	vm6 =	vmmov $0x7f  }
0x1cc: {  	vm7 =	vmmov $0xff;
	v49 =	vmax.f32 v42, v46;
	v42 =	vmin.f32 v42, v46  }
0x1cd: {  	v53 =	vmax.f32 v51, v45;
	v36 =	vmin.f32 v51, v45;
	v54 =	vmin.f32 v43, v52  }
0x1ce: {  	v38 =	vmax.f32 v43, v52;
	v35 =	vmax.f32 v37, v35;
	v59 =	vmax.f32 v11, v57  }
0x1cf: {  	v60 =	vmin.f32 v11, v57;
	v61 =	vmax.f32 v58, v13;
	v9 =	vmin.f32 v58, v13  }
0x1d0: {  	(xrf0) =	vmax.scan.msk.f32 $0xffff, v7;
	v55 =	vmin.f32 v53, v42;
	v7 =	vmax.f32 v63, v54;
	v33 =	vmax.f32 v33, v36  }
0x1d1: {  	v56 =	vmax.f32 v53, v42;
	v11 =	vmax.f32 v14, v60;
	v13 =	vmax.f32 v59, v9  }
0x1d2: {  	v9 =	vmin.f32 v59, v9;
	v62 =	vmin.f32 v61, v10;
	v39 =	vmax.f32 v61, v10  }
0x1d3: {  	v42 =	vmin.f32 v49, v31;
	v43 =	vmax.f32 v49, v31;
	v33 =	vmax.f32 v33, v55  }
0x1d4: {  	v9 =	vmax.f32 v11, v9;
	v40 =	vmax.f32 v13, v62;
	v12 =	vmin.f32 v13, v62  }
0x1d5: {  	v10 =	vbroadcast v39, $0x0;
	v44 =	vmin.f32 v56, v42;
	v31 =	vmin.f32 v43, v30  }
0x1d6: {  	v13 =	vmax.f32 v43, v30;
	v9 =	vmax.f32 v9, v12;
	v12 =	vmax.f32 v56, v42  }
0x1d7: {  	v14 =	vmax.f32 v33, v44;
	v46 =	vmax.f32 v13, v34;
	v13 =	vmin.f32 v13, v34  }
0x1d8: {  	v45 =	vmax.f32 v12, v31;
	v12 =	vmin.f32 v12, v31;
	v50 =	vmax.f32 v46, v32  }
0x1d9: {  	v12 =	vmax.f32 v14, v12;
	v47 =	vmax.f32 v45, v13;
	v13 =	vmin.f32 v45, v13  }
0x1da: {  	v49 =	vmin.f32 v46, v32;
	v52 =	vmin.f32 v50, v29;
	v12 =	vmax.f32 v12, v13  }
0x1db: {  	v63, _, _ =	vpop (xrf0);
	v51 =	vmin.f32 v47, v49;
	v30 =	vmax.f32 v47, v49;
	v13 =	vmax.f32 v50, v29  }
0x1dc: {  	v41 =	vbroadcast v63, $0xF;
	v12 =	vmax.f32 v12, v51;
	v53 =	vmax.f32 v30, v52  }
0x1dd: {  	v14 =	vmin.f32 v30, v52;
	v54 =	vmax.f32 v13, v35;
	v13 =	vmin.f32 v13, v35  }
0x1de: {  	v12 =	vmax.f32 v12, v14;
	v55 =	vmax.f32 v53, v13;
	v13 =	vmin.f32 v53, v13  }
0x1df: {  	v56 =	vmax.f32 v54, v48;
	v57 =	vmin.f32 v54, v48;
	v12 =	vmax.f32 v12, v13  }
0x1e0: {  	v58 =	vmax.f32 v56, v38;
	v59 =	vmax.f32 v55, v57;
	v29 =	vmin.f32 v56, v38  }
0x1e1: {  	v13 =	vmin.f32 v55, v57;
	v60 =	vmax.f32 v58, v7;
	v61 =	vmax.f32 v59, v29  }
0x1e2: {  	v7 =	vmin.f32 v58, v7;
	v12 =	vmax.f32 v12, v13;
	v62 =	vmin.f32 v59, v29  }
0x1e3: {  	[tilespmem:$0x18080] =	vst v60;
	v14 =	vmax.f32 v61, v7;
	v12 =	vmax.f32 v12, v62;
	v7 =	vmin.f32 v61, v7  }
0x1e4: {  	v11 =	vbroadcast v40, $0x0;
	v34 =	vmax.f32 v17, v21;
	v63 =	vld.idx.msk [tilespmem:v2+s30+$0x0], $0xffff;
	[tilespmem:$0x18080] =	vst v14;
	v7 =	vmax.f32 v12, v7  }
0x1e5: {  	v9 =	vbroadcast v9, $0x0;
	v31 =	vmin.f32 v17, v21;
	v10 =	vsel vm12, v41, v10;
	v30 =	vld.idx.msk [tilespmem:v2+s30+$0x0], $0xffff;
	[tilespmem:$0x18080] =	vst v7  }
0x1e6: {  	v37 =	vmax.f32 v34, v19;
	v35 =	vmax.f32 v18, v31;
	v10 =	vsel vm13, v10, v11;
	v33 =	vld.idx.msk [tilespmem:v2+s30+$0x0], $0xffff  }
0x1e7: {  	v13 =	vmin.f32 v34, v19;
	v9 =	vsel vm14, v10, v9;
	v10 =	vmin.f32 v18, v31  }
0x1e8: {  	(xrf0) =	vmax.scan.msk.f32 $0xffff, v8;
	v38 =	vmax.f32 v35, v13;
	v13 =	vmin.f32 v35, v13;
	v36 =	vmax.f32 v20, v10  }
0x1e9: {  	v8 =	vmax.f32 v36, v13;
	v39 =	vmax.f32 v60, v63;
	v40 =	vmin.f32 v60, v63  }
0x1ea: {  	v41 =	vmax.f32 v39, v30;
	v42 =	vmax.f32 v14, v40;
	v12 =	vmin.f32 v39, v30  }
0x1eb: {  	v13 =	vmin.f32 v14, v40;
	v43 =	vmax.f32 v41, v33;
	v44 =	vmax.f32 v42, v12  }
0x1ec: {  	v11 =	vmin.f32 v41, v33;
	v7 =	vmax.f32 v7, v13;
	v12 =	vmin.f32 v42, v12  }
0x1ed: {  	[tilespmem:$0x18080] =	vst v43;
	v45 =	vmax.f32 v44, v11;
	v7 =	vmax.f32 v7, v12;
	v11 =	vmin.f32 v44, v11  }
0x1ee: {  	vm8 =	vmmov $0x1ff;
	v48 =	vmax.f32 v37, v16;
	v47, _, _ =	vpop (xrf0);
	v46 =	vld.idx.msk [tilespmem:v3+s30+$0x0], $0xffff;
	[tilespmem:$0x18080] =	vst v45;
	v7 =	vmax.f32 v7, v11  }
0x1ef: {  	v52 =	vbroadcast v48, $0x0;
	v10 =	vmin.f32 v37, v16;
	v49 =	vbroadcast v47, $0xF;
	v50 =	vld.idx.msk [tilespmem:v3+s30+$0x0], $0xffff;
	[tilespmem:$0x18080] =	vst v7  }
0x1f0: {  	v56 =	vnsel vm2, $0xFF61B1E6, v15;
	v48 =	vnsel vm3, $0xFF61B1E6, v22;
	v51 =	vmax.f32 v38, v10;
	v54 =	vld.idx.msk [tilespmem:v3+s30+$0x0], $0xffff  }
0x1f1: {  	v10 =	vmin.f32 v38, v10;
	v53 =	vbroadcast v51, $0x0;
	v9 =	vsel vm15, v9, v49  }
0x1f2: {  	v29 =	vmax.f32 v23, v28;
	(xrf0) =	vmax.scan.msk.f32 $0xffff, v56;
	v8 =	vmax.f32 v8, v10;
	v9 =	vsel vm4, v9, v52  }
0x1f3: {  	v9 =	vsel vm5, v9, v53;
	v55 =	vmax.f32 v43, v46;
	v57 =	vmin.f32 v43, v46  }
0x1f4: {  	v58 =	vmax.f32 v55, v50;
	v59 =	vmax.f32 v45, v57;
	v10 =	vmin.f32 v55, v50  }
0x1f5: {  	v13 =	vmin.f32 v45, v57;
	v60 =	vmax.f32 v58, v54;
	v61 =	vmax.f32 v59, v10  }
0x1f6: {  	v14 =	vmin.f32 v58, v54;
	v7 =	vmax.f32 v7, v13;
	v10 =	vmin.f32 v59, v10  }
0x1f7: {  	[tilespmem:$0x18080] =	vst v60;
	v62 =	vmax.f32 v61, v14;
	v7 =	vmax.f32 v7, v10;
	v21 =	vmin.f32 v61, v14  }
0x1f8: {  	v8 =	vbroadcast v8, $0x0;
	v30 =	vmin.f32 v23, v28;
	v37, _, _ =	vpop (xrf0);
	v63 =	vld.idx.msk [tilespmem:v4+s30+$0x0], $0xffff;
	[tilespmem:$0x18080] =	vst v62;
	v7 =	vmax.f32 v7, v21  }
0x1f9: {  	v32 =	vmax.f32 v25, v30;
	v33 =	vmin.f32 v29, v27;
	v39 =	vbroadcast v37, $0xF;
	v31 =	vld.idx.msk [tilespmem:v4+s30+$0x0], $0xffff;
	[tilespmem:$0x18080] =	vst v7  }
0x1fa: {  	v8 =	vsel vm6, v9, v8;
	v34 =	vmin.f32 v32, v33;
	v15 =	vmax.f32 v32, v33;
	v35 =	vld.idx.msk [tilespmem:v4+s30+$0x0], $0xffff  }
0x1fb: {  	v8 =	vsel vm7, v8, v39;
	v14 =	vmin.f32 v25, v30;
	v10 =	vmax.f32 v29, v27  }
0x1fc: {  	v14 =	vmax.f32 v26, v14;
	v36 =	vmin.f32 v10, v24;
	v10 =	vmax.f32 v10, v24  }
0x1fd: {  	v14 =	vmax.f32 v14, v34;
	v38 =	vmax.f32 v15, v36;
	v40 =	vmax.f32 v60, v63  }
0x1fe: {  	v15 =	vmin.f32 v15, v36;
	v11 =	vmin.f32 v60, v63;
	v41 =	vmax.f32 v40, v31  }
0x1ff: {  	(xrf0) =	vmax.scan.msk.f32 $0xffff, v48;
	v42 =	vmax.f32 v62, v11;
	v9 =	vmin.f32 v40, v31;
	v43 =	vmax.f32 v41, v35  }
0x200: {  	v11 =	vmin.f32 v62, v11;
	v44 =	vmax.f32 v42, v9;
	v13 =	vmin.f32 v41, v35;
	[tilespmem:$0x18080] =	vst v43  }
0x201: {  	v7 =	vmax.f32 v7, v11;
	v9 =	vmin.f32 v42, v9;
	v45 =	vmax.f32 v44, v13;
	v46 =	vld.idx.msk [tilespmem:v5+s30+$0x0], $0xffff  }
0x202: {  	v10 =	vbroadcast v10, $0x0;
	v7 =	vmax.f32 v7, v9;
	v47 =	vmin.f32 v44, v13;
	[tilespmem:$0x18080] =	vst v45  }
0x203: {  	v14 =	vmax.f32 v14, v15;
	v50 =	vbroadcast v38, $0x0;
	v7 =	vmax.f32 v7, v47;
	v49 =	vld.idx.msk [tilespmem:v5+s30+$0x0], $0xffff  }
0x204: {  	vm9 =	vmmov $0x3ff;
	v8 =	vsel vm8, v8, v10;
	v51 =	vbroadcast v14, $0x0;
	[tilespmem:$0x18080] =	vst v7  }
0x205: {  	vm10 =	vmmov $0x7ff;
	vm11 =	vmmov $0xfff;
	v8 =	vsel vm9, v8, v50;
	v52 =	vld.idx.msk [tilespmem:v5+s30+$0x0], $0xffff  }
0x206: {  	vm12 =	vmmov $0x1fff;
	v58, _, _ =	vpop (xrf0);
	v8 =	vsel vm10, v8, v51;
	v53 =	vmin.f32 v43, v46  }
0x207: {  	v60 =	vbroadcast v58, $0xF;
	v54 =	vmax.f32 v43, v46;
	v55 =	vmin.f32 v45, v53  }
0x208: {  	v11 =	vmax.f32 v45, v53;
	v56 =	vmin.f32 v54, v49;
	v9 =	vmax.f32 v54, v49  }
0x209: {  	v7 =	vmax.f32 v7, v55;
	v57 =	vmax.f32 v11, v56;
	v11 =	vmin.f32 v11, v56  }
0x20a: {  	v59 =	vmax.f32 v9, v52;
	v9 =	vmin.f32 v9, v52;
	v7 =	vmax.f32 v7, v11  }
0x20b: {  	v12 =	vmax.f32 v57, v9;
	v9 =	vmin.f32 v57, v9;
	v61 =	vbroadcast v59, $0x0  }
0x20c: {  	v8 =	vsel vm11, v8, v60;
	v7 =	vmax.f32 v7, v9;
	v62 =	vbroadcast v12, $0x0  }
0x20d: {  	vm13 =	vmmov $0x3fff;
	v8 =	vsel vm12, v8, v61;
	v7 =	vbroadcast v7, $0x0  }
0x20e: {  	vm14 =	vmmov $0x7fff;
	v8 =	vsel vm13, v8, v62  }
0x20f: {  	v7 =	vsel vm14, v8, v7  }
0x210: {  	[tilespmem:$0x18080] =	vst v7  }
0x211: {  	[hbm4b:s14+s4] =	stream.linear.scatter [tilespmem:s30], [sflag:$0x3], $0x10, $0x38;
	[tilespmem:$0x18980] =	vst v63  }
0x212: {  	_ =	swait.ge [sflag:s23], $0x10  }
0x213: {  	[sflag:s23] =	ssyncset.done $0x0  }
0x214: {  	[sflag:s23] =	ssyncadd.s32 $0xFFFFFFF0  }
0x215: {  	_ =	swait.ge [sflag:s31], $0x10  }
0x216: {  	[sflag:s31] =	ssyncset.done $0x0  }
0x217: {  	[sflag:s31] =	ssyncadd.s32 $0xFFFFFFF0  }
0x218: {  	_ =	swait.ge [sflag:s31], $0x200  }
0x219: {  	[sflag:s31] =	ssyncset.done $0x0  }
0x21a: {  	[sflag:s31] =	ssyncadd.s32 $0xFFFFFE00  }
0x21b: {  	_ =	swait.ge [sflag:s31], $0x200  }
0x21c: {  	[sflag:s31] =	ssyncset.done $0x0  }
0x21d: {  	v7 =	vmul.u32 $0x80, v0;
	[sflag:s31] =	ssyncadd.s32 $0xFFFFFE00  }
0x21e: {  	v6 =	vand.u32 $0x7F, v6;
	_ =	swait.ge [sflag:s31], $0x200  }
0x21f: {  	v6 =	vor.u32 v7, v6;
	[sflag:s31] =	ssyncset.done $0x0  }
0x220: {  	[sflag:s31] =	ssyncadd.s32 $0xFFFFFE00  }
0x221: {  	_ =	swait.ge [sflag:s31], $0x200  }
0x222: {  	[sflag:s31] =	ssyncset.done $0x0  }
0x223: {  	[sflag:s31] =	ssyncadd.s32 $0xFFFFFE00  }
0x224: {  	v6 =	vld.idx.msk [tilespmem:v6+s24+$0x0], $0xffff  }
0x225: {  	v7 =	vld [tilespmem:$0x18900];
	_ =	sdelay $0x4  }
0x226: {  	v6 =	vsub.f32 v6, v7;
	_ =	sdelay $0x1  }
0x227: {  	v7 =	vmul.f32 $5.000000000e-01, v6  }
0x228: {  	v63 =	vand.u32 $0x7FFFFFFF, v6  }
0x229: {  	v6 =	vmul.f32 v7, v6;
	v7 =	vadd.f32 $-5.000000000e-01, v63  }
0x22a: {  	s2 =	sadd.s32 $0x1, s2;
	vm15 =	vlt.f32 v63, $1.000000000e+00  }
0x22b: {  	p0 =	sne.s32 s2, s16;
	v6 =	vsel vm15, v6, v7  }
.Ltmp4:
0x22c: {  	[tilespmem:$0x18900] =	vst v6;
	(pc) =	sbr.rel @p0 .LBB2_1-.Ltmp4, $4  }
0x22d: {  	[hbm4b:s15+s4] =	stream.linear.scatter [tilespmem:s21], [sflag:$0x3], $0x10, $0x38;
	[tilespmem:$0x18980] =	vst v63  }
0x22e: {  	_ =	swait.ge [sflag:s23], $0x10  }
0x22f: {  	[sflag:s23] =	ssyncset.done $0x0  }
0x230: {  	[sflag:s23] =	ssyncadd.s32 $0xFFFFFFF0  }
0x231: {  	_ =	sfence.sel $0x180000  }
0x232: {  	[bflag:$0x0] =	sbarrier.arrive $0xFFFF  }
0x233: {  	_ =	strace $0x90000047  }
0x234: {  	s0 =	stileid.u32;
	[bflag:$0x2] =	sbarrier.arrive $0xFFFF  }
0x235: {  	p0 =	sne.s32 s0, $0x0;
	s0 =	rddreg [dreg:$0x4]  }
0x236: {  	s0 =	sadd.s32 @!p0 $0x100000, s0  }
0x237: {  	[sflag:s0] =	ssyncadd.tile.s32 @!p0 $0x1;
	_ =	shalt  }
.Lfunc_end2:
_tile_overlayer_lowered:
.L_overlay_start_2:
0x238: {  	(tag) =	ssettag $0x2  }
0x239: {  	s0 =	rddreg [dreg:$0x0];
	s2 =	stileid.u32  }
0x23a: {  	s1 =	rddreg [dreg:$0x1];
	p0 =	sne.s32 s2, $0x0  }
0x23b: {  	s3 =	rddreg [dreg:$0x2];
	[bflag:$0x3] =	sbarrier.arrive $0xFFFF;
	s2 =	simm.s32 @!p0 $0x1C03  }
0x23c: {  	[timem:s3], [sflag:s2] =	dma.local @!p0 [hbm:s0], s1  }
0x23d: {  	s0 =	simm.s32 @!p0 $0x3  }
0x23e: {  	_ =	swait.ge @!p0 [sflag:s0], s1  }
0x23f: {  	s1 =	ssub.s32 @!p0 $0x0, s1;
	[sflag:s0] =	ssyncset.done @!p0 $0x0  }
0x240: {  	[sflag:s0] =	ssyncadd.s32 @!p0 s1  }
0x241: {  	[bflag:$0x3] =	sbarrier.arrive $0xFFFF  }
0x242: {  	_ =	shalt  }

</sc_bundles>
